<compile_context>
chip_gen: v7x
topology: tpu7x:2x2x1
jax: 0.10.2.dev20260603
libtpu: 0.0.44.dev20260713+nightly
codegen_flags: <defaults>
</compile_context>

<pallas_src>
import dataclasses
import functools

import jax
import jax.numpy as jnp
from jax import lax
from jax.experimental import pallas as pl
from jax.experimental.pallas import tpu as pltpu
from jax.experimental.pallas import tpu_sc as plsc

N = 10000
E = 320000
D_IN = 128
D_EDGE = 16
C = 128

N_PAD = 10240
N_TILES = 32
EDGES_PER_TILE = 10240
CHUNKS = 128
CHUNK = 80
E_PAD = N_TILES * EDGES_PER_TILE

_F32 = jnp.float32


def _pre1_body(x_ref, w_ref, asv_ref, adv_ref, xl_ref, as_ref, ad_ref):
    xl = jnp.dot(x_ref[...], w_ref[...], preferred_element_type=_F32)
    xl_ref[...] = xl
    as_ref[...] = jnp.sum(xl * asv_ref[...], axis=1, keepdims=True)
    ad_ref[...] = jnp.sum(xl * adv_ref[...], axis=1, keepdims=True)


_P1_BLK = 2560


def _pre1(x_pad, w, att_src_row, att_dst_row):
    nb = N_PAD // _P1_BLK
    return pl.pallas_call(
        _pre1_body,
        grid=(nb,),
        in_specs=[
            pl.BlockSpec((_P1_BLK, D_IN), lambda i: (i, 0)),
            pl.BlockSpec((D_IN, C), lambda i: (0, 0)),
            pl.BlockSpec((1, C), lambda i: (0, 0)),
            pl.BlockSpec((1, C), lambda i: (0, 0)),
        ],
        out_specs=[
            pl.BlockSpec((_P1_BLK, C), lambda i: (i, 0)),
            pl.BlockSpec((_P1_BLK, 1), lambda i: (i, 0)),
            pl.BlockSpec((_P1_BLK, 1), lambda i: (i, 0)),
        ],
        out_shape=[
            jax.ShapeDtypeStruct((N_PAD, C), _F32),
            jax.ShapeDtypeStruct((N_PAD, 1), _F32),
            jax.ShapeDtypeStruct((N_PAD, 1), _F32),
        ],
    )(x_pad, w, att_src_row, att_dst_row)


_AE_BLK = 32000


def _pre2_body(ea_ref, we_ref, aev_ref, ae_ref):
    ve = jnp.sum(we_ref[...] * aev_ref[...], axis=1, keepdims=True)
    ae_ref[...] = jnp.sum(ea_ref[...] * ve, axis=0, keepdims=True)


def _pre2(ea_t, w_edge, att_edge_row):
    n = ea_t.shape[1]
    return pl.pallas_call(
        _pre2_body,
        grid=(n // _AE_BLK,),
        in_specs=[
            pl.BlockSpec((D_EDGE, _AE_BLK), lambda i: (0, i)),
            pl.BlockSpec((D_EDGE, C), lambda i: (0, 0)),
            pl.BlockSpec((1, C), lambda i: (0, 0)),
        ],
        out_specs=pl.BlockSpec((1, _AE_BLK), lambda i: (0, i)),
        out_shape=jax.ShapeDtypeStruct((1, n), _F32),
    )(ea_t, w_edge, att_edge_row)


def _sc_body(xl_hbm, asrc_hbm, adst_hbm, sd_hbm, ae_hbm,
             outp_hbm, denp_hbm, sp_hbm, cntp_hbm,
             out_acc, den_acc, s_acc, cnt_acc,
             sd,
             rows0, rows1, stb0, stb1, dtb0, dtb1,
             asv0, asv1, adv0, adv1, aec0, aec1,
             pc0, pc1, wmc0, wmc1, sac0, sac1, zb,
             g0, g1, sa0, sa1, sb0, sb1, se0, se1, q0, q1, r0, r1):
    cid = lax.axis_index("c")
    sid = lax.axis_index("s")
    wid = cid * 16 + sid
    base = sid * 640

    sets = (
        (rows0, stb0, dtb0, asv0, adv0, aec0, pc0, wmc0, sac0,
         g0, sa0, sb0, se0, q0, r0),
        (rows1, stb1, dtb1, asv1, adv1, aec1, pc1, wmc1, sac1,
         g1, sa1, sb1, se1, q1, r1),
    )

    mask14 = jnp.full((16,), 0x3FFF, jnp.int32)
    sh14 = jnp.full((16,), 14, jnp.int32)

    def unpack(jj, S):
        stb, dtb = S[1], S[2]
        for k in range(CHUNK // 16):
            sl = pl.ds(k * 16, 16)
            pk = sd[jj, sl]
            stb[sl] = pk & mask14
            dtb[sl] = lax.shift_right_logical(pk, sh14)

    def gfire(jj, S):
        rows, stb, dtb, asv, adv, aec = S[:6]
        g, sa, sb, se = S[9:13]
        off = wid * EDGES_PER_TILE + jj * CHUNK
        pltpu.async_copy(xl_hbm.at[stb], rows, g)
        pltpu.async_copy(asrc_hbm.at[stb], asv, sa)
        pltpu.async_copy(adst_hbm.at[dtb], adv, sb)
        pltpu.async_copy(ae_hbm.at[pl.ds(off, CHUNK)], aec, se)

    def wait_scalars(jj, S):
        rows, stb, dtb, asv, adv, aec = S[:6]
        g, sa, sb, se = S[9:13]
        off = wid * EDGES_PER_TILE + jj * CHUNK
        pltpu.make_async_copy(asrc_hbm.at[stb], asv, sa).wait()
        pltpu.make_async_copy(adst_hbm.at[dtb], adv, sb).wait()
        pltpu.make_async_copy(ae_hbm.at[pl.ds(off, CHUNK)], aec, se).wait()

    def wait_rows(jj, S):
        pltpu.make_async_copy(xl_hbm.at[S[1]], S[0], S[9]).wait()

    def fire_q(jj, S):
        dtb, pc, wmc, sac, q = S[2], S[6], S[7], S[8], S[13]
        pltpu.make_async_copy(pc, den_acc.at[dtb], q).start(add=True)
        pltpu.make_async_copy(wmc, cnt_acc.at[dtb], q).start(add=True)
        pltpu.make_async_copy(sac, s_acc.at[dtb], q).start(add=True)

    def wait_q(jj, S):
        dtb, pc, wmc, sac, q = S[2], S[6], S[7], S[8], S[13]
        pltpu.make_async_copy(pc, den_acc.at[dtb], q).wait()
        pltpu.make_async_copy(wmc, cnt_acc.at[dtb], q).wait()
        pltpu.make_async_copy(sac, s_acc.at[dtb], q).wait()

    def fire_r(jj, S):
        pltpu.make_async_copy(S[0], out_acc.at[S[2]], S[14]).start(add=True)

    def wait_r(jj, S):
        pltpu.make_async_copy(S[0], out_acc.at[S[2]], S[14]).wait()

    pltpu.sync_copy(sd_hbm.at[wid], sd)

    z16 = jnp.zeros((16,), _F32)

    @pl.loop(0, 40)
    def _zero_zb(i):
        zb[pl.ds(i * 16, 16)] = z16

    @pl.loop(0, CHUNK)
    def _zero_rows(r):
        for k in range(8):
            rows0[r, pl.ds(k * 16, 16)] = z16

    pltpu.sync_copy(zb, den_acc.at[pl.ds(base, 640)])
    pltpu.sync_copy(zb, s_acc.at[pl.ds(base, 640)])
    pltpu.sync_copy(zb, cnt_acc.at[pl.ds(base, 640)])

    @pl.loop(0, 640 // CHUNK)
    def _zero_out(i):
        pltpu.sync_copy(rows0, out_acc.at[pl.ds(base + i * CHUNK, CHUNK), :])

    plsc.subcore_barrier()

    neg = jnp.full((16,), -1e9, _F32)
    zero = jnp.zeros((16,), _F32)
    one = jnp.ones((16,), _F32)

    unpack(0, sets[0])
    gfire(0, sets[0])

    @pl.loop(0, CHUNKS, step=2)
    def _edges(j):
        for b in (0, 1):
            jj = j + b
            S = sets[b]
            T = sets[1 - b]
            nxt = jj + 1

            @pl.when(jnp.logical_and(nxt < CHUNKS, jj >= 1))
            def _wrq():
                wait_r(jj - 1, T)
                wait_q(jj - 1, T)

            @pl.when(nxt < CHUNKS)
            def _gf():
                unpack(nxt, T)
                gfire(nxt, T)

            wait_scalars(jj, S)

            rows, stb, dtb, asv_b, adv_b, aec, pc, wmc, sac = S[:9]
            for k in range(CHUNK // 16):
                sl = pl.ds(k * 16, 16)
                s16 = stb[sl]
                d16 = dtb[sl]
                ae16 = aec[sl]
                t = asv_b[sl] + adv_b[sl] + ae16
                nl = s16 != d16
                alpha = jnp.where(nl, t, neg)
                alpha = jnp.where(alpha > 0.0, alpha, alpha * 0.2)
                p = jnp.exp(alpha)
                w = jnp.where(nl, one, zero)
                pc[sl] = p
                wmc[sl] = w
                sac[sl] = ae16 * w

            fire_q(jj, S)

            wait_rows(jj, S)

            @pl.loop(0, CHUNK, step=2)
            def _scale(rr):
                for u in range(2):
                    r2 = rr + u
                    ridx = jnp.full((16,), 0, jnp.int32) + r2
                    pv = plsc.load_gather(pc, [ridx])
                    for k in range(8):
                        sl2 = pl.ds(k * 16, 16)
                        rows[r2, sl2] = rows[r2, sl2] * pv

            fire_r(jj, S)

    wait_r(CHUNKS - 1, sets[1])
    wait_q(CHUNKS - 1, sets[1])

    plsc.subcore_barrier()

    pltpu.sync_copy(den_acc.at[pl.ds(base, 640)],
                    denp_hbm.at[cid, pl.ds(base, 640)])
    pltpu.sync_copy(s_acc.at[pl.ds(base, 640)],
                    sp_hbm.at[cid, pl.ds(base, 640)])
    pltpu.sync_copy(cnt_acc.at[pl.ds(base, 640)],
                    cntp_hbm.at[cid, pl.ds(base, 640)])

    @pl.loop(0, 640 // CHUNK)
    def _pub(i):
        pltpu.sync_copy(out_acc.at[pl.ds(base + i * CHUNK, CHUNK), :],
                        outp_hbm.at[cid, pl.ds(base + i * CHUNK, CHUNK), :])


def _sc_main(xl, a_src, a_dst, sd3, ae3):
    mesh = plsc.VectorSubcoreMesh(core_axis_name="c", subcore_axis_name="s")
    cp = pltpu.CompilerParams()
    if "needs_layout_passes" in pltpu.CompilerParams.__dataclass_fields__:
        cp = dataclasses.replace(cp, needs_layout_passes=False)
    kfn = pl.kernel(
        _sc_body,
        mesh=mesh,
        compiler_params=cp,
        out_type=[
            jax.ShapeDtypeStruct((2, N_PAD, C), _F32),
            jax.ShapeDtypeStruct((2, N_PAD), _F32),
            jax.ShapeDtypeStruct((2, N_PAD), _F32),
            jax.ShapeDtypeStruct((2, N_PAD), _F32),
        ],
        scratch_types=[
            pltpu.VMEM_SHARED((N_PAD, C), _F32),
            pltpu.VMEM_SHARED((N_PAD,), _F32),
            pltpu.VMEM_SHARED((N_PAD,), _F32),
            pltpu.VMEM_SHARED((N_PAD,), _F32),
            pltpu.VMEM((CHUNKS, CHUNK), jnp.int32),
            pltpu.VMEM((CHUNK, C), _F32),
            pltpu.VMEM((CHUNK, C), _F32),
            pltpu.VMEM((CHUNK,), jnp.int32),
            pltpu.VMEM((CHUNK,), jnp.int32),
            pltpu.VMEM((CHUNK,), jnp.int32),
            pltpu.VMEM((CHUNK,), jnp.int32),
            pltpu.VMEM((CHUNK,), _F32),
            pltpu.VMEM((CHUNK,), _F32),
            pltpu.VMEM((CHUNK,), _F32),
            pltpu.VMEM((CHUNK,), _F32),
            pltpu.VMEM((CHUNK,), _F32),
            pltpu.VMEM((CHUNK,), _F32),
            pltpu.VMEM((CHUNK,), _F32),
            pltpu.VMEM((CHUNK,), _F32),
            pltpu.VMEM((CHUNK,), _F32),
            pltpu.VMEM((CHUNK,), _F32),
            pltpu.VMEM((CHUNK,), _F32),
            pltpu.VMEM((CHUNK,), _F32),
            pltpu.VMEM((640,), _F32),
            pltpu.SemaphoreType.DMA,
            pltpu.SemaphoreType.DMA,
            pltpu.SemaphoreType.DMA,
            pltpu.SemaphoreType.DMA,
            pltpu.SemaphoreType.DMA,
            pltpu.SemaphoreType.DMA,
            pltpu.SemaphoreType.DMA,
            pltpu.SemaphoreType.DMA,
            pltpu.SemaphoreType.DMA,
            pltpu.SemaphoreType.DMA,
            pltpu.SemaphoreType.DMA,
            pltpu.SemaphoreType.DMA,
        ],
    )
    return kfn(xl, a_src, a_dst, sd3, ae3)


def _epi_body(outp_ref, denp_ref, sp_ref, cntp_ref, as_ref, ad_ref,
              xl_ref, b_ref, o_ref):
    den = (denp_ref[0] + denp_ref[1]).reshape(_EPI_BLK, 1)
    s = (sp_ref[0] + sp_ref[1]).reshape(_EPI_BLK, 1)
    cnt = (cntp_ref[0] + cntp_ref[1]).reshape(_EPI_BLK, 1)
    a_loop = s / jnp.maximum(cnt, 1.0)
    al = as_ref[...] + ad_ref[...] + a_loop
    al = jnp.where(al > 0.0, al, 0.2 * al)
    p_l = jnp.exp(al)
    outu = outp_ref[0] + outp_ref[1]
    o_ref[...] = (outu + p_l * xl_ref[...]) / (den + p_l + 1e-16) + b_ref[...]


_EPI_BLK = 1024


def _epilogue(outp, denp, sp, cntp, a_src, a_dst, xl, bias_row):
    nb = N_PAD // _EPI_BLK
    return pl.pallas_call(
        _epi_body,
        grid=(nb,),
        in_specs=[
            pl.BlockSpec((2, _EPI_BLK, C), lambda i: (0, i, 0)),
            pl.BlockSpec((2, _EPI_BLK), lambda i: (0, i)),
            pl.BlockSpec((2, _EPI_BLK), lambda i: (0, i)),
            pl.BlockSpec((2, _EPI_BLK), lambda i: (0, i)),
            pl.BlockSpec((_EPI_BLK, 1), lambda i: (i, 0)),
            pl.BlockSpec((_EPI_BLK, 1), lambda i: (i, 0)),
            pl.BlockSpec((_EPI_BLK, C), lambda i: (i, 0)),
            pl.BlockSpec((1, C), lambda i: (0, 0)),
        ],
        out_specs=pl.BlockSpec((_EPI_BLK, C), lambda i: (i, 0)),
        out_shape=jax.ShapeDtypeStruct((N_PAD, C), _F32),
    )(outp, denp, sp, cntp, a_src, a_dst, xl, bias_row)


def kernel(x, edge_index, edge_attr, W, att_src, att_dst, W_edge, att_edge,
           bias):
    x_pad = jnp.zeros((N_PAD, D_IN), _F32).at[:N].set(x)
    src = edge_index[0]
    dst = edge_index[1]
    pad = E_PAD - E
    pad_idx = jnp.arange(pad, dtype=jnp.int32) % N
    src_p = jnp.concatenate([src, pad_idx])
    dst_p = jnp.concatenate([dst, pad_idx])

    att_src_row = att_src.reshape(1, C)
    att_dst_row = att_dst.reshape(1, C)
    att_edge_row = att_edge.reshape(1, C)

    xl, a_src2, a_dst2 = _pre1(x_pad, W, att_src_row, att_dst_row)
    ae_row = _pre2(edge_attr.T, W_edge, att_edge_row)
    ae_flat = jnp.concatenate([ae_row.reshape(E), jnp.zeros((pad,), _F32)])

    sd3 = (src_p | (dst_p << 14)).reshape(N_TILES, CHUNKS, CHUNK)

    outp, denp, sp, cntp = _sc_main(
        xl, a_src2.reshape(N_PAD), a_dst2.reshape(N_PAD), sd3, ae_flat)

    out = _epilogue(outp, denp, sp, cntp,
                    a_src2, a_dst2, xl, bias.reshape(1, C))
    return out[:N]

# --- scband reference (transcript-rebuilt; emitter-appended) ---
"""Pipeline reference for scband-gatwith-edge-features-8409545966423 (READ-ONLY COPY).

The authoritative reference and input builder live on the scoring server;
editing this copy changes nothing except your own understanding.
"""

import jax, jax.numpy as jnp
import numpy as np

N = 10000
E = 320000
D_IN = 128
D_EDGE = 16
H = 1
C = 128


def setup_inputs(seed: int = 0) -> dict:
    key = jax.random.key(seed)
    ks = jax.random.split(key, 10)
    x = jax.random.normal(ks[0], (N, D_IN), dtype=jnp.float32)
    edge_index = jax.random.randint(ks[1], (2, E), 0, N, dtype=jnp.int32)
    edge_attr = jax.random.normal(ks[2], (E, D_EDGE), dtype=jnp.float32)
    W = jax.random.normal(ks[3], (D_IN, H * C), dtype=jnp.float32) * 0.1
    att_src = jax.random.normal(ks[4], (H, C), dtype=jnp.float32) * 0.1
    att_dst = jax.random.normal(ks[5], (H, C), dtype=jnp.float32) * 0.1
    W_edge = jax.random.normal(ks[6], (D_EDGE, H * C), dtype=jnp.float32) * 0.1
    att_edge = jax.random.normal(ks[7], (H, C), dtype=jnp.float32) * 0.1
    bias = jnp.zeros((H * C,), dtype=jnp.float32)
    return {"x": x, "edge_index": edge_index, "edge_attr": edge_attr, "W": W,
            "att_src": att_src, "att_dst": att_dst, "W_edge": W_edge,
            "att_edge": att_edge, "bias": bias}


def reference(x, edge_index, edge_attr, W, att_src, att_dst, W_edge, att_edge, bias):
    n = x.shape[0]
    src = edge_index[0]
    dst = edge_index[1]
    not_loop = (src != dst)
    wmask = not_loop.astype(x.dtype)
    # fill_value='mean': self-loop edge_attr = mean of incoming (non-self-loop) edge attrs
    sums = jnp.zeros((n, edge_attr.shape[1]), x.dtype).at[dst].add(edge_attr * wmask[:, None])
    cnt = jnp.zeros((n,), x.dtype).at[dst].add(wmask)
    loop_attr = sums / jnp.maximum(cnt, 1.0)[:, None]

    x_l = (x @ W).reshape(n, H, C)
    a_src = (x_l * att_src.reshape(1, H, C)).sum(-1)  # [N,H]
    a_dst = (x_l * att_dst.reshape(1, H, C)).sum(-1)  # [N,H]

    e_l = (edge_attr @ W_edge).reshape(-1, H, C)
    a_edge = (e_l * att_edge.reshape(1, H, C)).sum(-1)  # [E,H]
    loop_e = (loop_attr @ W_edge).reshape(n, H, C)
    a_loop = (loop_e * att_edge.reshape(1, H, C)).sum(-1)  # [N,H]

    alpha_e = a_src[src] + a_dst[dst] + a_edge
    # remove_self_loops: mask out pre-existing self loops (static-shape equivalent)
    alpha_e = jnp.where(not_loop[:, None], alpha_e, -1e9)
    alpha_l = a_src + a_dst + a_loop  # added self loops

    alpha = jnp.concatenate([alpha_e, alpha_l], axis=0)
    seg = jnp.concatenate([dst, jnp.arange(n, dtype=dst.dtype)], axis=0)
    s_idx = jnp.concatenate([src, jnp.arange(n, dtype=src.dtype)], axis=0)

    alpha = jax.nn.leaky_relu(alpha, 0.2)
    m = jnp.full((n, H), -1e30, x.dtype).at[seg].max(alpha)
    ex = jnp.exp(alpha - m[seg])
    den = jnp.zeros((n, H), x.dtype).at[seg].add(ex)
    att = ex / (den[seg] + 1e-16)

    msg = x_l[s_idx] * att[:, :, None]
    out = jnp.zeros((n, H, C), x.dtype).at[seg].add(msg)
    return out.reshape(n, H * C) + bias


if False:  # reference __main__ guard neutralized (emitter)
    out = reference(**setup_inputs())
    print(out.shape)

if __name__ == "__main__":
    import jax
    _d = setup_inputs()
    print(jax.jit(kernel)(*tuple(_d.values())))

</pallas_src>

<mosaic_0001>
#map = affine_map<(d0, d1) -> (0, 0)>
#map1 = affine_map<(d0, d1) -> (0)>
#map2 = affine_map<(d0, d1) -> (0, 0, 0)>
module attributes {stable_mosaic.version = 14 : i64} {
  func.func @_sc_body(%arg0: i32, %arg1: i32, %arg2: memref<10240x128xf32, #tpu.memory_space<hbm>>, %arg3: memref<10240xf32, #tpu.memory_space<hbm>>, %arg4: memref<10240xf32, #tpu.memory_space<hbm>>, %arg5: memref<32x128x80xi32, #tpu.memory_space<hbm>>, %arg6: memref<327680xf32, #tpu.memory_space<hbm>>, %arg7: memref<2x10240x128xf32, #tpu.memory_space<hbm>>, %arg8: memref<2x10240xf32, #tpu.memory_space<hbm>>, %arg9: memref<2x10240xf32, #tpu.memory_space<hbm>>, %arg10: memref<2x10240xf32, #tpu.memory_space<hbm>>, %arg11: memref<10240x128xf32, #tpu.memory_space<vmem_shared>>, %arg12: memref<10240xf32, #tpu.memory_space<vmem_shared>>, %arg13: memref<10240xf32, #tpu.memory_space<vmem_shared>>, %arg14: memref<10240xf32, #tpu.memory_space<vmem_shared>>, %arg15: memref<128x80xi32, #tpu.memory_space<vmem>>, %arg16: memref<80x128xf32, #tpu.memory_space<vmem>>, %arg17: memref<80x128xf32, #tpu.memory_space<vmem>>, %arg18: memref<80xi32, #tpu.memory_space<vmem>>, %arg19: memref<80xi32, #tpu.memory_space<vmem>>, %arg20: memref<80xi32, #tpu.memory_space<vmem>>, %arg21: memref<80xi32, #tpu.memory_space<vmem>>, %arg22: memref<80xf32, #tpu.memory_space<vmem>>, %arg23: memref<80xf32, #tpu.memory_space<vmem>>, %arg24: memref<80xf32, #tpu.memory_space<vmem>>, %arg25: memref<80xf32, #tpu.memory_space<vmem>>, %arg26: memref<80xf32, #tpu.memory_space<vmem>>, %arg27: memref<80xf32, #tpu.memory_space<vmem>>, %arg28: memref<80xf32, #tpu.memory_space<vmem>>, %arg29: memref<80xf32, #tpu.memory_space<vmem>>, %arg30: memref<80xf32, #tpu.memory_space<vmem>>, %arg31: memref<80xf32, #tpu.memory_space<vmem>>, %arg32: memref<80xf32, #tpu.memory_space<vmem>>, %arg33: memref<80xf32, #tpu.memory_space<vmem>>, %arg34: memref<640xf32, #tpu.memory_space<vmem>>, %arg35: memref<!tpu.dma_semaphore, #tpu.memory_space<semaphore_mem>>, %arg36: memref<!tpu.dma_semaphore, #tpu.memory_space<semaphore_mem>>, %arg37: memref<!tpu.dma_semaphore, #tpu.memory_space<semaphore_mem>>, %arg38: memref<!tpu.dma_semaphore, #tpu.memory_space<semaphore_mem>>, %arg39: memref<!tpu.dma_semaphore, #tpu.memory_space<semaphore_mem>>, %arg40: memref<!tpu.dma_semaphore, #tpu.memory_space<semaphore_mem>>, %arg41: memref<!tpu.dma_semaphore, #tpu.memory_space<semaphore_mem>>, %arg42: memref<!tpu.dma_semaphore, #tpu.memory_space<semaphore_mem>>, %arg43: memref<!tpu.dma_semaphore, #tpu.memory_space<semaphore_mem>>, %arg44: memref<!tpu.dma_semaphore, #tpu.memory_space<semaphore_mem>>, %arg45: memref<!tpu.dma_semaphore, #tpu.memory_space<semaphore_mem>>, %arg46: memref<!tpu.dma_semaphore, #tpu.memory_space<semaphore_mem>>) attributes {dimension_semantics = [#tpu.dimension_semantics<core_parallel>, #tpu.dimension_semantics<subcore_parallel>], iteration_bounds = array<i64: 2, 16>, scalar_prefetch = 0 : i64, scratch_operands = 36 : i64, tpu.core_type = #tpu.core_type<sc_vector_subcore>, window_params = [{transform_indices = #map}, {transform_indices = #map1}, {transform_indices = #map1}, {transform_indices = #map2}, {transform_indices = #map1}, {transform_indices = #map2}, {transform_indices = #map}, {transform_indices = #map}, {transform_indices = #map}]} {
    %mul3A = arith.constant 16 : i32
    %mul3A_0 = arith.muli %arg0, %mul3A : i32
    %add3A = arith.addi %mul3A_0, %arg1 : i32
    %mul3A_1 = arith.constant 640 : i32
    %mul3A_2 = arith.muli %arg1, %mul3A_1 : i32
    %broadcast_in_dim3A = arith.constant 16383 : i32
    %broadcast_in_dim3A_3 = vector.broadcast %broadcast_in_dim3A : i32 to vector<16xi32>
    %broadcast_in_dim3A_4 = arith.constant 14 : i32
    %broadcast_in_dim3A_5 = vector.broadcast %broadcast_in_dim3A_4 : i32 to vector<16xi32>
    "tpu.region"() ({
      %run_scoped3A = tpu.sem_alloc : memref<!tpu.dma_semaphore, #tpu.memory_space<semaphore_mem>>
      %dma_start3A_105 = arith.constant 0 : i32
      %dma_start3A_106 = arith.constant 0 : i32
      %dma_start3A_107 = tpu.memref_slice %arg5[%add3A, %dma_start3A_105, %dma_start3A_106] : memref<32x128x80xi32, #tpu.memory_space<hbm>> -> memref<1x128x80xi32, #tpu.memory_space<hbm>>
      %dma_start3A_108 = tpu.memref_squeeze %dma_start3A_107 : memref<1x128x80xi32, #tpu.memory_space<hbm>> -> memref<128x80xi32, #tpu.memory_space<hbm>>
      %dma_start3A_109 = arith.constant 0 : i32
      %dma_start3A_110 = arith.constant 0 : i32
      %dma_start3A_111 = tpu.memref_slice %arg5[%add3A, %dma_start3A_109, %dma_start3A_110] : memref<32x128x80xi32, #tpu.memory_space<hbm>> -> memref<1x128x80xi32, #tpu.memory_space<hbm>>
      %dma_start3A_112 = tpu.memref_squeeze %dma_start3A_111 : memref<1x128x80xi32, #tpu.memory_space<hbm>> -> memref<128x80xi32, #tpu.memory_space<hbm>>
      tpu.enqueue_dma source(%dma_start3A_112 : memref<128x80xi32, #tpu.memory_space<hbm>>) target(%arg15 : memref<128x80xi32, #tpu.memory_space<vmem>>) target_semaphore(%run_scoped3A : memref<!tpu.dma_semaphore, #tpu.memory_space<semaphore_mem>>)
      %dma_wait3A_113 = arith.constant 0 : i32
      %dma_wait3A_114 = arith.constant 0 : i32
      %dma_wait3A_115 = tpu.memref_slice %arg5[%add3A, %dma_wait3A_113, %dma_wait3A_114] : memref<32x128x80xi32, #tpu.memory_space<hbm>> -> memref<1x128x80xi32, #tpu.memory_space<hbm>>
      %dma_wait3A_116 = tpu.memref_squeeze %dma_wait3A_115 : memref<1x128x80xi32, #tpu.memory_space<hbm>> -> memref<128x80xi32, #tpu.memory_space<hbm>>
      %dma_wait3A_117 = arith.constant 0 : i32
      %dma_wait3A_118 = arith.constant 0 : i32
      %dma_wait3A_119 = tpu.memref_slice %arg5[%add3A, %dma_wait3A_117, %dma_wait3A_118] : memref<32x128x80xi32, #tpu.memory_space<hbm>> -> memref<1x128x80xi32, #tpu.memory_space<hbm>>
      %dma_wait3A_120 = tpu.memref_squeeze %dma_wait3A_119 : memref<1x128x80xi32, #tpu.memory_space<hbm>> -> memref<128x80xi32, #tpu.memory_space<hbm>>
      tpu.wait_dma2 semaphore(%run_scoped3A : memref<!tpu.dma_semaphore, #tpu.memory_space<semaphore_mem>>) src(%dma_wait3A_120 : memref<128x80xi32, #tpu.memory_space<hbm>>) dst(%arg15 : memref<128x80xi32, #tpu.memory_space<vmem>>)
      tpu.yield
    }) : () -> ()
    %broadcast_in_dim3A_6 = arith.constant 0.000000e+00 : f32
    %broadcast_in_dim3A_7 = vector.broadcast %broadcast_in_dim3A_6 : f32 to vector<16xf32>
    %scan3A = arith.constant 0 : i32
    %scan3A_8 = arith.constant 40 : i32
    %scan3A_9 = arith.addi %scan3A, %scan3A_8 : i32
    %scan3A_10 = arith.constant 1 : i32
    scf.for %scan3A_105 = %scan3A to %scan3A_9 step %scan3A_10  : i32 {
      %mul3A_106 = arith.constant 1 : i32
      %mul3A_107 = arith.muli %scan3A_105, %mul3A_106 : i32
      %add3A_108 = arith.constant 0 : i32
      %add3A_109 = arith.addi %add3A_108, %mul3A_107 : i32
      %mul3A_110 = arith.constant 16 : i32
      %mul3A_111 = arith.muli %add3A_109, %mul3A_110 : i32
      %swap3A_112 = arith.index_cast %mul3A_111 : i32 to index
      %swap3A_113 = tpu.vector_load %arg34[%swap3A_112] {strides = array<i32>} : memref<640xf32, #tpu.memory_space<vmem>>, vector<16xf32>,
      tpu.vector_store %arg34[%swap3A_112], %broadcast_in_dim3A_7 {strides = array<i32>} : memref<640xf32, #tpu.memory_space<vmem>>, vector<16xf32>,
    }
    %scan3A_11 = arith.constant 40 : i32
    %scan3A_12 = arith.constant 0 : i32
    %scan3A_13 = arith.constant 80 : i32
    %scan3A_14 = arith.addi %scan3A_12, %scan3A_13 : i32
    %scan3A_15 = arith.constant 1 : i32
    scf.for %scan3A_105 = %scan3A_12 to %scan3A_14 step %scan3A_15  : i32 {
      %mul3A_106 = arith.constant 1 : i32
      %mul3A_107 = arith.muli %scan3A_105, %mul3A_106 : i32
      %add3A_108 = arith.constant 0 : i32
      %add3A_109 = arith.addi %add3A_108, %mul3A_107 : i32
      %swap3A_110 = arith.index_cast %add3A_109 : i32 to index
      %swap3A_111 = arith.constant 0 : index
      %swap3A_112 = tpu.vector_load %arg16[%swap3A_110, %swap3A_111] {strides = array<i32>} : memref<80x128xf32, #tpu.memory_space<vmem>>, vector<16xf32>,
      tpu.vector_store %arg16[%swap3A_110, %swap3A_111], %broadcast_in_dim3A_7 {strides = array<i32>} : memref<80x128xf32, #tpu.memory_space<vmem>>, vector<16xf32>,
      %swap3A_113 = arith.index_cast %add3A_109 : i32 to index
      %swap3A_114 = arith.constant 16 : index
      %swap3A_115 = tpu.vector_load %arg16[%swap3A_113, %swap3A_114] {strides = array<i32>} : memref<80x128xf32, #tpu.memory_space<vmem>>, vector<16xf32>,
      tpu.vector_store %arg16[%swap3A_113, %swap3A_114], %broadcast_in_dim3A_7 {strides = array<i32>} : memref<80x128xf32, #tpu.memory_space<vmem>>, vector<16xf32>,
      %swap3A_116 = arith.index_cast %add3A_109 : i32 to index
      %swap3A_117 = arith.constant 32 : index
      %swap3A_118 = tpu.vector_load %arg16[%swap3A_116, %swap3A_117] {strides = array<i32>} : memref<80x128xf32, #tpu.memory_space<vmem>>, vector<16xf32>,
      tpu.vector_store %arg16[%swap3A_116, %swap3A_117], %broadcast_in_dim3A_7 {strides = array<i32>} : memref<80x128xf32, #tpu.memory_space<vmem>>, vector<16xf32>,
      %swap3A_119 = arith.index_cast %add3A_109 : i32 to index
      %swap3A_120 = arith.constant 48 : index
      %swap3A_121 = tpu.vector_load %arg16[%swap3A_119, %swap3A_120] {strides = array<i32>} : memref<80x128xf32, #tpu.memory_space<vmem>>, vector<16xf32>,
      tpu.vector_store %arg16[%swap3A_119, %swap3A_120], %broadcast_in_dim3A_7 {strides = array<i32>} : memref<80x128xf32, #tpu.memory_space<vmem>>, vector<16xf32>,
      %swap3A_122 = arith.index_cast %add3A_109 : i32 to index
      %swap3A_123 = arith.constant 64 : index
      %swap3A_124 = tpu.vector_load %arg16[%swap3A_122, %swap3A_123] {strides = array<i32>} : memref<80x128xf32, #tpu.memory_space<vmem>>, vector<16xf32>,
      tpu.vector_store %arg16[%swap3A_122, %swap3A_123], %broadcast_in_dim3A_7 {strides = array<i32>} : memref<80x128xf32, #tpu.memory_space<vmem>>, vector<16xf32>,
      %swap3A_125 = arith.index_cast %add3A_109 : i32 to index
      %swap3A_126 = arith.constant 80 : index
      %swap3A_127 = tpu.vector_load %arg16[%swap3A_125, %swap3A_126] {strides = array<i32>} : memref<80x128xf32, #tpu.memory_space<vmem>>, vector<16xf32>,
      tpu.vector_store %arg16[%swap3A_125, %swap3A_126], %broadcast_in_dim3A_7 {strides = array<i32>} : memref<80x128xf32, #tpu.memory_space<vmem>>, vector<16xf32>,
      %swap3A_128 = arith.index_cast %add3A_109 : i32 to index
      %swap3A_129 = arith.constant 96 : index
      %swap3A_130 = tpu.vector_load %arg16[%swap3A_128, %swap3A_129] {strides = array<i32>} : memref<80x128xf32, #tpu.memory_space<vmem>>, vector<16xf32>,
      tpu.vector_store %arg16[%swap3A_128, %swap3A_129], %broadcast_in_dim3A_7 {strides = array<i32>} : memref<80x128xf32, #tpu.memory_space<vmem>>, vector<16xf32>,
      %swap3A_131 = arith.index_cast %add3A_109 : i32 to index
      %swap3A_132 = arith.constant 112 : index
      %swap3A_133 = tpu.vector_load %arg16[%swap3A_131, %swap3A_132] {strides = array<i32>} : memref<80x128xf32, #tpu.memory_space<vmem>>, vector<16xf32>,
      tpu.vector_store %arg16[%swap3A_131, %swap3A_132], %broadcast_in_dim3A_7 {strides = array<i32>} : memref<80x128xf32, #tpu.memory_space<vmem>>, vector<16xf32>,
    }
    %scan3A_16 = arith.constant 80 : i32
    "tpu.region"() ({
      %run_scoped3A = tpu.sem_alloc : memref<!tpu.dma_semaphore, #tpu.memory_space<semaphore_mem>>
      %dma_start3A_105 = tpu.memref_slice %arg12[%mul3A_2] : memref<10240xf32, #tpu.memory_space<vmem_shared>> -> memref<640xf32, #tpu.memory_space<vmem_shared>>
      %dma_start3A_106 = tpu.memref_slice %arg12[%mul3A_2] : memref<10240xf32, #tpu.memory_space<vmem_shared>> -> memref<640xf32, #tpu.memory_space<vmem_shared>>
      tpu.enqueue_dma source(%arg34 : memref<640xf32, #tpu.memory_space<vmem>>) target(%dma_start3A_106 : memref<640xf32, #tpu.memory_space<vmem_shared>>) target_semaphore(%run_scoped3A : memref<!tpu.dma_semaphore, #tpu.memory_space<semaphore_mem>>)
      %dma_wait3A_107 = tpu.memref_slice %arg12[%mul3A_2] : memref<10240xf32, #tpu.memory_space<vmem_shared>> -> memref<640xf32, #tpu.memory_space<vmem_shared>>
      %dma_wait3A_108 = tpu.memref_slice %arg12[%mul3A_2] : memref<10240xf32, #tpu.memory_space<vmem_shared>> -> memref<640xf32, #tpu.memory_space<vmem_shared>>
      tpu.wait_dma2 semaphore(%run_scoped3A : memref<!tpu.dma_semaphore, #tpu.memory_space<semaphore_mem>>) src(%arg34 : memref<640xf32, #tpu.memory_space<vmem>>) dst(%dma_wait3A_108 : memref<640xf32, #tpu.memory_space<vmem_shared>>)
      tpu.yield
    }) : () -> ()
    "tpu.region"() ({
      %run_scoped3A = tpu.sem_alloc : memref<!tpu.dma_semaphore, #tpu.memory_space<semaphore_mem>>
      %dma_start3A_105 = tpu.memref_slice %arg13[%mul3A_2] : memref<10240xf32, #tpu.memory_space<vmem_shared>> -> memref<640xf32, #tpu.memory_space<vmem_shared>>
      %dma_start3A_106 = tpu.memref_slice %arg13[%mul3A_2] : memref<10240xf32, #tpu.memory_space<vmem_shared>> -> memref<640xf32, #tpu.memory_space<vmem_shared>>
      tpu.enqueue_dma source(%arg34 : memref<640xf32, #tpu.memory_space<vmem>>) target(%dma_start3A_106 : memref<640xf32, #tpu.memory_space<vmem_shared>>) target_semaphore(%run_scoped3A : memref<!tpu.dma_semaphore, #tpu.memory_space<semaphore_mem>>)
      %dma_wait3A_107 = tpu.memref_slice %arg13[%mul3A_2] : memref<10240xf32, #tpu.memory_space<vmem_shared>> -> memref<640xf32, #tpu.memory_space<vmem_shared>>
      %dma_wait3A_108 = tpu.memref_slice %arg13[%mul3A_2] : memref<10240xf32, #tpu.memory_space<vmem_shared>> -> memref<640xf32, #tpu.memory_space<vmem_shared>>
      tpu.wait_dma2 semaphore(%run_scoped3A : memref<!tpu.dma_semaphore, #tpu.memory_space<semaphore_mem>>) src(%arg34 : memref<640xf32, #tpu.memory_space<vmem>>) dst(%dma_wait3A_108 : memref<640xf32, #tpu.memory_space<vmem_shared>>)
      tpu.yield
    }) : () -> ()
    "tpu.region"() ({
      %run_scoped3A = tpu.sem_alloc : memref<!tpu.dma_semaphore, #tpu.memory_space<semaphore_mem>>
      %dma_start3A_105 = tpu.memref_slice %arg14[%mul3A_2] : memref<10240xf32, #tpu.memory_space<vmem_shared>> -> memref<640xf32, #tpu.memory_space<vmem_shared>>
      %dma_start3A_106 = tpu.memref_slice %arg14[%mul3A_2] : memref<10240xf32, #tpu.memory_space<vmem_shared>> -> memref<640xf32, #tpu.memory_space<vmem_shared>>
      tpu.enqueue_dma source(%arg34 : memref<640xf32, #tpu.memory_space<vmem>>) target(%dma_start3A_106 : memref<640xf32, #tpu.memory_space<vmem_shared>>) target_semaphore(%run_scoped3A : memref<!tpu.dma_semaphore, #tpu.memory_space<semaphore_mem>>)
      %dma_wait3A_107 = tpu.memref_slice %arg14[%mul3A_2] : memref<10240xf32, #tpu.memory_space<vmem_shared>> -> memref<640xf32, #tpu.memory_space<vmem_shared>>
      %dma_wait3A_108 = tpu.memref_slice %arg14[%mul3A_2] : memref<10240xf32, #tpu.memory_space<vmem_shared>> -> memref<640xf32, #tpu.memory_space<vmem_shared>>
      tpu.wait_dma2 semaphore(%run_scoped3A : memref<!tpu.dma_semaphore, #tpu.memory_space<semaphore_mem>>) src(%arg34 : memref<640xf32, #tpu.memory_space<vmem>>) dst(%dma_wait3A_108 : memref<640xf32, #tpu.memory_space<vmem_shared>>)
      tpu.yield
    }) : () -> ()
    %scan3A_17 = arith.constant 0 : i32
    %scan3A_18 = arith.constant 8 : i32
    %scan3A_19 = arith.addi %scan3A_17, %scan3A_18 : i32
    %scan3A_20 = arith.constant 1 : i32
    scf.for %scan3A_105 = %scan3A_17 to %scan3A_19 step %scan3A_20  : i32 {
      %mul3A_106 = arith.constant 1 : i32
      %mul3A_107 = arith.muli %scan3A_105, %mul3A_106 : i32
      %add3A_108 = arith.constant 0 : i32
      %add3A_109 = arith.addi %add3A_108, %mul3A_107 : i32
      %mul3A_110 = arith.constant 80 : i32
      %mul3A_111 = arith.muli %add3A_109, %mul3A_110 : i32
      %add3A_112 = arith.addi %mul3A_2, %mul3A_111 : i32
      "tpu.region"() ({
        %run_scoped3A = tpu.sem_alloc : memref<!tpu.dma_semaphore, #tpu.memory_space<semaphore_mem>>
        %dma_start3A_113 = arith.constant 0 : i32
        %dma_start3A_114 = tpu.memref_slice %arg11[%add3A_112, %dma_start3A_113] : memref<10240x128xf32, #tpu.memory_space<vmem_shared>> -> memref<80x128xf32, #tpu.memory_space<vmem_shared>>
        %dma_start3A_115 = arith.constant 0 : i32
        %dma_start3A_116 = tpu.memref_slice %arg11[%add3A_112, %dma_start3A_115] : memref<10240x128xf32, #tpu.memory_space<vmem_shared>> -> memref<80x128xf32, #tpu.memory_space<vmem_shared>>
        tpu.enqueue_dma source(%arg16 : memref<80x128xf32, #tpu.memory_space<vmem>>) target(%dma_start3A_116 : memref<80x128xf32, #tpu.memory_space<vmem_shared>>) target_semaphore(%run_scoped3A : memref<!tpu.dma_semaphore, #tpu.memory_space<semaphore_mem>>)
        %dma_wait3A_117 = arith.constant 0 : i32
        %dma_wait3A_118 = tpu.memref_slice %arg11[%add3A_112, %dma_wait3A_117] : memref<10240x128xf32, #tpu.memory_space<vmem_shared>> -> memref<80x128xf32, #tpu.memory_space<vmem_shared>>
        %dma_wait3A_119 = arith.constant 0 : i32
        %dma_wait3A_120 = tpu.memref_slice %arg11[%add3A_112, %dma_wait3A_119] : memref<10240x128xf32, #tpu.memory_space<vmem_shared>> -> memref<80x128xf32, #tpu.memory_space<vmem_shared>>
        tpu.wait_dma2 semaphore(%run_scoped3A : memref<!tpu.dma_semaphore, #tpu.memory_space<semaphore_mem>>) src(%arg16 : memref<80x128xf32, #tpu.memory_space<vmem>>) dst(%dma_wait3A_120 : memref<80x128xf32, #tpu.memory_space<vmem_shared>>)
        tpu.yield
      }) : () -> ()
    }
    %scan3A_21 = arith.constant 8 : i32
    %barrier3A = arith.constant 0 : index
    tpu.barrier barrier_id(%barrier3A)
    %broadcast_in_dim3A_22 = arith.constant -1.000000e+09 : f32
    %broadcast_in_dim3A_23 = vector.broadcast %broadcast_in_dim3A_22 : f32 to vector<16xf32>
    %broadcast_in_dim3A_24 = arith.constant 0.000000e+00 : f32
    %broadcast_in_dim3A_25 = vector.broadcast %broadcast_in_dim3A_24 : f32 to vector<16xf32>
    %broadcast_in_dim3A_26 = arith.constant 1.000000e+00 : f32
    %broadcast_in_dim3A_27 = vector.broadcast %broadcast_in_dim3A_26 : f32 to vector<16xf32>
    %get3A = arith.constant 0 : i32
    %get3A_28 = arith.index_cast %get3A : i32 to index
    %get3A_29 = arith.constant 0 : index
    %get3A_30 = tpu.vector_load %arg15[%get3A_28, %get3A_29] {strides = array<i32>} : memref<128x80xi32, #tpu.memory_space<vmem>>, vector<16xi32>,
    %and3A = arith.andi %get3A_30, %broadcast_in_dim3A_3 : vector<16xi32>
    %swap3A = arith.constant 0 : index
    %swap3A_31 = tpu.vector_load %arg18[%swap3A] {strides = array<i32>} : memref<80xi32, #tpu.memory_space<vmem>>, vector<16xi32>,
    tpu.vector_store %arg18[%swap3A], %and3A {strides = array<i32>} : memref<80xi32, #tpu.memory_space<vmem>>, vector<16xi32>,
    %shift_right_logical3A = arith.shrui %get3A_30, %broadcast_in_dim3A_5 : vector<16xi32>
    %swap3A_32 = arith.constant 0 : index
    %swap3A_33 = tpu.vector_load %arg20[%swap3A_32] {strides = array<i32>} : memref<80xi32, #tpu.memory_space<vmem>>, vector<16xi32>,
    tpu.vector_store %arg20[%swap3A_32], %shift_right_logical3A {strides = array<i32>} : memref<80xi32, #tpu.memory_space<vmem>>, vector<16xi32>,
    %get3A_34 = arith.constant 0 : i32
    %get3A_35 = arith.index_cast %get3A_34 : i32 to index
    %get3A_36 = arith.constant 16 : index
    %get3A_37 = tpu.vector_load %arg15[%get3A_35, %get3A_36] {strides = array<i32>} : memref<128x80xi32, #tpu.memory_space<vmem>>, vector<16xi32>,
    %and3A_38 = arith.andi %get3A_37, %broadcast_in_dim3A_3 : vector<16xi32>
    %swap3A_39 = arith.constant 16 : index
    %swap3A_40 = tpu.vector_load %arg18[%swap3A_39] {strides = array<i32>} : memref<80xi32, #tpu.memory_space<vmem>>, vector<16xi32>,
    tpu.vector_store %arg18[%swap3A_39], %and3A_38 {strides = array<i32>} : memref<80xi32, #tpu.memory_space<vmem>>, vector<16xi32>,
    %shift_right_logical3A_41 = arith.shrui %get3A_37, %broadcast_in_dim3A_5 : vector<16xi32>
    %swap3A_42 = arith.constant 16 : index
    %swap3A_43 = tpu.vector_load %arg20[%swap3A_42] {strides = array<i32>} : memref<80xi32, #tpu.memory_space<vmem>>, vector<16xi32>,
    tpu.vector_store %arg20[%swap3A_42], %shift_right_logical3A_41 {strides = array<i32>} : memref<80xi32, #tpu.memory_space<vmem>>, vector<16xi32>,
    %get3A_44 = arith.constant 0 : i32
    %get3A_45 = arith.index_cast %get3A_44 : i32 to index
    %get3A_46 = arith.constant 32 : index
    %get3A_47 = tpu.vector_load %arg15[%get3A_45, %get3A_46] {strides = array<i32>} : memref<128x80xi32, #tpu.memory_space<vmem>>, vector<16xi32>,
    %and3A_48 = arith.andi %get3A_47, %broadcast_in_dim3A_3 : vector<16xi32>
    %swap3A_49 = arith.constant 32 : index
    %swap3A_50 = tpu.vector_load %arg18[%swap3A_49] {strides = array<i32>} : memref<80xi32, #tpu.memory_space<vmem>>, vector<16xi32>,
    tpu.vector_store %arg18[%swap3A_49], %and3A_48 {strides = array<i32>} : memref<80xi32, #tpu.memory_space<vmem>>, vector<16xi32>,
    %shift_right_logical3A_51 = arith.shrui %get3A_47, %broadcast_in_dim3A_5 : vector<16xi32>
    %swap3A_52 = arith.constant 32 : index
    %swap3A_53 = tpu.vector_load %arg20[%swap3A_52] {strides = array<i32>} : memref<80xi32, #tpu.memory_space<vmem>>, vector<16xi32>,
    tpu.vector_store %arg20[%swap3A_52], %shift_right_logical3A_51 {strides = array<i32>} : memref<80xi32, #tpu.memory_space<vmem>>, vector<16xi32>,
    %get3A_54 = arith.constant 0 : i32
    %get3A_55 = arith.index_cast %get3A_54 : i32 to index
    %get3A_56 = arith.constant 48 : index
    %get3A_57 = tpu.vector_load %arg15[%get3A_55, %get3A_56] {strides = array<i32>} : memref<128x80xi32, #tpu.memory_space<vmem>>, vector<16xi32>,
    %and3A_58 = arith.andi %get3A_57, %broadcast_in_dim3A_3 : vector<16xi32>
    %swap3A_59 = arith.constant 48 : index
    %swap3A_60 = tpu.vector_load %arg18[%swap3A_59] {strides = array<i32>} : memref<80xi32, #tpu.memory_space<vmem>>, vector<16xi32>,
    tpu.vector_store %arg18[%swap3A_59], %and3A_58 {strides = array<i32>} : memref<80xi32, #tpu.memory_space<vmem>>, vector<16xi32>,
    %shift_right_logical3A_61 = arith.shrui %get3A_57, %broadcast_in_dim3A_5 : vector<16xi32>
    %swap3A_62 = arith.constant 48 : index
    %swap3A_63 = tpu.vector_load %arg20[%swap3A_62] {strides = array<i32>} : memref<80xi32, #tpu.memory_space<vmem>>, vector<16xi32>,
    tpu.vector_store %arg20[%swap3A_62], %shift_right_logical3A_61 {strides = array<i32>} : memref<80xi32, #tpu.memory_space<vmem>>, vector<16xi32>,
    %get3A_64 = arith.constant 0 : i32
    %get3A_65 = arith.index_cast %get3A_64 : i32 to index
    %get3A_66 = arith.constant 64 : index
    %get3A_67 = tpu.vector_load %arg15[%get3A_65, %get3A_66] {strides = array<i32>} : memref<128x80xi32, #tpu.memory_space<vmem>>, vector<16xi32>,
    %and3A_68 = arith.andi %get3A_67, %broadcast_in_dim3A_3 : vector<16xi32>
    %swap3A_69 = arith.constant 64 : index
    %swap3A_70 = tpu.vector_load %arg18[%swap3A_69] {strides = array<i32>} : memref<80xi32, #tpu.memory_space<vmem>>, vector<16xi32>,
    tpu.vector_store %arg18[%swap3A_69], %and3A_68 {strides = array<i32>} : memref<80xi32, #tpu.memory_space<vmem>>, vector<16xi32>,
    %shift_right_logical3A_71 = arith.shrui %get3A_67, %broadcast_in_dim3A_5 : vector<16xi32>
    %swap3A_72 = arith.constant 64 : index
    %swap3A_73 = tpu.vector_load %arg20[%swap3A_72] {strides = array<i32>} : memref<80xi32, #tpu.memory_space<vmem>>, vector<16xi32>,
    tpu.vector_store %arg20[%swap3A_72], %shift_right_logical3A_71 {strides = array<i32>} : memref<80xi32, #tpu.memory_space<vmem>>, vector<16xi32>,
    %mul3A_74 = arith.constant 10240 : i32
    %mul3A_75 = arith.muli %add3A, %mul3A_74 : i32
    %add3A_76 = arith.constant 0 : i32
    %add3A_77 = arith.addi %mul3A_75, %add3A_76 : i32
    %dma_start3A = arith.constant 0 : i32
    %dma_start3A_78 = arith.constant 0 : i32
    %dma_start3A_79 = tpu.memref_slice %arg2[%dma_start3A, %dma_start3A_78] : memref<10240x128xf32, #tpu.memory_space<hbm>> -> memref<10240x128xf32, #tpu.memory_space<hbm>>
    tpu.enqueue_indirect_dma source(%dma_start3A_79 : memref<10240x128xf32, #tpu.memory_space<hbm>>) target(%arg16 : memref<80x128xf32, #tpu.memory_space<vmem>>) offsets(%arg18 : memref<80xi32, #tpu.memory_space<vmem>>) semaphore(%arg35 : memref<!tpu.dma_semaphore, #tpu.memory_space<semaphore_mem>>)
    %dma_start3A_80 = arith.constant 0 : i32
    %dma_start3A_81 = tpu.memref_slice %arg3[%dma_start3A_80] : memref<10240xf32, #tpu.memory_space<hbm>> -> memref<10240xf32, #tpu.memory_space<hbm>>
    tpu.enqueue_indirect_dma source(%dma_start3A_81 : memref<10240xf32, #tpu.memory_space<hbm>>) target(%arg22 : memref<80xf32, #tpu.memory_space<vmem>>) offsets(%arg18 : memref<80xi32, #tpu.memory_space<vmem>>) semaphore(%arg37 : memref<!tpu.dma_semaphore, #tpu.memory_space<semaphore_mem>>)
    %dma_start3A_82 = arith.constant 0 : i32
    %dma_start3A_83 = tpu.memref_slice %arg4[%dma_start3A_82] : memref<10240xf32, #tpu.memory_space<hbm>> -> memref<10240xf32, #tpu.memory_space<hbm>>
    tpu.enqueue_indirect_dma source(%dma_start3A_83 : memref<10240xf32, #tpu.memory_space<hbm>>) target(%arg24 : memref<80xf32, #tpu.memory_space<vmem>>) offsets(%arg20 : memref<80xi32, #tpu.memory_space<vmem>>) semaphore(%arg39 : memref<!tpu.dma_semaphore, #tpu.memory_space<semaphore_mem>>)
    %dma_start3A_84 = tpu.memref_slice %arg6[%add3A_77] : memref<327680xf32, #tpu.memory_space<hbm>> -> memref<80xf32, #tpu.memory_space<hbm>>
    %dma_start3A_85 = tpu.memref_slice %arg6[%add3A_77] : memref<327680xf32, #tpu.memory_space<hbm>> -> memref<80xf32, #tpu.memory_space<hbm>>
    tpu.enqueue_dma source(%dma_start3A_85 : memref<80xf32, #tpu.memory_space<hbm>>) target(%arg26 : memref<80xf32, #tpu.memory_space<vmem>>) target_semaphore(%arg41 : memref<!tpu.dma_semaphore, #tpu.memory_space<semaphore_mem>>)
    %scan3A_86 = arith.constant 0 : i32
    %scan3A_87 = arith.constant 64 : i32
    %scan3A_88 = arith.addi %scan3A_86, %scan3A_87 : i32
    %scan3A_89 = arith.constant 1 : i32
    scf.for %scan3A_105 = %scan3A_86 to %scan3A_88 step %scan3A_89  : i32 {
      %mul3A_106 = arith.constant 2 : i32
      %mul3A_107 = arith.muli %scan3A_105, %mul3A_106 : i32
      %add3A_108 = arith.constant 0 : i32
      %add3A_109 = arith.addi %add3A_108, %mul3A_107 : i32
      %add3A_110 = arith.constant 0 : i32
      %add3A_111 = arith.addi %add3A_109, %add3A_110 : i32
      %add3A_112 = arith.constant 1 : i32
      %add3A_113 = arith.addi %add3A_111, %add3A_112 : i32
      %lt3A = arith.constant 128 : i32
      %lt3A_114 = arith.cmpi slt, %add3A_113, %lt3A : i32
      %ge3A = arith.constant 1 : i32
      %ge3A_115 = arith.cmpi sge, %add3A_111, %ge3A : i32
      %and3A_116 = arith.andi %lt3A_114, %ge3A_115 : i1
      %convert_element_type3A = arith.extui %and3A_116 : i1 to i32
      %cond3A = arith.constant 0 : i32
      %cond3A_117 = arith.cmpi ne, %convert_element_type3A, %cond3A : i32
      scf.if %cond3A_117 {
        %sub3A = arith.constant 1 : i32
        %sub3A_492 = arith.subi %add3A_111, %sub3A : i32
        %dma_wait3A_493 = arith.constant 0 : i32
        %dma_wait3A_494 = arith.constant 0 : i32
        %dma_wait3A_495 = tpu.memref_slice %arg11[%dma_wait3A_493, %dma_wait3A_494] : memref<10240x128xf32, #tpu.memory_space<vmem_shared>> -> memref<10240x128xf32, #tpu.memory_space<vmem_shared>>
        tpu.wait_indirect_dma semaphore(%arg46 : memref<!tpu.dma_semaphore, #tpu.memory_space<semaphore_mem>>) src(%arg17 : memref<80x128xf32, #tpu.memory_space<vmem>>) dst(%dma_wait3A_495 : memref<10240x128xf32, #tpu.memory_space<vmem_shared>>)
        %sub3A_496 = arith.constant 1 : i32
        %sub3A_497 = arith.subi %add3A_111, %sub3A_496 : i32
        %dma_wait3A_498 = arith.constant 0 : i32
        %dma_wait3A_499 = tpu.memref_slice %arg12[%dma_wait3A_498] : memref<10240xf32, #tpu.memory_space<vmem_shared>> -> memref<10240xf32, #tpu.memory_space<vmem_shared>>
        tpu.wait_indirect_dma semaphore(%arg44 : memref<!tpu.dma_semaphore, #tpu.memory_space<semaphore_mem>>) src(%arg29 : memref<80xf32, #tpu.memory_space<vmem>>) dst(%dma_wait3A_499 : memref<10240xf32, #tpu.memory_space<vmem_shared>>)
        %dma_wait3A_500 = arith.constant 0 : i32
        %dma_wait3A_501 = tpu.memref_slice %arg14[%dma_wait3A_500] : memref<10240xf32, #tpu.memory_space<vmem_shared>> -> memref<10240xf32, #tpu.memory_space<vmem_shared>>
        tpu.wait_indirect_dma semaphore(%arg44 : memref<!tpu.dma_semaphore, #tpu.memory_space<semaphore_mem>>) src(%arg31 : memref<80xf32, #tpu.memory_space<vmem>>) dst(%dma_wait3A_501 : memref<10240xf32, #tpu.memory_space<vmem_shared>>)
        %dma_wait3A_502 = arith.constant 0 : i32
        %dma_wait3A_503 = tpu.memref_slice %arg13[%dma_wait3A_502] : memref<10240xf32, #tpu.memory_space<vmem_shared>> -> memref<10240xf32, #tpu.memory_space<vmem_shared>>
        tpu.wait_indirect_dma semaphore(%arg44 : memref<!tpu.dma_semaphore, #tpu.memory_space<semaphore_mem>>) src(%arg33 : memref<80xf32, #tpu.memory_space<vmem>>) dst(%dma_wait3A_503 : memref<10240xf32, #tpu.memory_space<vmem_shared>>)
      } else {
      }
      %lt3A_118 = arith.constant 128 : i32
      %lt3A_119 = arith.cmpi slt, %add3A_113, %lt3A_118 : i32
      %convert_element_type3A_120 = arith.extui %lt3A_119 : i1 to i32
      %cond3A_121 = arith.constant 0 : i32
      %cond3A_122 = arith.cmpi ne, %convert_element_type3A_120, %cond3A_121 : i32
      scf.if %cond3A_122 {
        %get3A_492 = arith.index_cast %add3A_113 : i32 to index
        %get3A_493 = arith.constant 0 : index
        %get3A_494 = tpu.vector_load %arg15[%get3A_492, %get3A_493] {strides = array<i32>} : memref<128x80xi32, #tpu.memory_space<vmem>>, vector<16xi32>,
        %and3A_495 = arith.andi %get3A_494, %broadcast_in_dim3A_3 : vector<16xi32>
        %swap3A_496 = arith.constant 0 : index
        %swap3A_497 = tpu.vector_load %arg19[%swap3A_496] {strides = array<i32>} : memref<80xi32, #tpu.memory_space<vmem>>, vector<16xi32>,
        tpu.vector_store %arg19[%swap3A_496], %and3A_495 {strides = array<i32>} : memref<80xi32, #tpu.memory_space<vmem>>, vector<16xi32>,
        %shift_right_logical3A_498 = arith.shrui %get3A_494, %broadcast_in_dim3A_5 : vector<16xi32>
        %swap3A_499 = arith.constant 0 : index
        %swap3A_500 = tpu.vector_load %arg21[%swap3A_499] {strides = array<i32>} : memref<80xi32, #tpu.memory_space<vmem>>, vector<16xi32>,
        tpu.vector_store %arg21[%swap3A_499], %shift_right_logical3A_498 {strides = array<i32>} : memref<80xi32, #tpu.memory_space<vmem>>, vector<16xi32>,
        %get3A_501 = arith.index_cast %add3A_113 : i32 to index
        %get3A_502 = arith.constant 16 : index
        %get3A_503 = tpu.vector_load %arg15[%get3A_501, %get3A_502] {strides = array<i32>} : memref<128x80xi32, #tpu.memory_space<vmem>>, vector<16xi32>,
        %and3A_504 = arith.andi %get3A_503, %broadcast_in_dim3A_3 : vector<16xi32>
        %swap3A_505 = arith.constant 16 : index
        %swap3A_506 = tpu.vector_load %arg19[%swap3A_505] {strides = array<i32>} : memref<80xi32, #tpu.memory_space<vmem>>, vector<16xi32>,
        tpu.vector_store %arg19[%swap3A_505], %and3A_504 {strides = array<i32>} : memref<80xi32, #tpu.memory_space<vmem>>, vector<16xi32>,
        %shift_right_logical3A_507 = arith.shrui %get3A_503, %broadcast_in_dim3A_5 : vector<16xi32>
        %swap3A_508 = arith.constant 16 : index
        %swap3A_509 = tpu.vector_load %arg21[%swap3A_508] {strides = array<i32>} : memref<80xi32, #tpu.memory_space<vmem>>, vector<16xi32>,
        tpu.vector_store %arg21[%swap3A_508], %shift_right_logical3A_507 {strides = array<i32>} : memref<80xi32, #tpu.memory_space<vmem>>, vector<16xi32>,
        %get3A_510 = arith.index_cast %add3A_113 : i32 to index
        %get3A_511 = arith.constant 32 : index
        %get3A_512 = tpu.vector_load %arg15[%get3A_510, %get3A_511] {strides = array<i32>} : memref<128x80xi32, #tpu.memory_space<vmem>>, vector<16xi32>,
        %and3A_513 = arith.andi %get3A_512, %broadcast_in_dim3A_3 : vector<16xi32>
        %swap3A_514 = arith.constant 32 : index
        %swap3A_515 = tpu.vector_load %arg19[%swap3A_514] {strides = array<i32>} : memref<80xi32, #tpu.memory_space<vmem>>, vector<16xi32>,
        tpu.vector_store %arg19[%swap3A_514], %and3A_513 {strides = array<i32>} : memref<80xi32, #tpu.memory_space<vmem>>, vector<16xi32>,
        %shift_right_logical3A_516 = arith.shrui %get3A_512, %broadcast_in_dim3A_5 : vector<16xi32>
        %swap3A_517 = arith.constant 32 : index
        %swap3A_518 = tpu.vector_load %arg21[%swap3A_517] {strides = array<i32>} : memref<80xi32, #tpu.memory_space<vmem>>, vector<16xi32>,
        tpu.vector_store %arg21[%swap3A_517], %shift_right_logical3A_516 {strides = array<i32>} : memref<80xi32, #tpu.memory_space<vmem>>, vector<16xi32>,
        %get3A_519 = arith.index_cast %add3A_113 : i32 to index
        %get3A_520 = arith.constant 48 : index
        %get3A_521 = tpu.vector_load %arg15[%get3A_519, %get3A_520] {strides = array<i32>} : memref<128x80xi32, #tpu.memory_space<vmem>>, vector<16xi32>,
        %and3A_522 = arith.andi %get3A_521, %broadcast_in_dim3A_3 : vector<16xi32>
        %swap3A_523 = arith.constant 48 : index
        %swap3A_524 = tpu.vector_load %arg19[%swap3A_523] {strides = array<i32>} : memref<80xi32, #tpu.memory_space<vmem>>, vector<16xi32>,
        tpu.vector_store %arg19[%swap3A_523], %and3A_522 {strides = array<i32>} : memref<80xi32, #tpu.memory_space<vmem>>, vector<16xi32>,
        %shift_right_logical3A_525 = arith.shrui %get3A_521, %broadcast_in_dim3A_5 : vector<16xi32>
        %swap3A_526 = arith.constant 48 : index
        %swap3A_527 = tpu.vector_load %arg21[%swap3A_526] {strides = array<i32>} : memref<80xi32, #tpu.memory_space<vmem>>, vector<16xi32>,
        tpu.vector_store %arg21[%swap3A_526], %shift_right_logical3A_525 {strides = array<i32>} : memref<80xi32, #tpu.memory_space<vmem>>, vector<16xi32>,
        %get3A_528 = arith.index_cast %add3A_113 : i32 to index
        %get3A_529 = arith.constant 64 : index
        %get3A_530 = tpu.vector_load %arg15[%get3A_528, %get3A_529] {strides = array<i32>} : memref<128x80xi32, #tpu.memory_space<vmem>>, vector<16xi32>,
        %and3A_531 = arith.andi %get3A_530, %broadcast_in_dim3A_3 : vector<16xi32>
        %swap3A_532 = arith.constant 64 : index
        %swap3A_533 = tpu.vector_load %arg19[%swap3A_532] {strides = array<i32>} : memref<80xi32, #tpu.memory_space<vmem>>, vector<16xi32>,
        tpu.vector_store %arg19[%swap3A_532], %and3A_531 {strides = array<i32>} : memref<80xi32, #tpu.memory_space<vmem>>, vector<16xi32>,
        %shift_right_logical3A_534 = arith.shrui %get3A_530, %broadcast_in_dim3A_5 : vector<16xi32>
        %swap3A_535 = arith.constant 64 : index
        %swap3A_536 = tpu.vector_load %arg21[%swap3A_535] {strides = array<i32>} : memref<80xi32, #tpu.memory_space<vmem>>, vector<16xi32>,
        tpu.vector_store %arg21[%swap3A_535], %shift_right_logical3A_534 {strides = array<i32>} : memref<80xi32, #tpu.memory_space<vmem>>, vector<16xi32>,
        %mul3A_537 = arith.constant 10240 : i32
        %mul3A_538 = arith.muli %add3A, %mul3A_537 : i32
        %mul3A_539 = arith.constant 80 : i32
        %mul3A_540 = arith.muli %add3A_113, %mul3A_539 : i32
        %add3A_541 = arith.addi %mul3A_538, %mul3A_540 : i32
        %dma_start3A_542 = arith.constant 0 : i32
        %dma_start3A_543 = arith.constant 0 : i32
        %dma_start3A_544 = tpu.memref_slice %arg2[%dma_start3A_542, %dma_start3A_543] : memref<10240x128xf32, #tpu.memory_space<hbm>> -> memref<10240x128xf32, #tpu.memory_space<hbm>>
        tpu.enqueue_indirect_dma source(%dma_start3A_544 : memref<10240x128xf32, #tpu.memory_space<hbm>>) target(%arg17 : memref<80x128xf32, #tpu.memory_space<vmem>>) offsets(%arg19 : memref<80xi32, #tpu.memory_space<vmem>>) semaphore(%arg36 : memref<!tpu.dma_semaphore, #tpu.memory_space<semaphore_mem>>)
        %dma_start3A_545 = arith.constant 0 : i32
        %dma_start3A_546 = tpu.memref_slice %arg3[%dma_start3A_545] : memref<10240xf32, #tpu.memory_space<hbm>> -> memref<10240xf32, #tpu.memory_space<hbm>>
        tpu.enqueue_indirect_dma source(%dma_start3A_546 : memref<10240xf32, #tpu.memory_space<hbm>>) target(%arg23 : memref<80xf32, #tpu.memory_space<vmem>>) offsets(%arg19 : memref<80xi32, #tpu.memory_space<vmem>>) semaphore(%arg38 : memref<!tpu.dma_semaphore, #tpu.memory_space<semaphore_mem>>)
        %dma_start3A_547 = arith.constant 0 : i32
        %dma_start3A_548 = tpu.memref_slice %arg4[%dma_start3A_547] : memref<10240xf32, #tpu.memory_space<hbm>> -> memref<10240xf32, #tpu.memory_space<hbm>>
        tpu.enqueue_indirect_dma source(%dma_start3A_548 : memref<10240xf32, #tpu.memory_space<hbm>>) target(%arg25 : memref<80xf32, #tpu.memory_space<vmem>>) offsets(%arg21 : memref<80xi32, #tpu.memory_space<vmem>>) semaphore(%arg40 : memref<!tpu.dma_semaphore, #tpu.memory_space<semaphore_mem>>)
        %dma_start3A_549 = tpu.memref_slice %arg6[%add3A_541] : memref<327680xf32, #tpu.memory_space<hbm>> -> memref<80xf32, #tpu.memory_space<hbm>>
        %dma_start3A_550 = tpu.memref_slice %arg6[%add3A_541] : memref<327680xf32, #tpu.memory_space<hbm>> -> memref<80xf32, #tpu.memory_space<hbm>>
        tpu.enqueue_dma source(%dma_start3A_550 : memref<80xf32, #tpu.memory_space<hbm>>) target(%arg27 : memref<80xf32, #tpu.memory_space<vmem>>) target_semaphore(%arg42 : memref<!tpu.dma_semaphore, #tpu.memory_space<semaphore_mem>>)
      } else {
      }
      %mul3A_123 = arith.constant 10240 : i32
      %mul3A_124 = arith.muli %add3A, %mul3A_123 : i32
      %mul3A_125 = arith.constant 80 : i32
      %mul3A_126 = arith.muli %add3A_111, %mul3A_125 : i32
      %add3A_127 = arith.addi %mul3A_124, %mul3A_126 : i32
      %dma_wait3A_128 = arith.constant 0 : i32
      %dma_wait3A_129 = tpu.memref_slice %arg3[%dma_wait3A_128] : memref<10240xf32, #tpu.memory_space<hbm>> -> memref<10240xf32, #tpu.memory_space<hbm>>
      tpu.wait_indirect_dma semaphore(%arg37 : memref<!tpu.dma_semaphore, #tpu.memory_space<semaphore_mem>>) src(%dma_wait3A_129 : memref<10240xf32, #tpu.memory_space<hbm>>) dst(%arg22 : memref<80xf32, #tpu.memory_space<vmem>>)
      %dma_wait3A_130 = arith.constant 0 : i32
      %dma_wait3A_131 = tpu.memref_slice %arg4[%dma_wait3A_130] : memref<10240xf32, #tpu.memory_space<hbm>> -> memref<10240xf32, #tpu.memory_space<hbm>>
      tpu.wait_indirect_dma semaphore(%arg39 : memref<!tpu.dma_semaphore, #tpu.memory_space<semaphore_mem>>) src(%dma_wait3A_131 : memref<10240xf32, #tpu.memory_space<hbm>>) dst(%arg24 : memref<80xf32, #tpu.memory_space<vmem>>)
      %dma_wait3A_132 = tpu.memref_slice %arg6[%add3A_127] : memref<327680xf32, #tpu.memory_space<hbm>> -> memref<80xf32, #tpu.memory_space<hbm>>
      %dma_wait3A_133 = tpu.memref_slice %arg6[%add3A_127] : memref<327680xf32, #tpu.memory_space<hbm>> -> memref<80xf32, #tpu.memory_space<hbm>>
      tpu.wait_dma2 semaphore(%arg41 : memref<!tpu.dma_semaphore, #tpu.memory_space<semaphore_mem>>) src(%dma_wait3A_133 : memref<80xf32, #tpu.memory_space<hbm>>) dst(%arg26 : memref<80xf32, #tpu.memory_space<vmem>>)
      %get3A_134 = arith.constant 0 : index
      %get3A_135 = tpu.vector_load %arg18[%get3A_134] {strides = array<i32>} : memref<80xi32, #tpu.memory_space<vmem>>, vector<16xi32>,
      %get3A_136 = arith.constant 0 : index
      %get3A_137 = tpu.vector_load %arg20[%get3A_136] {strides = array<i32>} : memref<80xi32, #tpu.memory_space<vmem>>, vector<16xi32>,
      %get3A_138 = arith.constant 0 : index
      %get3A_139 = tpu.vector_load %arg26[%get3A_138] {strides = array<i32>} : memref<80xf32, #tpu.memory_space<vmem>>, vector<16xf32>,
      %get3A_140 = arith.constant 0 : index
      %get3A_141 = tpu.vector_load %arg22[%get3A_140] {strides = array<i32>} : memref<80xf32, #tpu.memory_space<vmem>>, vector<16xf32>,
      %get3A_142 = arith.constant 0 : index
      %get3A_143 = tpu.vector_load %arg24[%get3A_142] {strides = array<i32>} : memref<80xf32, #tpu.memory_space<vmem>>, vector<16xf32>,
      %add3A_144 = arith.addf %get3A_141, %get3A_143 : vector<16xf32>
      %add3A_145 = arith.addf %add3A_144, %get3A_139 : vector<16xf32>
      %ne3A = arith.cmpi ne, %get3A_135, %get3A_137 : vector<16xi32>
      %select_n3A = arith.select %ne3A, %add3A_145, %broadcast_in_dim3A_23 : vector<16xi1>, vector<16xf32>
      %gt3A = arith.constant 0.000000e+00 : f32
      %gt3A_146 = vector.broadcast %gt3A : f32 to vector<16xf32>
      %gt3A_147 = arith.cmpf ogt, %select_n3A, %gt3A_146 : vector<16xf32>
      %mul3A_148 = arith.constant 2.000000e-01 : f32
      %mul3A_149 = vector.broadcast %mul3A_148 : f32 to vector<16xf32>
      %mul3A_150 = arith.mulf %select_n3A, %mul3A_149 : vector<16xf32>
      %select_n3A_151 = arith.select %gt3A_147, %select_n3A, %mul3A_150 : vector<16xi1>, vector<16xf32>
      %exp3A = math.exp %select_n3A_151 : vector<16xf32>
      %select_n3A_152 = arith.select %ne3A, %broadcast_in_dim3A_27, %broadcast_in_dim3A_25 : vector<16xi1>, vector<16xf32>
      %swap3A_153 = arith.constant 0 : index
      %swap3A_154 = tpu.vector_load %arg28[%swap3A_153] {strides = array<i32>} : memref<80xf32, #tpu.memory_space<vmem>>, vector<16xf32>,
      tpu.vector_store %arg28[%swap3A_153], %exp3A {strides = array<i32>} : memref<80xf32, #tpu.memory_space<vmem>>, vector<16xf32>,
      %swap3A_155 = arith.constant 0 : index
      %swap3A_156 = tpu.vector_load %arg30[%swap3A_155] {strides = array<i32>} : memref<80xf32, #tpu.memory_space<vmem>>, vector<16xf32>,
      tpu.vector_store %arg30[%swap3A_155], %select_n3A_152 {strides = array<i32>} : memref<80xf32, #tpu.memory_space<vmem>>, vector<16xf32>,
      %mul3A_157 = arith.mulf %get3A_139, %select_n3A_152 : vector<16xf32>
      %swap3A_158 = arith.constant 0 : index
      %swap3A_159 = tpu.vector_load %arg32[%swap3A_158] {strides = array<i32>} : memref<80xf32, #tpu.memory_space<vmem>>, vector<16xf32>,
      tpu.vector_store %arg32[%swap3A_158], %mul3A_157 {strides = array<i32>} : memref<80xf32, #tpu.memory_space<vmem>>, vector<16xf32>,
      %get3A_160 = arith.constant 16 : index
      %get3A_161 = tpu.vector_load %arg18[%get3A_160] {strides = array<i32>} : memref<80xi32, #tpu.memory_space<vmem>>, vector<16xi32>,
      %get3A_162 = arith.constant 16 : index
      %get3A_163 = tpu.vector_load %arg20[%get3A_162] {strides = array<i32>} : memref<80xi32, #tpu.memory_space<vmem>>, vector<16xi32>,
      %get3A_164 = arith.constant 16 : index
      %get3A_165 = tpu.vector_load %arg26[%get3A_164] {strides = array<i32>} : memref<80xf32, #tpu.memory_space<vmem>>, vector<16xf32>,
      %get3A_166 = arith.constant 16 : index
      %get3A_167 = tpu.vector_load %arg22[%get3A_166] {strides = array<i32>} : memref<80xf32, #tpu.memory_space<vmem>>, vector<16xf32>,
      %get3A_168 = arith.constant 16 : index
      %get3A_169 = tpu.vector_load %arg24[%get3A_168] {strides = array<i32>} : memref<80xf32, #tpu.memory_space<vmem>>, vector<16xf32>,
      %add3A_170 = arith.addf %get3A_167, %get3A_169 : vector<16xf32>
      %add3A_171 = arith.addf %add3A_170, %get3A_165 : vector<16xf32>
      %ne3A_172 = arith.cmpi ne, %get3A_161, %get3A_163 : vector<16xi32>
      %select_n3A_173 = arith.select %ne3A_172, %add3A_171, %broadcast_in_dim3A_23 : vector<16xi1>, vector<16xf32>
      %gt3A_174 = arith.constant 0.000000e+00 : f32
      %gt3A_175 = vector.broadcast %gt3A_174 : f32 to vector<16xf32>
      %gt3A_176 = arith.cmpf ogt, %select_n3A_173, %gt3A_175 : vector<16xf32>
      %mul3A_177 = arith.constant 2.000000e-01 : f32
      %mul3A_178 = vector.broadcast %mul3A_177 : f32 to vector<16xf32>
      %mul3A_179 = arith.mulf %select_n3A_173, %mul3A_178 : vector<16xf32>
      %select_n3A_180 = arith.select %gt3A_176, %select_n3A_173, %mul3A_179 : vector<16xi1>, vector<16xf32>
      %exp3A_181 = math.exp %select_n3A_180 : vector<16xf32>
      %select_n3A_182 = arith.select %ne3A_172, %broadcast_in_dim3A_27, %broadcast_in_dim3A_25 : vector<16xi1>, vector<16xf32>
      %swap3A_183 = arith.constant 16 : index
      %swap3A_184 = tpu.vector_load %arg28[%swap3A_183] {strides = array<i32>} : memref<80xf32, #tpu.memory_space<vmem>>, vector<16xf32>,
      tpu.vector_store %arg28[%swap3A_183], %exp3A_181 {strides = array<i32>} : memref<80xf32, #tpu.memory_space<vmem>>, vector<16xf32>,
      %swap3A_185 = arith.constant 16 : index
      %swap3A_186 = tpu.vector_load %arg30[%swap3A_185] {strides = array<i32>} : memref<80xf32, #tpu.memory_space<vmem>>, vector<16xf32>,
      tpu.vector_store %arg30[%swap3A_185], %select_n3A_182 {strides = array<i32>} : memref<80xf32, #tpu.memory_space<vmem>>, vector<16xf32>,
      %mul3A_187 = arith.mulf %get3A_165, %select_n3A_182 : vector<16xf32>
      %swap3A_188 = arith.constant 16 : index
      %swap3A_189 = tpu.vector_load %arg32[%swap3A_188] {strides = array<i32>} : memref<80xf32, #tpu.memory_space<vmem>>, vector<16xf32>,
      tpu.vector_store %arg32[%swap3A_188], %mul3A_187 {strides = array<i32>} : memref<80xf32, #tpu.memory_space<vmem>>, vector<16xf32>,
      %get3A_190 = arith.constant 32 : index
      %get3A_191 = tpu.vector_load %arg18[%get3A_190] {strides = array<i32>} : memref<80xi32, #tpu.memory_space<vmem>>, vector<16xi32>,
      %get3A_192 = arith.constant 32 : index
      %get3A_193 = tpu.vector_load %arg20[%get3A_192] {strides = array<i32>} : memref<80xi32, #tpu.memory_space<vmem>>, vector<16xi32>,
      %get3A_194 = arith.constant 32 : index
      %get3A_195 = tpu.vector_load %arg26[%get3A_194] {strides = array<i32>} : memref<80xf32, #tpu.memory_space<vmem>>, vector<16xf32>,
      %get3A_196 = arith.constant 32 : index
      %get3A_197 = tpu.vector_load %arg22[%get3A_196] {strides = array<i32>} : memref<80xf32, #tpu.memory_space<vmem>>, vector<16xf32>,
      %get3A_198 = arith.constant 32 : index
      %get3A_199 = tpu.vector_load %arg24[%get3A_198] {strides = array<i32>} : memref<80xf32, #tpu.memory_space<vmem>>, vector<16xf32>,
      %add3A_200 = arith.addf %get3A_197, %get3A_199 : vector<16xf32>
      %add3A_201 = arith.addf %add3A_200, %get3A_195 : vector<16xf32>
      %ne3A_202 = arith.cmpi ne, %get3A_191, %get3A_193 : vector<16xi32>
      %select_n3A_203 = arith.select %ne3A_202, %add3A_201, %broadcast_in_dim3A_23 : vector<16xi1>, vector<16xf32>
      %gt3A_204 = arith.constant 0.000000e+00 : f32
      %gt3A_205 = vector.broadcast %gt3A_204 : f32 to vector<16xf32>
      %gt3A_206 = arith.cmpf ogt, %select_n3A_203, %gt3A_205 : vector<16xf32>
      %mul3A_207 = arith.constant 2.000000e-01 : f32
      %mul3A_208 = vector.broadcast %mul3A_207 : f32 to vector<16xf32>
      %mul3A_209 = arith.mulf %select_n3A_203, %mul3A_208 : vector<16xf32>
      %select_n3A_210 = arith.select %gt3A_206, %select_n3A_203, %mul3A_209 : vector<16xi1>, vector<16xf32>
      %exp3A_211 = math.exp %select_n3A_210 : vector<16xf32>
      %select_n3A_212 = arith.select %ne3A_202, %broadcast_in_dim3A_27, %broadcast_in_dim3A_25 : vector<16xi1>, vector<16xf32>
      %swap3A_213 = arith.constant 32 : index
      %swap3A_214 = tpu.vector_load %arg28[%swap3A_213] {strides = array<i32>} : memref<80xf32, #tpu.memory_space<vmem>>, vector<16xf32>,
      tpu.vector_store %arg28[%swap3A_213], %exp3A_211 {strides = array<i32>} : memref<80xf32, #tpu.memory_space<vmem>>, vector<16xf32>,
      %swap3A_215 = arith.constant 32 : index
      %swap3A_216 = tpu.vector_load %arg30[%swap3A_215] {strides = array<i32>} : memref<80xf32, #tpu.memory_space<vmem>>, vector<16xf32>,
      tpu.vector_store %arg30[%swap3A_215], %select_n3A_212 {strides = array<i32>} : memref<80xf32, #tpu.memory_space<vmem>>, vector<16xf32>,
      %mul3A_217 = arith.mulf %get3A_195, %select_n3A_212 : vector<16xf32>
      %swap3A_218 = arith.constant 32 : index
      %swap3A_219 = tpu.vector_load %arg32[%swap3A_218] {strides = array<i32>} : memref<80xf32, #tpu.memory_space<vmem>>, vector<16xf32>,
      tpu.vector_store %arg32[%swap3A_218], %mul3A_217 {strides = array<i32>} : memref<80xf32, #tpu.memory_space<vmem>>, vector<16xf32>,
      %get3A_220 = arith.constant 48 : index
      %get3A_221 = tpu.vector_load %arg18[%get3A_220] {strides = array<i32>} : memref<80xi32, #tpu.memory_space<vmem>>, vector<16xi32>,
      %get3A_222 = arith.constant 48 : index
      %get3A_223 = tpu.vector_load %arg20[%get3A_222] {strides = array<i32>} : memref<80xi32, #tpu.memory_space<vmem>>, vector<16xi32>,
      %get3A_224 = arith.constant 48 : index
      %get3A_225 = tpu.vector_load %arg26[%get3A_224] {strides = array<i32>} : memref<80xf32, #tpu.memory_space<vmem>>, vector<16xf32>,
      %get3A_226 = arith.constant 48 : index
      %get3A_227 = tpu.vector_load %arg22[%get3A_226] {strides = array<i32>} : memref<80xf32, #tpu.memory_space<vmem>>, vector<16xf32>,
      %get3A_228 = arith.constant 48 : index
      %get3A_229 = tpu.vector_load %arg24[%get3A_228] {strides = array<i32>} : memref<80xf32, #tpu.memory_space<vmem>>, vector<16xf32>,
      %add3A_230 = arith.addf %get3A_227, %get3A_229 : vector<16xf32>
      %add3A_231 = arith.addf %add3A_230, %get3A_225 : vector<16xf32>
      %ne3A_232 = arith.cmpi ne, %get3A_221, %get3A_223 : vector<16xi32>
      %select_n3A_233 = arith.select %ne3A_232, %add3A_231, %broadcast_in_dim3A_23 : vector<16xi1>, vector<16xf32>
      %gt3A_234 = arith.constant 0.000000e+00 : f32
      %gt3A_235 = vector.broadcast %gt3A_234 : f32 to vector<16xf32>
      %gt3A_236 = arith.cmpf ogt, %select_n3A_233, %gt3A_235 : vector<16xf32>
      %mul3A_237 = arith.constant 2.000000e-01 : f32
      %mul3A_238 = vector.broadcast %mul3A_237 : f32 to vector<16xf32>
      %mul3A_239 = arith.mulf %select_n3A_233, %mul3A_238 : vector<16xf32>
      %select_n3A_240 = arith.select %gt3A_236, %select_n3A_233, %mul3A_239 : vector<16xi1>, vector<16xf32>
      %exp3A_241 = math.exp %select_n3A_240 : vector<16xf32>
      %select_n3A_242 = arith.select %ne3A_232, %broadcast_in_dim3A_27, %broadcast_in_dim3A_25 : vector<16xi1>, vector<16xf32>
      %swap3A_243 = arith.constant 48 : index
      %swap3A_244 = tpu.vector_load %arg28[%swap3A_243] {strides = array<i32>} : memref<80xf32, #tpu.memory_space<vmem>>, vector<16xf32>,
      tpu.vector_store %arg28[%swap3A_243], %exp3A_241 {strides = array<i32>} : memref<80xf32, #tpu.memory_space<vmem>>, vector<16xf32>,
      %swap3A_245 = arith.constant 48 : index
      %swap3A_246 = tpu.vector_load %arg30[%swap3A_245] {strides = array<i32>} : memref<80xf32, #tpu.memory_space<vmem>>, vector<16xf32>,
      tpu.vector_store %arg30[%swap3A_245], %select_n3A_242 {strides = array<i32>} : memref<80xf32, #tpu.memory_space<vmem>>, vector<16xf32>,
      %mul3A_247 = arith.mulf %get3A_225, %select_n3A_242 : vector<16xf32>
      %swap3A_248 = arith.constant 48 : index
      %swap3A_249 = tpu.vector_load %arg32[%swap3A_248] {strides = array<i32>} : memref<80xf32, #tpu.memory_space<vmem>>, vector<16xf32>,
      tpu.vector_store %arg32[%swap3A_248], %mul3A_247 {strides = array<i32>} : memref<80xf32, #tpu.memory_space<vmem>>, vector<16xf32>,
      %get3A_250 = arith.constant 64 : index
      %get3A_251 = tpu.vector_load %arg18[%get3A_250] {strides = array<i32>} : memref<80xi32, #tpu.memory_space<vmem>>, vector<16xi32>,
      %get3A_252 = arith.constant 64 : index
      %get3A_253 = tpu.vector_load %arg20[%get3A_252] {strides = array<i32>} : memref<80xi32, #tpu.memory_space<vmem>>, vector<16xi32>,
      %get3A_254 = arith.constant 64 : index
      %get3A_255 = tpu.vector_load %arg26[%get3A_254] {strides = array<i32>} : memref<80xf32, #tpu.memory_space<vmem>>, vector<16xf32>,
      %get3A_256 = arith.constant 64 : index
      %get3A_257 = tpu.vector_load %arg22[%get3A_256] {strides = array<i32>} : memref<80xf32, #tpu.memory_space<vmem>>, vector<16xf32>,
      %get3A_258 = arith.constant 64 : index
      %get3A_259 = tpu.vector_load %arg24[%get3A_258] {strides = array<i32>} : memref<80xf32, #tpu.memory_space<vmem>>, vector<16xf32>,
      %add3A_260 = arith.addf %get3A_257, %get3A_259 : vector<16xf32>
      %add3A_261 = arith.addf %add3A_260, %get3A_255 : vector<16xf32>
      %ne3A_262 = arith.cmpi ne, %get3A_251, %get3A_253 : vector<16xi32>
      %select_n3A_263 = arith.select %ne3A_262, %add3A_261, %broadcast_in_dim3A_23 : vector<16xi1>, vector<16xf32>
      %gt3A_264 = arith.constant 0.000000e+00 : f32
      %gt3A_265 = vector.broadcast %gt3A_264 : f32 to vector<16xf32>
      %gt3A_266 = arith.cmpf ogt, %select_n3A_263, %gt3A_265 : vector<16xf32>
      %mul3A_267 = arith.constant 2.000000e-01 : f32
      %mul3A_268 = vector.broadcast %mul3A_267 : f32 to vector<16xf32>
      %mul3A_269 = arith.mulf %select_n3A_263, %mul3A_268 : vector<16xf32>
      %select_n3A_270 = arith.select %gt3A_266, %select_n3A_263, %mul3A_269 : vector<16xi1>, vector<16xf32>
      %exp3A_271 = math.exp %select_n3A_270 : vector<16xf32>
      %select_n3A_272 = arith.select %ne3A_262, %broadcast_in_dim3A_27, %broadcast_in_dim3A_25 : vector<16xi1>, vector<16xf32>
      %swap3A_273 = arith.constant 64 : index
      %swap3A_274 = tpu.vector_load %arg28[%swap3A_273] {strides = array<i32>} : memref<80xf32, #tpu.memory_space<vmem>>, vector<16xf32>,
      tpu.vector_store %arg28[%swap3A_273], %exp3A_271 {strides = array<i32>} : memref<80xf32, #tpu.memory_space<vmem>>, vector<16xf32>,
      %swap3A_275 = arith.constant 64 : index
      %swap3A_276 = tpu.vector_load %arg30[%swap3A_275] {strides = array<i32>} : memref<80xf32, #tpu.memory_space<vmem>>, vector<16xf32>,
      tpu.vector_store %arg30[%swap3A_275], %select_n3A_272 {strides = array<i32>} : memref<80xf32, #tpu.memory_space<vmem>>, vector<16xf32>,
      %mul3A_277 = arith.mulf %get3A_255, %select_n3A_272 : vector<16xf32>
      %swap3A_278 = arith.constant 64 : index
      %swap3A_279 = tpu.vector_load %arg32[%swap3A_278] {strides = array<i32>} : memref<80xf32, #tpu.memory_space<vmem>>, vector<16xf32>,
      tpu.vector_store %arg32[%swap3A_278], %mul3A_277 {strides = array<i32>} : memref<80xf32, #tpu.memory_space<vmem>>, vector<16xf32>,
      %dma_start3A_280 = arith.constant 0 : i32
      %dma_start3A_281 = tpu.memref_slice %arg12[%dma_start3A_280] : memref<10240xf32, #tpu.memory_space<vmem_shared>> -> memref<10240xf32, #tpu.memory_space<vmem_shared>>
      tpu.enqueue_indirect_dma source(%arg28 : memref<80xf32, #tpu.memory_space<vmem>>) target(%dma_start3A_281 : memref<10240xf32, #tpu.memory_space<vmem_shared>>) offsets(%arg20 : memref<80xi32, #tpu.memory_space<vmem>>) semaphore(%arg43 : memref<!tpu.dma_semaphore, #tpu.memory_space<semaphore_mem>>) {add = true}
      %dma_start3A_282 = arith.constant 0 : i32
      %dma_start3A_283 = tpu.memref_slice %arg14[%dma_start3A_282] : memref<10240xf32, #tpu.memory_space<vmem_shared>> -> memref<10240xf32, #tpu.memory_space<vmem_shared>>
      tpu.enqueue_indirect_dma source(%arg30 : memref<80xf32, #tpu.memory_space<vmem>>) target(%dma_start3A_283 : memref<10240xf32, #tpu.memory_space<vmem_shared>>) offsets(%arg20 : memref<80xi32, #tpu.memory_space<vmem>>) semaphore(%arg43 : memref<!tpu.dma_semaphore, #tpu.memory_space<semaphore_mem>>) {add = true}
      %dma_start3A_284 = arith.constant 0 : i32
      %dma_start3A_285 = tpu.memref_slice %arg13[%dma_start3A_284] : memref<10240xf32, #tpu.memory_space<vmem_shared>> -> memref<10240xf32, #tpu.memory_space<vmem_shared>>
      tpu.enqueue_indirect_dma source(%arg32 : memref<80xf32, #tpu.memory_space<vmem>>) target(%dma_start3A_285 : memref<10240xf32, #tpu.memory_space<vmem_shared>>) offsets(%arg20 : memref<80xi32, #tpu.memory_space<vmem>>) semaphore(%arg43 : memref<!tpu.dma_semaphore, #tpu.memory_space<semaphore_mem>>) {add = true}
      %dma_wait3A_286 = arith.constant 0 : i32
      %dma_wait3A_287 = arith.constant 0 : i32
      %dma_wait3A_288 = tpu.memref_slice %arg2[%dma_wait3A_286, %dma_wait3A_287] : memref<10240x128xf32, #tpu.memory_space<hbm>> -> memref<10240x128xf32, #tpu.memory_space<hbm>>
      tpu.wait_indirect_dma semaphore(%arg35 : memref<!tpu.dma_semaphore, #tpu.memory_space<semaphore_mem>>) src(%dma_wait3A_288 : memref<10240x128xf32, #tpu.memory_space<hbm>>) dst(%arg16 : memref<80x128xf32, #tpu.memory_space<vmem>>)
      %scan3A_289 = arith.constant 0 : i32
      %scan3A_290 = arith.constant 40 : i32
      %scan3A_291 = arith.addi %scan3A_289, %scan3A_290 : i32
      %scan3A_292 = arith.constant 1 : i32
      scf.for %scan3A_492 = %scan3A_289 to %scan3A_291 step %scan3A_292  : i32 {
        %mul3A_493 = arith.constant 2 : i32
        %mul3A_494 = arith.muli %scan3A_492, %mul3A_493 : i32
        %add3A_495 = arith.constant 0 : i32
        %add3A_496 = arith.addi %add3A_495, %mul3A_494 : i32
        %add3A_497 = arith.constant 0 : i32
        %add3A_498 = arith.addi %add3A_496, %add3A_497 : i32
        %broadcast_in_dim3A_499 = arith.constant 0 : i32
        %broadcast_in_dim3A_500 = vector.broadcast %broadcast_in_dim3A_499 : i32 to vector<16xi32>
        %add3A_501 = vector.broadcast %add3A_498 : i32 to vector<16xi32>
        %add3A_502 = arith.addi %broadcast_in_dim3A_500, %add3A_501 : vector<16xi32>
        %gather3A = tpu.vector_load_idx %arg28[%add3A_502] : memref<80xf32, #tpu.memory_space<vmem>>[vector<16xi32>], vector<16xf32>,
        %get3A_503 = arith.index_cast %add3A_498 : i32 to index
        %get3A_504 = arith.constant 0 : index
        %get3A_505 = tpu.vector_load %arg16[%get3A_503, %get3A_504] {strides = array<i32>} : memref<80x128xf32, #tpu.memory_space<vmem>>, vector<16xf32>,
        %mul3A_506 = arith.mulf %get3A_505, %gather3A : vector<16xf32>
        %swap3A_507 = arith.index_cast %add3A_498 : i32 to index
        %swap3A_508 = arith.constant 0 : index
        %swap3A_509 = tpu.vector_load %arg16[%swap3A_507, %swap3A_508] {strides = array<i32>} : memref<80x128xf32, #tpu.memory_space<vmem>>, vector<16xf32>,
        tpu.vector_store %arg16[%swap3A_507, %swap3A_508], %mul3A_506 {strides = array<i32>} : memref<80x128xf32, #tpu.memory_space<vmem>>, vector<16xf32>,
        %get3A_510 = arith.index_cast %add3A_498 : i32 to index
        %get3A_511 = arith.constant 16 : index
        %get3A_512 = tpu.vector_load %arg16[%get3A_510, %get3A_511] {strides = array<i32>} : memref<80x128xf32, #tpu.memory_space<vmem>>, vector<16xf32>,
        %mul3A_513 = arith.mulf %get3A_512, %gather3A : vector<16xf32>
        %swap3A_514 = arith.index_cast %add3A_498 : i32 to index
        %swap3A_515 = arith.constant 16 : index
        %swap3A_516 = tpu.vector_load %arg16[%swap3A_514, %swap3A_515] {strides = array<i32>} : memref<80x128xf32, #tpu.memory_space<vmem>>, vector<16xf32>,
        tpu.vector_store %arg16[%swap3A_514, %swap3A_515], %mul3A_513 {strides = array<i32>} : memref<80x128xf32, #tpu.memory_space<vmem>>, vector<16xf32>,
        %get3A_517 = arith.index_cast %add3A_498 : i32 to index
        %get3A_518 = arith.constant 32 : index
        %get3A_519 = tpu.vector_load %arg16[%get3A_517, %get3A_518] {strides = array<i32>} : memref<80x128xf32, #tpu.memory_space<vmem>>, vector<16xf32>,
        %mul3A_520 = arith.mulf %get3A_519, %gather3A : vector<16xf32>
        %swap3A_521 = arith.index_cast %add3A_498 : i32 to index
        %swap3A_522 = arith.constant 32 : index
        %swap3A_523 = tpu.vector_load %arg16[%swap3A_521, %swap3A_522] {strides = array<i32>} : memref<80x128xf32, #tpu.memory_space<vmem>>, vector<16xf32>,
        tpu.vector_store %arg16[%swap3A_521, %swap3A_522], %mul3A_520 {strides = array<i32>} : memref<80x128xf32, #tpu.memory_space<vmem>>, vector<16xf32>,
        %get3A_524 = arith.index_cast %add3A_498 : i32 to index
        %get3A_525 = arith.constant 48 : index
        %get3A_526 = tpu.vector_load %arg16[%get3A_524, %get3A_525] {strides = array<i32>} : memref<80x128xf32, #tpu.memory_space<vmem>>, vector<16xf32>,
        %mul3A_527 = arith.mulf %get3A_526, %gather3A : vector<16xf32>
        %swap3A_528 = arith.index_cast %add3A_498 : i32 to index
        %swap3A_529 = arith.constant 48 : index
        %swap3A_530 = tpu.vector_load %arg16[%swap3A_528, %swap3A_529] {strides = array<i32>} : memref<80x128xf32, #tpu.memory_space<vmem>>, vector<16xf32>,
        tpu.vector_store %arg16[%swap3A_528, %swap3A_529], %mul3A_527 {strides = array<i32>} : memref<80x128xf32, #tpu.memory_space<vmem>>, vector<16xf32>,
        %get3A_531 = arith.index_cast %add3A_498 : i32 to index
        %get3A_532 = arith.constant 64 : index
        %get3A_533 = tpu.vector_load %arg16[%get3A_531, %get3A_532] {strides = array<i32>} : memref<80x128xf32, #tpu.memory_space<vmem>>, vector<16xf32>,
        %mul3A_534 = arith.mulf %get3A_533, %gather3A : vector<16xf32>
        %swap3A_535 = arith.index_cast %add3A_498 : i32 to index
        %swap3A_536 = arith.constant 64 : index
        %swap3A_537 = tpu.vector_load %arg16[%swap3A_535, %swap3A_536] {strides = array<i32>} : memref<80x128xf32, #tpu.memory_space<vmem>>, vector<16xf32>,
        tpu.vector_store %arg16[%swap3A_535, %swap3A_536], %mul3A_534 {strides = array<i32>} : memref<80x128xf32, #tpu.memory_space<vmem>>, vector<16xf32>,
        %get3A_538 = arith.index_cast %add3A_498 : i32 to index
        %get3A_539 = arith.constant 80 : index
        %get3A_540 = tpu.vector_load %arg16[%get3A_538, %get3A_539] {strides = array<i32>} : memref<80x128xf32, #tpu.memory_space<vmem>>, vector<16xf32>,
        %mul3A_541 = arith.mulf %get3A_540, %gather3A : vector<16xf32>
        %swap3A_542 = arith.index_cast %add3A_498 : i32 to index
        %swap3A_543 = arith.constant 80 : index
        %swap3A_544 = tpu.vector_load %arg16[%swap3A_542, %swap3A_543] {strides = array<i32>} : memref<80x128xf32, #tpu.memory_space<vmem>>, vector<16xf32>,
        tpu.vector_store %arg16[%swap3A_542, %swap3A_543], %mul3A_541 {strides = array<i32>} : memref<80x128xf32, #tpu.memory_space<vmem>>, vector<16xf32>,
        %get3A_545 = arith.index_cast %add3A_498 : i32 to index
        %get3A_546 = arith.constant 96 : index
        %get3A_547 = tpu.vector_load %arg16[%get3A_545, %get3A_546] {strides = array<i32>} : memref<80x128xf32, #tpu.memory_space<vmem>>, vector<16xf32>,
        %mul3A_548 = arith.mulf %get3A_547, %gather3A : vector<16xf32>
        %swap3A_549 = arith.index_cast %add3A_498 : i32 to index
        %swap3A_550 = arith.constant 96 : index
        %swap3A_551 = tpu.vector_load %arg16[%swap3A_549, %swap3A_550] {strides = array<i32>} : memref<80x128xf32, #tpu.memory_space<vmem>>, vector<16xf32>,
        tpu.vector_store %arg16[%swap3A_549, %swap3A_550], %mul3A_548 {strides = array<i32>} : memref<80x128xf32, #tpu.memory_space<vmem>>, vector<16xf32>,
        %get3A_552 = arith.index_cast %add3A_498 : i32 to index
        %get3A_553 = arith.constant 112 : index
        %get3A_554 = tpu.vector_load %arg16[%get3A_552, %get3A_553] {strides = array<i32>} : memref<80x128xf32, #tpu.memory_space<vmem>>, vector<16xf32>,
        %mul3A_555 = arith.mulf %get3A_554, %gather3A : vector<16xf32>
        %swap3A_556 = arith.index_cast %add3A_498 : i32 to index
        %swap3A_557 = arith.constant 112 : index
        %swap3A_558 = tpu.vector_load %arg16[%swap3A_556, %swap3A_557] {strides = array<i32>} : memref<80x128xf32, #tpu.memory_space<vmem>>, vector<16xf32>,
        tpu.vector_store %arg16[%swap3A_556, %swap3A_557], %mul3A_555 {strides = array<i32>} : memref<80x128xf32, #tpu.memory_space<vmem>>, vector<16xf32>,
        %add3A_559 = arith.constant 1 : i32
        %add3A_560 = arith.addi %add3A_496, %add3A_559 : i32
        %broadcast_in_dim3A_561 = arith.constant 0 : i32
        %broadcast_in_dim3A_562 = vector.broadcast %broadcast_in_dim3A_561 : i32 to vector<16xi32>
        %add3A_563 = vector.broadcast %add3A_560 : i32 to vector<16xi32>
        %add3A_564 = arith.addi %broadcast_in_dim3A_562, %add3A_563 : vector<16xi32>
        %gather3A_565 = tpu.vector_load_idx %arg28[%add3A_564] : memref<80xf32, #tpu.memory_space<vmem>>[vector<16xi32>], vector<16xf32>,
        %get3A_566 = arith.index_cast %add3A_560 : i32 to index
        %get3A_567 = arith.constant 0 : index
        %get3A_568 = tpu.vector_load %arg16[%get3A_566, %get3A_567] {strides = array<i32>} : memref<80x128xf32, #tpu.memory_space<vmem>>, vector<16xf32>,
        %mul3A_569 = arith.mulf %get3A_568, %gather3A_565 : vector<16xf32>
        %swap3A_570 = arith.index_cast %add3A_560 : i32 to index
        %swap3A_571 = arith.constant 0 : index
        %swap3A_572 = tpu.vector_load %arg16[%swap3A_570, %swap3A_571] {strides = array<i32>} : memref<80x128xf32, #tpu.memory_space<vmem>>, vector<16xf32>,
        tpu.vector_store %arg16[%swap3A_570, %swap3A_571], %mul3A_569 {strides = array<i32>} : memref<80x128xf32, #tpu.memory_space<vmem>>, vector<16xf32>,
        %get3A_573 = arith.index_cast %add3A_560 : i32 to index
        %get3A_574 = arith.constant 16 : index
        %get3A_575 = tpu.vector_load %arg16[%get3A_573, %get3A_574] {strides = array<i32>} : memref<80x128xf32, #tpu.memory_space<vmem>>, vector<16xf32>,
        %mul3A_576 = arith.mulf %get3A_575, %gather3A_565 : vector<16xf32>
        %swap3A_577 = arith.index_cast %add3A_560 : i32 to index
        %swap3A_578 = arith.constant 16 : index
        %swap3A_579 = tpu.vector_load %arg16[%swap3A_577, %swap3A_578] {strides = array<i32>} : memref<80x128xf32, #tpu.memory_space<vmem>>, vector<16xf32>,
        tpu.vector_store %arg16[%swap3A_577, %swap3A_578], %mul3A_576 {strides = array<i32>} : memref<80x128xf32, #tpu.memory_space<vmem>>, vector<16xf32>,
        %get3A_580 = arith.index_cast %add3A_560 : i32 to index
        %get3A_581 = arith.constant 32 : index
        %get3A_582 = tpu.vector_load %arg16[%get3A_580, %get3A_581] {strides = array<i32>} : memref<80x128xf32, #tpu.memory_space<vmem>>, vector<16xf32>,
        %mul3A_583 = arith.mulf %get3A_582, %gather3A_565 : vector<16xf32>
        %swap3A_584 = arith.index_cast %add3A_560 : i32 to index
        %swap3A_585 = arith.constant 32 : index
        %swap3A_586 = tpu.vector_load %arg16[%swap3A_584, %swap3A_585] {strides = array<i32>} : memref<80x128xf32, #tpu.memory_space<vmem>>, vector<16xf32>,
        tpu.vector_store %arg16[%swap3A_584, %swap3A_585], %mul3A_583 {strides = array<i32>} : memref<80x128xf32, #tpu.memory_space<vmem>>, vector<16xf32>,
        %get3A_587 = arith.index_cast %add3A_560 : i32 to index
        %get3A_588 = arith.constant 48 : index
        %get3A_589 = tpu.vector_load %arg16[%get3A_587, %get3A_588] {strides = array<i32>} : memref<80x128xf32, #tpu.memory_space<vmem>>, vector<16xf32>,
        %mul3A_590 = arith.mulf %get3A_589, %gather3A_565 : vector<16xf32>
        %swap3A_591 = arith.index_cast %add3A_560 : i32 to index
        %swap3A_592 = arith.constant 48 : index
        %swap3A_593 = tpu.vector_load %arg16[%swap3A_591, %swap3A_592] {strides = array<i32>} : memref<80x128xf32, #tpu.memory_space<vmem>>, vector<16xf32>,
        tpu.vector_store %arg16[%swap3A_591, %swap3A_592], %mul3A_590 {strides = array<i32>} : memref<80x128xf32, #tpu.memory_space<vmem>>, vector<16xf32>,
        %get3A_594 = arith.index_cast %add3A_560 : i32 to index
        %get3A_595 = arith.constant 64 : index
        %get3A_596 = tpu.vector_load %arg16[%get3A_594, %get3A_595] {strides = array<i32>} : memref<80x128xf32, #tpu.memory_space<vmem>>, vector<16xf32>,
        %mul3A_597 = arith.mulf %get3A_596, %gather3A_565 : vector<16xf32>
        %swap3A_598 = arith.index_cast %add3A_560 : i32 to index
        %swap3A_599 = arith.constant 64 : index
        %swap3A_600 = tpu.vector_load %arg16[%swap3A_598, %swap3A_599] {strides = array<i32>} : memref<80x128xf32, #tpu.memory_space<vmem>>, vector<16xf32>,
        tpu.vector_store %arg16[%swap3A_598, %swap3A_599], %mul3A_597 {strides = array<i32>} : memref<80x128xf32, #tpu.memory_space<vmem>>, vector<16xf32>,
        %get3A_601 = arith.index_cast %add3A_560 : i32 to index
        %get3A_602 = arith.constant 80 : index
        %get3A_603 = tpu.vector_load %arg16[%get3A_601, %get3A_602] {strides = array<i32>} : memref<80x128xf32, #tpu.memory_space<vmem>>, vector<16xf32>,
        %mul3A_604 = arith.mulf %get3A_603, %gather3A_565 : vector<16xf32>
        %swap3A_605 = arith.index_cast %add3A_560 : i32 to index
        %swap3A_606 = arith.constant 80 : index
        %swap3A_607 = tpu.vector_load %arg16[%swap3A_605, %swap3A_606] {strides = array<i32>} : memref<80x128xf32, #tpu.memory_space<vmem>>, vector<16xf32>,
        tpu.vector_store %arg16[%swap3A_605, %swap3A_606], %mul3A_604 {strides = array<i32>} : memref<80x128xf32, #tpu.memory_space<vmem>>, vector<16xf32>,
        %get3A_608 = arith.index_cast %add3A_560 : i32 to index
        %get3A_609 = arith.constant 96 : index
        %get3A_610 = tpu.vector_load %arg16[%get3A_608, %get3A_609] {strides = array<i32>} : memref<80x128xf32, #tpu.memory_space<vmem>>, vector<16xf32>,
        %mul3A_611 = arith.mulf %get3A_610, %gather3A_565 : vector<16xf32>
        %swap3A_612 = arith.index_cast %add3A_560 : i32 to index
        %swap3A_613 = arith.constant 96 : index
        %swap3A_614 = tpu.vector_load %arg16[%swap3A_612, %swap3A_613] {strides = array<i32>} : memref<80x128xf32, #tpu.memory_space<vmem>>, vector<16xf32>,
        tpu.vector_store %arg16[%swap3A_612, %swap3A_613], %mul3A_611 {strides = array<i32>} : memref<80x128xf32, #tpu.memory_space<vmem>>, vector<16xf32>,
        %get3A_615 = arith.index_cast %add3A_560 : i32 to index
        %get3A_616 = arith.constant 112 : index
        %get3A_617 = tpu.vector_load %arg16[%get3A_615, %get3A_616] {strides = array<i32>} : memref<80x128xf32, #tpu.memory_space<vmem>>, vector<16xf32>,
        %mul3A_618 = arith.mulf %get3A_617, %gather3A_565 : vector<16xf32>
        %swap3A_619 = arith.index_cast %add3A_560 : i32 to index
        %swap3A_620 = arith.constant 112 : index
        %swap3A_621 = tpu.vector_load %arg16[%swap3A_619, %swap3A_620] {strides = array<i32>} : memref<80x128xf32, #tpu.memory_space<vmem>>, vector<16xf32>,
        tpu.vector_store %arg16[%swap3A_619, %swap3A_620], %mul3A_618 {strides = array<i32>} : memref<80x128xf32, #tpu.memory_space<vmem>>, vector<16xf32>,
      }
      %scan3A_293 = arith.constant 40 : i32
      %dma_start3A_294 = arith.constant 0 : i32
      %dma_start3A_295 = arith.constant 0 : i32
      %dma_start3A_296 = tpu.memref_slice %arg11[%dma_start3A_294, %dma_start3A_295] : memref<10240x128xf32, #tpu.memory_space<vmem_shared>> -> memref<10240x128xf32, #tpu.memory_space<vmem_shared>>
      tpu.enqueue_indirect_dma source(%arg16 : memref<80x128xf32, #tpu.memory_space<vmem>>) target(%dma_start3A_296 : memref<10240x128xf32, #tpu.memory_space<vmem_shared>>) offsets(%arg20 : memref<80xi32, #tpu.memory_space<vmem>>) semaphore(%arg45 : memref<!tpu.dma_semaphore, #tpu.memory_space<semaphore_mem>>) {add = true}
      %add3A_297 = arith.constant 1 : i32
      %add3A_298 = arith.addi %add3A_109, %add3A_297 : i32
      %add3A_299 = arith.constant 1 : i32
      %add3A_300 = arith.addi %add3A_298, %add3A_299 : i32
      %lt3A_301 = arith.constant 128 : i32
      %lt3A_302 = arith.cmpi slt, %add3A_300, %lt3A_301 : i32
      %ge3A_303 = arith.constant 1 : i32
      %ge3A_304 = arith.cmpi sge, %add3A_298, %ge3A_303 : i32
      %and3A_305 = arith.andi %lt3A_302, %ge3A_304 : i1
      %convert_element_type3A_306 = arith.extui %and3A_305 : i1 to i32
      %cond3A_307 = arith.constant 0 : i32
      %cond3A_308 = arith.cmpi ne, %convert_element_type3A_306, %cond3A_307 : i32
      scf.if %cond3A_308 {
        %sub3A = arith.constant 1 : i32
        %sub3A_492 = arith.subi %add3A_298, %sub3A : i32
        %dma_wait3A_493 = arith.constant 0 : i32
        %dma_wait3A_494 = arith.constant 0 : i32
        %dma_wait3A_495 = tpu.memref_slice %arg11[%dma_wait3A_493, %dma_wait3A_494] : memref<10240x128xf32, #tpu.memory_space<vmem_shared>> -> memref<10240x128xf32, #tpu.memory_space<vmem_shared>>
        tpu.wait_indirect_dma semaphore(%arg45 : memref<!tpu.dma_semaphore, #tpu.memory_space<semaphore_mem>>) src(%arg16 : memref<80x128xf32, #tpu.memory_space<vmem>>) dst(%dma_wait3A_495 : memref<10240x128xf32, #tpu.memory_space<vmem_shared>>)
        %sub3A_496 = arith.constant 1 : i32
        %sub3A_497 = arith.subi %add3A_298, %sub3A_496 : i32
        %dma_wait3A_498 = arith.constant 0 : i32
        %dma_wait3A_499 = tpu.memref_slice %arg12[%dma_wait3A_498] : memref<10240xf32, #tpu.memory_space<vmem_shared>> -> memref<10240xf32, #tpu.memory_space<vmem_shared>>
        tpu.wait_indirect_dma semaphore(%arg43 : memref<!tpu.dma_semaphore, #tpu.memory_space<semaphore_mem>>) src(%arg28 : memref<80xf32, #tpu.memory_space<vmem>>) dst(%dma_wait3A_499 : memref<10240xf32, #tpu.memory_space<vmem_shared>>)
        %dma_wait3A_500 = arith.constant 0 : i32
        %dma_wait3A_501 = tpu.memref_slice %arg14[%dma_wait3A_500] : memref<10240xf32, #tpu.memory_space<vmem_shared>> -> memref<10240xf32, #tpu.memory_space<vmem_shared>>
        tpu.wait_indirect_dma semaphore(%arg43 : memref<!tpu.dma_semaphore, #tpu.memory_space<semaphore_mem>>) src(%arg30 : memref<80xf32, #tpu.memory_space<vmem>>) dst(%dma_wait3A_501 : memref<10240xf32, #tpu.memory_space<vmem_shared>>)
        %dma_wait3A_502 = arith.constant 0 : i32
        %dma_wait3A_503 = tpu.memref_slice %arg13[%dma_wait3A_502] : memref<10240xf32, #tpu.memory_space<vmem_shared>> -> memref<10240xf32, #tpu.memory_space<vmem_shared>>
        tpu.wait_indirect_dma semaphore(%arg43 : memref<!tpu.dma_semaphore, #tpu.memory_space<semaphore_mem>>) src(%arg32 : memref<80xf32, #tpu.memory_space<vmem>>) dst(%dma_wait3A_503 : memref<10240xf32, #tpu.memory_space<vmem_shared>>)
      } else {
      }
      %lt3A_309 = arith.constant 128 : i32
      %lt3A_310 = arith.cmpi slt, %add3A_300, %lt3A_309 : i32
      %convert_element_type3A_311 = arith.extui %lt3A_310 : i1 to i32
      %cond3A_312 = arith.constant 0 : i32
      %cond3A_313 = arith.cmpi ne, %convert_element_type3A_311, %cond3A_312 : i32
      scf.if %cond3A_313 {
        %get3A_492 = arith.index_cast %add3A_300 : i32 to index
        %get3A_493 = arith.constant 0 : index
        %get3A_494 = tpu.vector_load %arg15[%get3A_492, %get3A_493] {strides = array<i32>} : memref<128x80xi32, #tpu.memory_space<vmem>>, vector<16xi32>,
        %and3A_495 = arith.andi %get3A_494, %broadcast_in_dim3A_3 : vector<16xi32>
        %swap3A_496 = arith.constant 0 : index
        %swap3A_497 = tpu.vector_load %arg18[%swap3A_496] {strides = array<i32>} : memref<80xi32, #tpu.memory_space<vmem>>, vector<16xi32>,
        tpu.vector_store %arg18[%swap3A_496], %and3A_495 {strides = array<i32>} : memref<80xi32, #tpu.memory_space<vmem>>, vector<16xi32>,
        %shift_right_logical3A_498 = arith.shrui %get3A_494, %broadcast_in_dim3A_5 : vector<16xi32>
        %swap3A_499 = arith.constant 0 : index
        %swap3A_500 = tpu.vector_load %arg20[%swap3A_499] {strides = array<i32>} : memref<80xi32, #tpu.memory_space<vmem>>, vector<16xi32>,
        tpu.vector_store %arg20[%swap3A_499], %shift_right_logical3A_498 {strides = array<i32>} : memref<80xi32, #tpu.memory_space<vmem>>, vector<16xi32>,
        %get3A_501 = arith.index_cast %add3A_300 : i32 to index
        %get3A_502 = arith.constant 16 : index
        %get3A_503 = tpu.vector_load %arg15[%get3A_501, %get3A_502] {strides = array<i32>} : memref<128x80xi32, #tpu.memory_space<vmem>>, vector<16xi32>,
        %and3A_504 = arith.andi %get3A_503, %broadcast_in_dim3A_3 : vector<16xi32>
        %swap3A_505 = arith.constant 16 : index
        %swap3A_506 = tpu.vector_load %arg18[%swap3A_505] {strides = array<i32>} : memref<80xi32, #tpu.memory_space<vmem>>, vector<16xi32>,
        tpu.vector_store %arg18[%swap3A_505], %and3A_504 {strides = array<i32>} : memref<80xi32, #tpu.memory_space<vmem>>, vector<16xi32>,
        %shift_right_logical3A_507 = arith.shrui %get3A_503, %broadcast_in_dim3A_5 : vector<16xi32>
        %swap3A_508 = arith.constant 16 : index
        %swap3A_509 = tpu.vector_load %arg20[%swap3A_508] {strides = array<i32>} : memref<80xi32, #tpu.memory_space<vmem>>, vector<16xi32>,
        tpu.vector_store %arg20[%swap3A_508], %shift_right_logical3A_507 {strides = array<i32>} : memref<80xi32, #tpu.memory_space<vmem>>, vector<16xi32>,
        %get3A_510 = arith.index_cast %add3A_300 : i32 to index
        %get3A_511 = arith.constant 32 : index
        %get3A_512 = tpu.vector_load %arg15[%get3A_510, %get3A_511] {strides = array<i32>} : memref<128x80xi32, #tpu.memory_space<vmem>>, vector<16xi32>,
        %and3A_513 = arith.andi %get3A_512, %broadcast_in_dim3A_3 : vector<16xi32>
        %swap3A_514 = arith.constant 32 : index
        %swap3A_515 = tpu.vector_load %arg18[%swap3A_514] {strides = array<i32>} : memref<80xi32, #tpu.memory_space<vmem>>, vector<16xi32>,
        tpu.vector_store %arg18[%swap3A_514], %and3A_513 {strides = array<i32>} : memref<80xi32, #tpu.memory_space<vmem>>, vector<16xi32>,
        %shift_right_logical3A_516 = arith.shrui %get3A_512, %broadcast_in_dim3A_5 : vector<16xi32>
        %swap3A_517 = arith.constant 32 : index
        %swap3A_518 = tpu.vector_load %arg20[%swap3A_517] {strides = array<i32>} : memref<80xi32, #tpu.memory_space<vmem>>, vector<16xi32>,
        tpu.vector_store %arg20[%swap3A_517], %shift_right_logical3A_516 {strides = array<i32>} : memref<80xi32, #tpu.memory_space<vmem>>, vector<16xi32>,
        %get3A_519 = arith.index_cast %add3A_300 : i32 to index
        %get3A_520 = arith.constant 48 : index
        %get3A_521 = tpu.vector_load %arg15[%get3A_519, %get3A_520] {strides = array<i32>} : memref<128x80xi32, #tpu.memory_space<vmem>>, vector<16xi32>,
        %and3A_522 = arith.andi %get3A_521, %broadcast_in_dim3A_3 : vector<16xi32>
        %swap3A_523 = arith.constant 48 : index
        %swap3A_524 = tpu.vector_load %arg18[%swap3A_523] {strides = array<i32>} : memref<80xi32, #tpu.memory_space<vmem>>, vector<16xi32>,
        tpu.vector_store %arg18[%swap3A_523], %and3A_522 {strides = array<i32>} : memref<80xi32, #tpu.memory_space<vmem>>, vector<16xi32>,
        %shift_right_logical3A_525 = arith.shrui %get3A_521, %broadcast_in_dim3A_5 : vector<16xi32>
        %swap3A_526 = arith.constant 48 : index
        %swap3A_527 = tpu.vector_load %arg20[%swap3A_526] {strides = array<i32>} : memref<80xi32, #tpu.memory_space<vmem>>, vector<16xi32>,
        tpu.vector_store %arg20[%swap3A_526], %shift_right_logical3A_525 {strides = array<i32>} : memref<80xi32, #tpu.memory_space<vmem>>, vector<16xi32>,
        %get3A_528 = arith.index_cast %add3A_300 : i32 to index
        %get3A_529 = arith.constant 64 : index
        %get3A_530 = tpu.vector_load %arg15[%get3A_528, %get3A_529] {strides = array<i32>} : memref<128x80xi32, #tpu.memory_space<vmem>>, vector<16xi32>,
        %and3A_531 = arith.andi %get3A_530, %broadcast_in_dim3A_3 : vector<16xi32>
        %swap3A_532 = arith.constant 64 : index
        %swap3A_533 = tpu.vector_load %arg18[%swap3A_532] {strides = array<i32>} : memref<80xi32, #tpu.memory_space<vmem>>, vector<16xi32>,
        tpu.vector_store %arg18[%swap3A_532], %and3A_531 {strides = array<i32>} : memref<80xi32, #tpu.memory_space<vmem>>, vector<16xi32>,
        %shift_right_logical3A_534 = arith.shrui %get3A_530, %broadcast_in_dim3A_5 : vector<16xi32>
        %swap3A_535 = arith.constant 64 : index
        %swap3A_536 = tpu.vector_load %arg20[%swap3A_535] {strides = array<i32>} : memref<80xi32, #tpu.memory_space<vmem>>, vector<16xi32>,
        tpu.vector_store %arg20[%swap3A_535], %shift_right_logical3A_534 {strides = array<i32>} : memref<80xi32, #tpu.memory_space<vmem>>, vector<16xi32>,
        %mul3A_537 = arith.constant 10240 : i32
        %mul3A_538 = arith.muli %add3A, %mul3A_537 : i32
        %mul3A_539 = arith.constant 80 : i32
        %mul3A_540 = arith.muli %add3A_300, %mul3A_539 : i32
        %add3A_541 = arith.addi %mul3A_538, %mul3A_540 : i32
        %dma_start3A_542 = arith.constant 0 : i32
        %dma_start3A_543 = arith.constant 0 : i32
        %dma_start3A_544 = tpu.memref_slice %arg2[%dma_start3A_542, %dma_start3A_543] : memref<10240x128xf32, #tpu.memory_space<hbm>> -> memref<10240x128xf32, #tpu.memory_space<hbm>>
        tpu.enqueue_indirect_dma source(%dma_start3A_544 : memref<10240x128xf32, #tpu.memory_space<hbm>>) target(%arg16 : memref<80x128xf32, #tpu.memory_space<vmem>>) offsets(%arg18 : memref<80xi32, #tpu.memory_space<vmem>>) semaphore(%arg35 : memref<!tpu.dma_semaphore, #tpu.memory_space<semaphore_mem>>)
        %dma_start3A_545 = arith.constant 0 : i32
        %dma_start3A_546 = tpu.memref_slice %arg3[%dma_start3A_545] : memref<10240xf32, #tpu.memory_space<hbm>> -> memref<10240xf32, #tpu.memory_space<hbm>>
        tpu.enqueue_indirect_dma source(%dma_start3A_546 : memref<10240xf32, #tpu.memory_space<hbm>>) target(%arg22 : memref<80xf32, #tpu.memory_space<vmem>>) offsets(%arg18 : memref<80xi32, #tpu.memory_space<vmem>>) semaphore(%arg37 : memref<!tpu.dma_semaphore, #tpu.memory_space<semaphore_mem>>)
        %dma_start3A_547 = arith.constant 0 : i32
        %dma_start3A_548 = tpu.memref_slice %arg4[%dma_start3A_547] : memref<10240xf32, #tpu.memory_space<hbm>> -> memref<10240xf32, #tpu.memory_space<hbm>>
        tpu.enqueue_indirect_dma source(%dma_start3A_548 : memref<10240xf32, #tpu.memory_space<hbm>>) target(%arg24 : memref<80xf32, #tpu.memory_space<vmem>>) offsets(%arg20 : memref<80xi32, #tpu.memory_space<vmem>>) semaphore(%arg39 : memref<!tpu.dma_semaphore, #tpu.memory_space<semaphore_mem>>)
        %dma_start3A_549 = tpu.memref_slice %arg6[%add3A_541] : memref<327680xf32, #tpu.memory_space<hbm>> -> memref<80xf32, #tpu.memory_space<hbm>>
        %dma_start3A_550 = tpu.memref_slice %arg6[%add3A_541] : memref<327680xf32, #tpu.memory_space<hbm>> -> memref<80xf32, #tpu.memory_space<hbm>>
        tpu.enqueue_dma source(%dma_start3A_550 : memref<80xf32, #tpu.memory_space<hbm>>) target(%arg26 : memref<80xf32, #tpu.memory_space<vmem>>) target_semaphore(%arg41 : memref<!tpu.dma_semaphore, #tpu.memory_space<semaphore_mem>>)
      } else {
      }
      %mul3A_314 = arith.constant 10240 : i32
      %mul3A_315 = arith.muli %add3A, %mul3A_314 : i32
      %mul3A_316 = arith.constant 80 : i32
      %mul3A_317 = arith.muli %add3A_298, %mul3A_316 : i32
      %add3A_318 = arith.addi %mul3A_315, %mul3A_317 : i32
      %dma_wait3A_319 = arith.constant 0 : i32
      %dma_wait3A_320 = tpu.memref_slice %arg3[%dma_wait3A_319] : memref<10240xf32, #tpu.memory_space<hbm>> -> memref<10240xf32, #tpu.memory_space<hbm>>
      tpu.wait_indirect_dma semaphore(%arg38 : memref<!tpu.dma_semaphore, #tpu.memory_space<semaphore_mem>>) src(%dma_wait3A_320 : memref<10240xf32, #tpu.memory_space<hbm>>) dst(%arg23 : memref<80xf32, #tpu.memory_space<vmem>>)
      %dma_wait3A_321 = arith.constant 0 : i32
      %dma_wait3A_322 = tpu.memref_slice %arg4[%dma_wait3A_321] : memref<10240xf32, #tpu.memory_space<hbm>> -> memref<10240xf32, #tpu.memory_space<hbm>>
      tpu.wait_indirect_dma semaphore(%arg40 : memref<!tpu.dma_semaphore, #tpu.memory_space<semaphore_mem>>) src(%dma_wait3A_322 : memref<10240xf32, #tpu.memory_space<hbm>>) dst(%arg25 : memref<80xf32, #tpu.memory_space<vmem>>)
      %dma_wait3A_323 = tpu.memref_slice %arg6[%add3A_318] : memref<327680xf32, #tpu.memory_space<hbm>> -> memref<80xf32, #tpu.memory_space<hbm>>
      %dma_wait3A_324 = tpu.memref_slice %arg6[%add3A_318] : memref<327680xf32, #tpu.memory_space<hbm>> -> memref<80xf32, #tpu.memory_space<hbm>>
      tpu.wait_dma2 semaphore(%arg42 : memref<!tpu.dma_semaphore, #tpu.memory_space<semaphore_mem>>) src(%dma_wait3A_324 : memref<80xf32, #tpu.memory_space<hbm>>) dst(%arg27 : memref<80xf32, #tpu.memory_space<vmem>>)
      %get3A_325 = arith.constant 0 : index
      %get3A_326 = tpu.vector_load %arg19[%get3A_325] {strides = array<i32>} : memref<80xi32, #tpu.memory_space<vmem>>, vector<16xi32>,
      %get3A_327 = arith.constant 0 : index
      %get3A_328 = tpu.vector_load %arg21[%get3A_327] {strides = array<i32>} : memref<80xi32, #tpu.memory_space<vmem>>, vector<16xi32>,
      %get3A_329 = arith.constant 0 : index
      %get3A_330 = tpu.vector_load %arg27[%get3A_329] {strides = array<i32>} : memref<80xf32, #tpu.memory_space<vmem>>, vector<16xf32>,
      %get3A_331 = arith.constant 0 : index
      %get3A_332 = tpu.vector_load %arg23[%get3A_331] {strides = array<i32>} : memref<80xf32, #tpu.memory_space<vmem>>, vector<16xf32>,
      %get3A_333 = arith.constant 0 : index
      %get3A_334 = tpu.vector_load %arg25[%get3A_333] {strides = array<i32>} : memref<80xf32, #tpu.memory_space<vmem>>, vector<16xf32>,
      %add3A_335 = arith.addf %get3A_332, %get3A_334 : vector<16xf32>
      %add3A_336 = arith.addf %add3A_335, %get3A_330 : vector<16xf32>
      %ne3A_337 = arith.cmpi ne, %get3A_326, %get3A_328 : vector<16xi32>
      %select_n3A_338 = arith.select %ne3A_337, %add3A_336, %broadcast_in_dim3A_23 : vector<16xi1>, vector<16xf32>
      %gt3A_339 = arith.constant 0.000000e+00 : f32
      %gt3A_340 = vector.broadcast %gt3A_339 : f32 to vector<16xf32>
      %gt3A_341 = arith.cmpf ogt, %select_n3A_338, %gt3A_340 : vector<16xf32>
      %mul3A_342 = arith.constant 2.000000e-01 : f32
      %mul3A_343 = vector.broadcast %mul3A_342 : f32 to vector<16xf32>
      %mul3A_344 = arith.mulf %select_n3A_338, %mul3A_343 : vector<16xf32>
      %select_n3A_345 = arith.select %gt3A_341, %select_n3A_338, %mul3A_344 : vector<16xi1>, vector<16xf32>
      %exp3A_346 = math.exp %select_n3A_345 : vector<16xf32>
      %select_n3A_347 = arith.select %ne3A_337, %broadcast_in_dim3A_27, %broadcast_in_dim3A_25 : vector<16xi1>, vector<16xf32>
      %swap3A_348 = arith.constant 0 : index
      %swap3A_349 = tpu.vector_load %arg29[%swap3A_348] {strides = array<i32>} : memref<80xf32, #tpu.memory_space<vmem>>, vector<16xf32>,
      tpu.vector_store %arg29[%swap3A_348], %exp3A_346 {strides = array<i32>} : memref<80xf32, #tpu.memory_space<vmem>>, vector<16xf32>,
      %swap3A_350 = arith.constant 0 : index
      %swap3A_351 = tpu.vector_load %arg31[%swap3A_350] {strides = array<i32>} : memref<80xf32, #tpu.memory_space<vmem>>, vector<16xf32>,
      tpu.vector_store %arg31[%swap3A_350], %select_n3A_347 {strides = array<i32>} : memref<80xf32, #tpu.memory_space<vmem>>, vector<16xf32>,
      %mul3A_352 = arith.mulf %get3A_330, %select_n3A_347 : vector<16xf32>
      %swap3A_353 = arith.constant 0 : index
      %swap3A_354 = tpu.vector_load %arg33[%swap3A_353] {strides = array<i32>} : memref<80xf32, #tpu.memory_space<vmem>>, vector<16xf32>,
      tpu.vector_store %arg33[%swap3A_353], %mul3A_352 {strides = array<i32>} : memref<80xf32, #tpu.memory_space<vmem>>, vector<16xf32>,
      %get3A_355 = arith.constant 16 : index
      %get3A_356 = tpu.vector_load %arg19[%get3A_355] {strides = array<i32>} : memref<80xi32, #tpu.memory_space<vmem>>, vector<16xi32>,
      %get3A_357 = arith.constant 16 : index
      %get3A_358 = tpu.vector_load %arg21[%get3A_357] {strides = array<i32>} : memref<80xi32, #tpu.memory_space<vmem>>, vector<16xi32>,
      %get3A_359 = arith.constant 16 : index
      %get3A_360 = tpu.vector_load %arg27[%get3A_359] {strides = array<i32>} : memref<80xf32, #tpu.memory_space<vmem>>, vector<16xf32>,
      %get3A_361 = arith.constant 16 : index
      %get3A_362 = tpu.vector_load %arg23[%get3A_361] {strides = array<i32>} : memref<80xf32, #tpu.memory_space<vmem>>, vector<16xf32>,
      %get3A_363 = arith.constant 16 : index
      %get3A_364 = tpu.vector_load %arg25[%get3A_363] {strides = array<i32>} : memref<80xf32, #tpu.memory_space<vmem>>, vector<16xf32>,
      %add3A_365 = arith.addf %get3A_362, %get3A_364 : vector<16xf32>
      %add3A_366 = arith.addf %add3A_365, %get3A_360 : vector<16xf32>
      %ne3A_367 = arith.cmpi ne, %get3A_356, %get3A_358 : vector<16xi32>
      %select_n3A_368 = arith.select %ne3A_367, %add3A_366, %broadcast_in_dim3A_23 : vector<16xi1>, vector<16xf32>
      %gt3A_369 = arith.constant 0.000000e+00 : f32
      %gt3A_370 = vector.broadcast %gt3A_369 : f32 to vector<16xf32>
      %gt3A_371 = arith.cmpf ogt, %select_n3A_368, %gt3A_370 : vector<16xf32>
      %mul3A_372 = arith.constant 2.000000e-01 : f32
      %mul3A_373 = vector.broadcast %mul3A_372 : f32 to vector<16xf32>
      %mul3A_374 = arith.mulf %select_n3A_368, %mul3A_373 : vector<16xf32>
      %select_n3A_375 = arith.select %gt3A_371, %select_n3A_368, %mul3A_374 : vector<16xi1>, vector<16xf32>
      %exp3A_376 = math.exp %select_n3A_375 : vector<16xf32>
      %select_n3A_377 = arith.select %ne3A_367, %broadcast_in_dim3A_27, %broadcast_in_dim3A_25 : vector<16xi1>, vector<16xf32>
      %swap3A_378 = arith.constant 16 : index
      %swap3A_379 = tpu.vector_load %arg29[%swap3A_378] {strides = array<i32>} : memref<80xf32, #tpu.memory_space<vmem>>, vector<16xf32>,
      tpu.vector_store %arg29[%swap3A_378], %exp3A_376 {strides = array<i32>} : memref<80xf32, #tpu.memory_space<vmem>>, vector<16xf32>,
      %swap3A_380 = arith.constant 16 : index
      %swap3A_381 = tpu.vector_load %arg31[%swap3A_380] {strides = array<i32>} : memref<80xf32, #tpu.memory_space<vmem>>, vector<16xf32>,
      tpu.vector_store %arg31[%swap3A_380], %select_n3A_377 {strides = array<i32>} : memref<80xf32, #tpu.memory_space<vmem>>, vector<16xf32>,
      %mul3A_382 = arith.mulf %get3A_360, %select_n3A_377 : vector<16xf32>
      %swap3A_383 = arith.constant 16 : index
      %swap3A_384 = tpu.vector_load %arg33[%swap3A_383] {strides = array<i32>} : memref<80xf32, #tpu.memory_space<vmem>>, vector<16xf32>,
      tpu.vector_store %arg33[%swap3A_383], %mul3A_382 {strides = array<i32>} : memref<80xf32, #tpu.memory_space<vmem>>, vector<16xf32>,
      %get3A_385 = arith.constant 32 : index
      %get3A_386 = tpu.vector_load %arg19[%get3A_385] {strides = array<i32>} : memref<80xi32, #tpu.memory_space<vmem>>, vector<16xi32>,
      %get3A_387 = arith.constant 32 : index
      %get3A_388 = tpu.vector_load %arg21[%get3A_387] {strides = array<i32>} : memref<80xi32, #tpu.memory_space<vmem>>, vector<16xi32>,
      %get3A_389 = arith.constant 32 : index
      %get3A_390 = tpu.vector_load %arg27[%get3A_389] {strides = array<i32>} : memref<80xf32, #tpu.memory_space<vmem>>, vector<16xf32>,
      %get3A_391 = arith.constant 32 : index
      %get3A_392 = tpu.vector_load %arg23[%get3A_391] {strides = array<i32>} : memref<80xf32, #tpu.memory_space<vmem>>, vector<16xf32>,
      %get3A_393 = arith.constant 32 : index
      %get3A_394 = tpu.vector_load %arg25[%get3A_393] {strides = array<i32>} : memref<80xf32, #tpu.memory_space<vmem>>, vector<16xf32>,
      %add3A_395 = arith.addf %get3A_392, %get3A_394 : vector<16xf32>
      %add3A_396 = arith.addf %add3A_395, %get3A_390 : vector<16xf32>
      %ne3A_397 = arith.cmpi ne, %get3A_386, %get3A_388 : vector<16xi32>
      %select_n3A_398 = arith.select %ne3A_397, %add3A_396, %broadcast_in_dim3A_23 : vector<16xi1>, vector<16xf32>
      %gt3A_399 = arith.constant 0.000000e+00 : f32
      %gt3A_400 = vector.broadcast %gt3A_399 : f32 to vector<16xf32>
      %gt3A_401 = arith.cmpf ogt, %select_n3A_398, %gt3A_400 : vector<16xf32>
      %mul3A_402 = arith.constant 2.000000e-01 : f32
      %mul3A_403 = vector.broadcast %mul3A_402 : f32 to vector<16xf32>
      %mul3A_404 = arith.mulf %select_n3A_398, %mul3A_403 : vector<16xf32>
      %select_n3A_405 = arith.select %gt3A_401, %select_n3A_398, %mul3A_404 : vector<16xi1>, vector<16xf32>
      %exp3A_406 = math.exp %select_n3A_405 : vector<16xf32>
      %select_n3A_407 = arith.select %ne3A_397, %broadcast_in_dim3A_27, %broadcast_in_dim3A_25 : vector<16xi1>, vector<16xf32>
      %swap3A_408 = arith.constant 32 : index
      %swap3A_409 = tpu.vector_load %arg29[%swap3A_408] {strides = array<i32>} : memref<80xf32, #tpu.memory_space<vmem>>, vector<16xf32>,
      tpu.vector_store %arg29[%swap3A_408], %exp3A_406 {strides = array<i32>} : memref<80xf32, #tpu.memory_space<vmem>>, vector<16xf32>,
      %swap3A_410 = arith.constant 32 : index
      %swap3A_411 = tpu.vector_load %arg31[%swap3A_410] {strides = array<i32>} : memref<80xf32, #tpu.memory_space<vmem>>, vector<16xf32>,
      tpu.vector_store %arg31[%swap3A_410], %select_n3A_407 {strides = array<i32>} : memref<80xf32, #tpu.memory_space<vmem>>, vector<16xf32>,
      %mul3A_412 = arith.mulf %get3A_390, %select_n3A_407 : vector<16xf32>
      %swap3A_413 = arith.constant 32 : index
      %swap3A_414 = tpu.vector_load %arg33[%swap3A_413] {strides = array<i32>} : memref<80xf32, #tpu.memory_space<vmem>>, vector<16xf32>,
      tpu.vector_store %arg33[%swap3A_413], %mul3A_412 {strides = array<i32>} : memref<80xf32, #tpu.memory_space<vmem>>, vector<16xf32>,
      %get3A_415 = arith.constant 48 : index
      %get3A_416 = tpu.vector_load %arg19[%get3A_415] {strides = array<i32>} : memref<80xi32, #tpu.memory_space<vmem>>, vector<16xi32>,
      %get3A_417 = arith.constant 48 : index
      %get3A_418 = tpu.vector_load %arg21[%get3A_417] {strides = array<i32>} : memref<80xi32, #tpu.memory_space<vmem>>, vector<16xi32>,
      %get3A_419 = arith.constant 48 : index
      %get3A_420 = tpu.vector_load %arg27[%get3A_419] {strides = array<i32>} : memref<80xf32, #tpu.memory_space<vmem>>, vector<16xf32>,
      %get3A_421 = arith.constant 48 : index
      %get3A_422 = tpu.vector_load %arg23[%get3A_421] {strides = array<i32>} : memref<80xf32, #tpu.memory_space<vmem>>, vector<16xf32>,
      %get3A_423 = arith.constant 48 : index
      %get3A_424 = tpu.vector_load %arg25[%get3A_423] {strides = array<i32>} : memref<80xf32, #tpu.memory_space<vmem>>, vector<16xf32>,
      %add3A_425 = arith.addf %get3A_422, %get3A_424 : vector<16xf32>
      %add3A_426 = arith.addf %add3A_425, %get3A_420 : vector<16xf32>
      %ne3A_427 = arith.cmpi ne, %get3A_416, %get3A_418 : vector<16xi32>
      %select_n3A_428 = arith.select %ne3A_427, %add3A_426, %broadcast_in_dim3A_23 : vector<16xi1>, vector<16xf32>
      %gt3A_429 = arith.constant 0.000000e+00 : f32
      %gt3A_430 = vector.broadcast %gt3A_429 : f32 to vector<16xf32>
      %gt3A_431 = arith.cmpf ogt, %select_n3A_428, %gt3A_430 : vector<16xf32>
      %mul3A_432 = arith.constant 2.000000e-01 : f32
      %mul3A_433 = vector.broadcast %mul3A_432 : f32 to vector<16xf32>
      %mul3A_434 = arith.mulf %select_n3A_428, %mul3A_433 : vector<16xf32>
      %select_n3A_435 = arith.select %gt3A_431, %select_n3A_428, %mul3A_434 : vector<16xi1>, vector<16xf32>
      %exp3A_436 = math.exp %select_n3A_435 : vector<16xf32>
      %select_n3A_437 = arith.select %ne3A_427, %broadcast_in_dim3A_27, %broadcast_in_dim3A_25 : vector<16xi1>, vector<16xf32>
      %swap3A_438 = arith.constant 48 : index
      %swap3A_439 = tpu.vector_load %arg29[%swap3A_438] {strides = array<i32>} : memref<80xf32, #tpu.memory_space<vmem>>, vector<16xf32>,
      tpu.vector_store %arg29[%swap3A_438], %exp3A_436 {strides = array<i32>} : memref<80xf32, #tpu.memory_space<vmem>>, vector<16xf32>,
      %swap3A_440 = arith.constant 48 : index
      %swap3A_441 = tpu.vector_load %arg31[%swap3A_440] {strides = array<i32>} : memref<80xf32, #tpu.memory_space<vmem>>, vector<16xf32>,
      tpu.vector_store %arg31[%swap3A_440], %select_n3A_437 {strides = array<i32>} : memref<80xf32, #tpu.memory_space<vmem>>, vector<16xf32>,
      %mul3A_442 = arith.mulf %get3A_420, %select_n3A_437 : vector<16xf32>
      %swap3A_443 = arith.constant 48 : index
      %swap3A_444 = tpu.vector_load %arg33[%swap3A_443] {strides = array<i32>} : memref<80xf32, #tpu.memory_space<vmem>>, vector<16xf32>,
      tpu.vector_store %arg33[%swap3A_443], %mul3A_442 {strides = array<i32>} : memref<80xf32, #tpu.memory_space<vmem>>, vector<16xf32>,
      %get3A_445 = arith.constant 64 : index
      %get3A_446 = tpu.vector_load %arg19[%get3A_445] {strides = array<i32>} : memref<80xi32, #tpu.memory_space<vmem>>, vector<16xi32>,
      %get3A_447 = arith.constant 64 : index
      %get3A_448 = tpu.vector_load %arg21[%get3A_447] {strides = array<i32>} : memref<80xi32, #tpu.memory_space<vmem>>, vector<16xi32>,
      %get3A_449 = arith.constant 64 : index
      %get3A_450 = tpu.vector_load %arg27[%get3A_449] {strides = array<i32>} : memref<80xf32, #tpu.memory_space<vmem>>, vector<16xf32>,
      %get3A_451 = arith.constant 64 : index
      %get3A_452 = tpu.vector_load %arg23[%get3A_451] {strides = array<i32>} : memref<80xf32, #tpu.memory_space<vmem>>, vector<16xf32>,
      %get3A_453 = arith.constant 64 : index
      %get3A_454 = tpu.vector_load %arg25[%get3A_453] {strides = array<i32>} : memref<80xf32, #tpu.memory_space<vmem>>, vector<16xf32>,
      %add3A_455 = arith.addf %get3A_452, %get3A_454 : vector<16xf32>
      %add3A_456 = arith.addf %add3A_455, %get3A_450 : vector<16xf32>
      %ne3A_457 = arith.cmpi ne, %get3A_446, %get3A_448 : vector<16xi32>
      %select_n3A_458 = arith.select %ne3A_457, %add3A_456, %broadcast_in_dim3A_23 : vector<16xi1>, vector<16xf32>
      %gt3A_459 = arith.constant 0.000000e+00 : f32
      %gt3A_460 = vector.broadcast %gt3A_459 : f32 to vector<16xf32>
      %gt3A_461 = arith.cmpf ogt, %select_n3A_458, %gt3A_460 : vector<16xf32>
      %mul3A_462 = arith.constant 2.000000e-01 : f32
      %mul3A_463 = vector.broadcast %mul3A_462 : f32 to vector<16xf32>
      %mul3A_464 = arith.mulf %select_n3A_458, %mul3A_463 : vector<16xf32>
      %select_n3A_465 = arith.select %gt3A_461, %select_n3A_458, %mul3A_464 : vector<16xi1>, vector<16xf32>
      %exp3A_466 = math.exp %select_n3A_465 : vector<16xf32>
      %select_n3A_467 = arith.select %ne3A_457, %broadcast_in_dim3A_27, %broadcast_in_dim3A_25 : vector<16xi1>, vector<16xf32>
      %swap3A_468 = arith.constant 64 : index
      %swap3A_469 = tpu.vector_load %arg29[%swap3A_468] {strides = array<i32>} : memref<80xf32, #tpu.memory_space<vmem>>, vector<16xf32>,
      tpu.vector_store %arg29[%swap3A_468], %exp3A_466 {strides = array<i32>} : memref<80xf32, #tpu.memory_space<vmem>>, vector<16xf32>,
      %swap3A_470 = arith.constant 64 : index
      %swap3A_471 = tpu.vector_load %arg31[%swap3A_470] {strides = array<i32>} : memref<80xf32, #tpu.memory_space<vmem>>, vector<16xf32>,
      tpu.vector_store %arg31[%swap3A_470], %select_n3A_467 {strides = array<i32>} : memref<80xf32, #tpu.memory_space<vmem>>, vector<16xf32>,
      %mul3A_472 = arith.mulf %get3A_450, %select_n3A_467 : vector<16xf32>
      %swap3A_473 = arith.constant 64 : index
      %swap3A_474 = tpu.vector_load %arg33[%swap3A_473] {strides = array<i32>} : memref<80xf32, #tpu.memory_space<vmem>>, vector<16xf32>,
      tpu.vector_store %arg33[%swap3A_473], %mul3A_472 {strides = array<i32>} : memref<80xf32, #tpu.memory_space<vmem>>, vector<16xf32>,
      %dma_start3A_475 = arith.constant 0 : i32
      %dma_start3A_476 = tpu.memref_slice %arg12[%dma_start3A_475] : memref<10240xf32, #tpu.memory_space<vmem_shared>> -> memref<10240xf32, #tpu.memory_space<vmem_shared>>
      tpu.enqueue_indirect_dma source(%arg29 : memref<80xf32, #tpu.memory_space<vmem>>) target(%dma_start3A_476 : memref<10240xf32, #tpu.memory_space<vmem_shared>>) offsets(%arg21 : memref<80xi32, #tpu.memory_space<vmem>>) semaphore(%arg44 : memref<!tpu.dma_semaphore, #tpu.memory_space<semaphore_mem>>) {add = true}
      %dma_start3A_477 = arith.constant 0 : i32
      %dma_start3A_478 = tpu.memref_slice %arg14[%dma_start3A_477] : memref<10240xf32, #tpu.memory_space<vmem_shared>> -> memref<10240xf32, #tpu.memory_space<vmem_shared>>
      tpu.enqueue_indirect_dma source(%arg31 : memref<80xf32, #tpu.memory_space<vmem>>) target(%dma_start3A_478 : memref<10240xf32, #tpu.memory_space<vmem_shared>>) offsets(%arg21 : memref<80xi32, #tpu.memory_space<vmem>>) semaphore(%arg44 : memref<!tpu.dma_semaphore, #tpu.memory_space<semaphore_mem>>) {add = true}
      %dma_start3A_479 = arith.constant 0 : i32
      %dma_start3A_480 = tpu.memref_slice %arg13[%dma_start3A_479] : memref<10240xf32, #tpu.memory_space<vmem_shared>> -> memref<10240xf32, #tpu.memory_space<vmem_shared>>
      tpu.enqueue_indirect_dma source(%arg33 : memref<80xf32, #tpu.memory_space<vmem>>) target(%dma_start3A_480 : memref<10240xf32, #tpu.memory_space<vmem_shared>>) offsets(%arg21 : memref<80xi32, #tpu.memory_space<vmem>>) semaphore(%arg44 : memref<!tpu.dma_semaphore, #tpu.memory_space<semaphore_mem>>) {add = true}
      %dma_wait3A_481 = arith.constant 0 : i32
      %dma_wait3A_482 = arith.constant 0 : i32
      %dma_wait3A_483 = tpu.memref_slice %arg2[%dma_wait3A_481, %dma_wait3A_482] : memref<10240x128xf32, #tpu.memory_space<hbm>> -> memref<10240x128xf32, #tpu.memory_space<hbm>>
      tpu.wait_indirect_dma semaphore(%arg36 : memref<!tpu.dma_semaphore, #tpu.memory_space<semaphore_mem>>) src(%dma_wait3A_483 : memref<10240x128xf32, #tpu.memory_space<hbm>>) dst(%arg17 : memref<80x128xf32, #tpu.memory_space<vmem>>)
      %scan3A_484 = arith.constant 0 : i32
      %scan3A_485 = arith.constant 40 : i32
      %scan3A_486 = arith.addi %scan3A_484, %scan3A_485 : i32
      %scan3A_487 = arith.constant 1 : i32
      scf.for %scan3A_492 = %scan3A_484 to %scan3A_486 step %scan3A_487  : i32 {
        %mul3A_493 = arith.constant 2 : i32
        %mul3A_494 = arith.muli %scan3A_492, %mul3A_493 : i32
        %add3A_495 = arith.constant 0 : i32
        %add3A_496 = arith.addi %add3A_495, %mul3A_494 : i32
        %add3A_497 = arith.constant 0 : i32
        %add3A_498 = arith.addi %add3A_496, %add3A_497 : i32
        %broadcast_in_dim3A_499 = arith.constant 0 : i32
        %broadcast_in_dim3A_500 = vector.broadcast %broadcast_in_dim3A_499 : i32 to vector<16xi32>
        %add3A_501 = vector.broadcast %add3A_498 : i32 to vector<16xi32>
        %add3A_502 = arith.addi %broadcast_in_dim3A_500, %add3A_501 : vector<16xi32>
        %gather3A = tpu.vector_load_idx %arg29[%add3A_502] : memref<80xf32, #tpu.memory_space<vmem>>[vector<16xi32>], vector<16xf32>,
        %get3A_503 = arith.index_cast %add3A_498 : i32 to index
        %get3A_504 = arith.constant 0 : index
        %get3A_505 = tpu.vector_load %arg17[%get3A_503, %get3A_504] {strides = array<i32>} : memref<80x128xf32, #tpu.memory_space<vmem>>, vector<16xf32>,
        %mul3A_506 = arith.mulf %get3A_505, %gather3A : vector<16xf32>
        %swap3A_507 = arith.index_cast %add3A_498 : i32 to index
        %swap3A_508 = arith.constant 0 : index
        %swap3A_509 = tpu.vector_load %arg17[%swap3A_507, %swap3A_508] {strides = array<i32>} : memref<80x128xf32, #tpu.memory_space<vmem>>, vector<16xf32>,
        tpu.vector_store %arg17[%swap3A_507, %swap3A_508], %mul3A_506 {strides = array<i32>} : memref<80x128xf32, #tpu.memory_space<vmem>>, vector<16xf32>,
        %get3A_510 = arith.index_cast %add3A_498 : i32 to index
        %get3A_511 = arith.constant 16 : index
        %get3A_512 = tpu.vector_load %arg17[%get3A_510, %get3A_511] {strides = array<i32>} : memref<80x128xf32, #tpu.memory_space<vmem>>, vector<16xf32>,
        %mul3A_513 = arith.mulf %get3A_512, %gather3A : vector<16xf32>
        %swap3A_514 = arith.index_cast %add3A_498 : i32 to index
        %swap3A_515 = arith.constant 16 : index
        %swap3A_516 = tpu.vector_load %arg17[%swap3A_514, %swap3A_515] {strides = array<i32>} : memref<80x128xf32, #tpu.memory_space<vmem>>, vector<16xf32>,
        tpu.vector_store %arg17[%swap3A_514, %swap3A_515], %mul3A_513 {strides = array<i32>} : memref<80x128xf32, #tpu.memory_space<vmem>>, vector<16xf32>,
        %get3A_517 = arith.index_cast %add3A_498 : i32 to index
        %get3A_518 = arith.constant 32 : index
        %get3A_519 = tpu.vector_load %arg17[%get3A_517, %get3A_518] {strides = array<i32>} : memref<80x128xf32, #tpu.memory_space<vmem>>, vector<16xf32>,
        %mul3A_520 = arith.mulf %get3A_519, %gather3A : vector<16xf32>
        %swap3A_521 = arith.index_cast %add3A_498 : i32 to index
        %swap3A_522 = arith.constant 32 : index
        %swap3A_523 = tpu.vector_load %arg17[%swap3A_521, %swap3A_522] {strides = array<i32>} : memref<80x128xf32, #tpu.memory_space<vmem>>, vector<16xf32>,
        tpu.vector_store %arg17[%swap3A_521, %swap3A_522], %mul3A_520 {strides = array<i32>} : memref<80x128xf32, #tpu.memory_space<vmem>>, vector<16xf32>,
        %get3A_524 = arith.index_cast %add3A_498 : i32 to index
        %get3A_525 = arith.constant 48 : index
        %get3A_526 = tpu.vector_load %arg17[%get3A_524, %get3A_525] {strides = array<i32>} : memref<80x128xf32, #tpu.memory_space<vmem>>, vector<16xf32>,
        %mul3A_527 = arith.mulf %get3A_526, %gather3A : vector<16xf32>
        %swap3A_528 = arith.index_cast %add3A_498 : i32 to index
        %swap3A_529 = arith.constant 48 : index
        %swap3A_530 = tpu.vector_load %arg17[%swap3A_528, %swap3A_529] {strides = array<i32>} : memref<80x128xf32, #tpu.memory_space<vmem>>, vector<16xf32>,
        tpu.vector_store %arg17[%swap3A_528, %swap3A_529], %mul3A_527 {strides = array<i32>} : memref<80x128xf32, #tpu.memory_space<vmem>>, vector<16xf32>,
        %get3A_531 = arith.index_cast %add3A_498 : i32 to index
        %get3A_532 = arith.constant 64 : index
        %get3A_533 = tpu.vector_load %arg17[%get3A_531, %get3A_532] {strides = array<i32>} : memref<80x128xf32, #tpu.memory_space<vmem>>, vector<16xf32>,
        %mul3A_534 = arith.mulf %get3A_533, %gather3A : vector<16xf32>
        %swap3A_535 = arith.index_cast %add3A_498 : i32 to index
        %swap3A_536 = arith.constant 64 : index
        %swap3A_537 = tpu.vector_load %arg17[%swap3A_535, %swap3A_536] {strides = array<i32>} : memref<80x128xf32, #tpu.memory_space<vmem>>, vector<16xf32>,
        tpu.vector_store %arg17[%swap3A_535, %swap3A_536], %mul3A_534 {strides = array<i32>} : memref<80x128xf32, #tpu.memory_space<vmem>>, vector<16xf32>,
        %get3A_538 = arith.index_cast %add3A_498 : i32 to index
        %get3A_539 = arith.constant 80 : index
        %get3A_540 = tpu.vector_load %arg17[%get3A_538, %get3A_539] {strides = array<i32>} : memref<80x128xf32, #tpu.memory_space<vmem>>, vector<16xf32>,
        %mul3A_541 = arith.mulf %get3A_540, %gather3A : vector<16xf32>
        %swap3A_542 = arith.index_cast %add3A_498 : i32 to index
        %swap3A_543 = arith.constant 80 : index
        %swap3A_544 = tpu.vector_load %arg17[%swap3A_542, %swap3A_543] {strides = array<i32>} : memref<80x128xf32, #tpu.memory_space<vmem>>, vector<16xf32>,
        tpu.vector_store %arg17[%swap3A_542, %swap3A_543], %mul3A_541 {strides = array<i32>} : memref<80x128xf32, #tpu.memory_space<vmem>>, vector<16xf32>,
        %get3A_545 = arith.index_cast %add3A_498 : i32 to index
        %get3A_546 = arith.constant 96 : index
        %get3A_547 = tpu.vector_load %arg17[%get3A_545, %get3A_546] {strides = array<i32>} : memref<80x128xf32, #tpu.memory_space<vmem>>, vector<16xf32>,
        %mul3A_548 = arith.mulf %get3A_547, %gather3A : vector<16xf32>
        %swap3A_549 = arith.index_cast %add3A_498 : i32 to index
        %swap3A_550 = arith.constant 96 : index
        %swap3A_551 = tpu.vector_load %arg17[%swap3A_549, %swap3A_550] {strides = array<i32>} : memref<80x128xf32, #tpu.memory_space<vmem>>, vector<16xf32>,
        tpu.vector_store %arg17[%swap3A_549, %swap3A_550], %mul3A_548 {strides = array<i32>} : memref<80x128xf32, #tpu.memory_space<vmem>>, vector<16xf32>,
        %get3A_552 = arith.index_cast %add3A_498 : i32 to index
        %get3A_553 = arith.constant 112 : index
        %get3A_554 = tpu.vector_load %arg17[%get3A_552, %get3A_553] {strides = array<i32>} : memref<80x128xf32, #tpu.memory_space<vmem>>, vector<16xf32>,
        %mul3A_555 = arith.mulf %get3A_554, %gather3A : vector<16xf32>
        %swap3A_556 = arith.index_cast %add3A_498 : i32 to index
        %swap3A_557 = arith.constant 112 : index
        %swap3A_558 = tpu.vector_load %arg17[%swap3A_556, %swap3A_557] {strides = array<i32>} : memref<80x128xf32, #tpu.memory_space<vmem>>, vector<16xf32>,
        tpu.vector_store %arg17[%swap3A_556, %swap3A_557], %mul3A_555 {strides = array<i32>} : memref<80x128xf32, #tpu.memory_space<vmem>>, vector<16xf32>,
        %add3A_559 = arith.constant 1 : i32
        %add3A_560 = arith.addi %add3A_496, %add3A_559 : i32
        %broadcast_in_dim3A_561 = arith.constant 0 : i32
        %broadcast_in_dim3A_562 = vector.broadcast %broadcast_in_dim3A_561 : i32 to vector<16xi32>
        %add3A_563 = vector.broadcast %add3A_560 : i32 to vector<16xi32>
        %add3A_564 = arith.addi %broadcast_in_dim3A_562, %add3A_563 : vector<16xi32>
        %gather3A_565 = tpu.vector_load_idx %arg29[%add3A_564] : memref<80xf32, #tpu.memory_space<vmem>>[vector<16xi32>], vector<16xf32>,
        %get3A_566 = arith.index_cast %add3A_560 : i32 to index
        %get3A_567 = arith.constant 0 : index
        %get3A_568 = tpu.vector_load %arg17[%get3A_566, %get3A_567] {strides = array<i32>} : memref<80x128xf32, #tpu.memory_space<vmem>>, vector<16xf32>,
        %mul3A_569 = arith.mulf %get3A_568, %gather3A_565 : vector<16xf32>
        %swap3A_570 = arith.index_cast %add3A_560 : i32 to index
        %swap3A_571 = arith.constant 0 : index
        %swap3A_572 = tpu.vector_load %arg17[%swap3A_570, %swap3A_571] {strides = array<i32>} : memref<80x128xf32, #tpu.memory_space<vmem>>, vector<16xf32>,
        tpu.vector_store %arg17[%swap3A_570, %swap3A_571], %mul3A_569 {strides = array<i32>} : memref<80x128xf32, #tpu.memory_space<vmem>>, vector<16xf32>,
        %get3A_573 = arith.index_cast %add3A_560 : i32 to index
        %get3A_574 = arith.constant 16 : index
        %get3A_575 = tpu.vector_load %arg17[%get3A_573, %get3A_574] {strides = array<i32>} : memref<80x128xf32, #tpu.memory_space<vmem>>, vector<16xf32>,
        %mul3A_576 = arith.mulf %get3A_575, %gather3A_565 : vector<16xf32>
        %swap3A_577 = arith.index_cast %add3A_560 : i32 to index
        %swap3A_578 = arith.constant 16 : index
        %swap3A_579 = tpu.vector_load %arg17[%swap3A_577, %swap3A_578] {strides = array<i32>} : memref<80x128xf32, #tpu.memory_space<vmem>>, vector<16xf32>,
        tpu.vector_store %arg17[%swap3A_577, %swap3A_578], %mul3A_576 {strides = array<i32>} : memref<80x128xf32, #tpu.memory_space<vmem>>, vector<16xf32>,
        %get3A_580 = arith.index_cast %add3A_560 : i32 to index
        %get3A_581 = arith.constant 32 : index
        %get3A_582 = tpu.vector_load %arg17[%get3A_580, %get3A_581] {strides = array<i32>} : memref<80x128xf32, #tpu.memory_space<vmem>>, vector<16xf32>,
        %mul3A_583 = arith.mulf %get3A_582, %gather3A_565 : vector<16xf32>
        %swap3A_584 = arith.index_cast %add3A_560 : i32 to index
        %swap3A_585 = arith.constant 32 : index
        %swap3A_586 = tpu.vector_load %arg17[%swap3A_584, %swap3A_585] {strides = array<i32>} : memref<80x128xf32, #tpu.memory_space<vmem>>, vector<16xf32>,
        tpu.vector_store %arg17[%swap3A_584, %swap3A_585], %mul3A_583 {strides = array<i32>} : memref<80x128xf32, #tpu.memory_space<vmem>>, vector<16xf32>,
        %get3A_587 = arith.index_cast %add3A_560 : i32 to index
        %get3A_588 = arith.constant 48 : index
        %get3A_589 = tpu.vector_load %arg17[%get3A_587, %get3A_588] {strides = array<i32>} : memref<80x128xf32, #tpu.memory_space<vmem>>, vector<16xf32>,
        %mul3A_590 = arith.mulf %get3A_589, %gather3A_565 : vector<16xf32>
        %swap3A_591 = arith.index_cast %add3A_560 : i32 to index
        %swap3A_592 = arith.constant 48 : index
        %swap3A_593 = tpu.vector_load %arg17[%swap3A_591, %swap3A_592] {strides = array<i32>} : memref<80x128xf32, #tpu.memory_space<vmem>>, vector<16xf32>,
        tpu.vector_store %arg17[%swap3A_591, %swap3A_592], %mul3A_590 {strides = array<i32>} : memref<80x128xf32, #tpu.memory_space<vmem>>, vector<16xf32>,
        %get3A_594 = arith.index_cast %add3A_560 : i32 to index
        %get3A_595 = arith.constant 64 : index
        %get3A_596 = tpu.vector_load %arg17[%get3A_594, %get3A_595] {strides = array<i32>} : memref<80x128xf32, #tpu.memory_space<vmem>>, vector<16xf32>,
        %mul3A_597 = arith.mulf %get3A_596, %gather3A_565 : vector<16xf32>
        %swap3A_598 = arith.index_cast %add3A_560 : i32 to index
        %swap3A_599 = arith.constant 64 : index
        %swap3A_600 = tpu.vector_load %arg17[%swap3A_598, %swap3A_599] {strides = array<i32>} : memref<80x128xf32, #tpu.memory_space<vmem>>, vector<16xf32>,
        tpu.vector_store %arg17[%swap3A_598, %swap3A_599], %mul3A_597 {strides = array<i32>} : memref<80x128xf32, #tpu.memory_space<vmem>>, vector<16xf32>,
        %get3A_601 = arith.index_cast %add3A_560 : i32 to index
        %get3A_602 = arith.constant 80 : index
        %get3A_603 = tpu.vector_load %arg17[%get3A_601, %get3A_602] {strides = array<i32>} : memref<80x128xf32, #tpu.memory_space<vmem>>, vector<16xf32>,
        %mul3A_604 = arith.mulf %get3A_603, %gather3A_565 : vector<16xf32>
        %swap3A_605 = arith.index_cast %add3A_560 : i32 to index
        %swap3A_606 = arith.constant 80 : index
        %swap3A_607 = tpu.vector_load %arg17[%swap3A_605, %swap3A_606] {strides = array<i32>} : memref<80x128xf32, #tpu.memory_space<vmem>>, vector<16xf32>,
        tpu.vector_store %arg17[%swap3A_605, %swap3A_606], %mul3A_604 {strides = array<i32>} : memref<80x128xf32, #tpu.memory_space<vmem>>, vector<16xf32>,
        %get3A_608 = arith.index_cast %add3A_560 : i32 to index
        %get3A_609 = arith.constant 96 : index
        %get3A_610 = tpu.vector_load %arg17[%get3A_608, %get3A_609] {strides = array<i32>} : memref<80x128xf32, #tpu.memory_space<vmem>>, vector<16xf32>,
        %mul3A_611 = arith.mulf %get3A_610, %gather3A_565 : vector<16xf32>
        %swap3A_612 = arith.index_cast %add3A_560 : i32 to index
        %swap3A_613 = arith.constant 96 : index
        %swap3A_614 = tpu.vector_load %arg17[%swap3A_612, %swap3A_613] {strides = array<i32>} : memref<80x128xf32, #tpu.memory_space<vmem>>, vector<16xf32>,
        tpu.vector_store %arg17[%swap3A_612, %swap3A_613], %mul3A_611 {strides = array<i32>} : memref<80x128xf32, #tpu.memory_space<vmem>>, vector<16xf32>,
        %get3A_615 = arith.index_cast %add3A_560 : i32 to index
        %get3A_616 = arith.constant 112 : index
        %get3A_617 = tpu.vector_load %arg17[%get3A_615, %get3A_616] {strides = array<i32>} : memref<80x128xf32, #tpu.memory_space<vmem>>, vector<16xf32>,
        %mul3A_618 = arith.mulf %get3A_617, %gather3A_565 : vector<16xf32>
        %swap3A_619 = arith.index_cast %add3A_560 : i32 to index
        %swap3A_620 = arith.constant 112 : index
        %swap3A_621 = tpu.vector_load %arg17[%swap3A_619, %swap3A_620] {strides = array<i32>} : memref<80x128xf32, #tpu.memory_space<vmem>>, vector<16xf32>,
        tpu.vector_store %arg17[%swap3A_619, %swap3A_620], %mul3A_618 {strides = array<i32>} : memref<80x128xf32, #tpu.memory_space<vmem>>, vector<16xf32>,
      }
      %scan3A_488 = arith.constant 40 : i32
      %dma_start3A_489 = arith.constant 0 : i32
      %dma_start3A_490 = arith.constant 0 : i32
      %dma_start3A_491 = tpu.memref_slice %arg11[%dma_start3A_489, %dma_start3A_490] : memref<10240x128xf32, #tpu.memory_space<vmem_shared>> -> memref<10240x128xf32, #tpu.memory_space<vmem_shared>>
      tpu.enqueue_indirect_dma source(%arg17 : memref<80x128xf32, #tpu.memory_space<vmem>>) target(%dma_start3A_491 : memref<10240x128xf32, #tpu.memory_space<vmem_shared>>) offsets(%arg21 : memref<80xi32, #tpu.memory_space<vmem>>) semaphore(%arg46 : memref<!tpu.dma_semaphore, #tpu.memory_space<semaphore_mem>>) {add = true}
    }
    %scan3A_90 = arith.constant 64 : i32
    %dma_wait3A = arith.constant 0 : i32
    %dma_wait3A_91 = arith.constant 0 : i32
    %dma_wait3A_92 = tpu.memref_slice %arg11[%dma_wait3A, %dma_wait3A_91] : memref<10240x128xf32, #tpu.memory_space<vmem_shared>> -> memref<10240x128xf32, #tpu.memory_space<vmem_shared>>
    tpu.wait_indirect_dma semaphore(%arg46 : memref<!tpu.dma_semaphore, #tpu.memory_space<semaphore_mem>>) src(%arg17 : memref<80x128xf32, #tpu.memory_space<vmem>>) dst(%dma_wait3A_92 : memref<10240x128xf32, #tpu.memory_space<vmem_shared>>)
    %dma_wait3A_93 = arith.constant 0 : i32
    %dma_wait3A_94 = tpu.memref_slice %arg12[%dma_wait3A_93] : memref<10240xf32, #tpu.memory_space<vmem_shared>> -> memref<10240xf32, #tpu.memory_space<vmem_shared>>
    tpu.wait_indirect_dma semaphore(%arg44 : memref<!tpu.dma_semaphore, #tpu.memory_space<semaphore_mem>>) src(%arg29 : memref<80xf32, #tpu.memory_space<vmem>>) dst(%dma_wait3A_94 : memref<10240xf32, #tpu.memory_space<vmem_shared>>)
    %dma_wait3A_95 = arith.constant 0 : i32
    %dma_wait3A_96 = tpu.memref_slice %arg14[%dma_wait3A_95] : memref<10240xf32, #tpu.memory_space<vmem_shared>> -> memref<10240xf32, #tpu.memory_space<vmem_shared>>
    tpu.wait_indirect_dma semaphore(%arg44 : memref<!tpu.dma_semaphore, #tpu.memory_space<semaphore_mem>>) src(%arg31 : memref<80xf32, #tpu.memory_space<vmem>>) dst(%dma_wait3A_96 : memref<10240xf32, #tpu.memory_space<vmem_shared>>)
    %dma_wait3A_97 = arith.constant 0 : i32
    %dma_wait3A_98 = tpu.memref_slice %arg13[%dma_wait3A_97] : memref<10240xf32, #tpu.memory_space<vmem_shared>> -> memref<10240xf32, #tpu.memory_space<vmem_shared>>
    tpu.wait_indirect_dma semaphore(%arg44 : memref<!tpu.dma_semaphore, #tpu.memory_space<semaphore_mem>>) src(%arg33 : memref<80xf32, #tpu.memory_space<vmem>>) dst(%dma_wait3A_98 : memref<10240xf32, #tpu.memory_space<vmem_shared>>)
    %barrier3A_99 = arith.constant 0 : index
    tpu.barrier barrier_id(%barrier3A_99)
    "tpu.region"() ({
      %run_scoped3A = tpu.sem_alloc : memref<!tpu.dma_semaphore, #tpu.memory_space<semaphore_mem>>
      %dma_start3A_105 = tpu.memref_slice %arg8[%arg0, %mul3A_2] : memref<2x10240xf32, #tpu.memory_space<hbm>> -> memref<1x640xf32, #tpu.memory_space<hbm>>
      %dma_start3A_106 = tpu.memref_squeeze %dma_start3A_105 : memref<1x640xf32, #tpu.memory_space<hbm>> -> memref<640xf32, #tpu.memory_space<hbm>>
      %dma_start3A_107 = tpu.memref_slice %arg12[%mul3A_2] : memref<10240xf32, #tpu.memory_space<vmem_shared>> -> memref<640xf32, #tpu.memory_space<vmem_shared>>
      tpu.enqueue_dma source(%dma_start3A_107 : memref<640xf32, #tpu.memory_space<vmem_shared>>) target(%dma_start3A_106 : memref<640xf32, #tpu.memory_space<hbm>>) target_semaphore(%run_scoped3A : memref<!tpu.dma_semaphore, #tpu.memory_space<semaphore_mem>>)
      %dma_wait3A_108 = tpu.memref_slice %arg8[%arg0, %mul3A_2] : memref<2x10240xf32, #tpu.memory_space<hbm>> -> memref<1x640xf32, #tpu.memory_space<hbm>>
      %dma_wait3A_109 = tpu.memref_squeeze %dma_wait3A_108 : memref<1x640xf32, #tpu.memory_space<hbm>> -> memref<640xf32, #tpu.memory_space<hbm>>
      %dma_wait3A_110 = tpu.memref_slice %arg12[%mul3A_2] : memref<10240xf32, #tpu.memory_space<vmem_shared>> -> memref<640xf32, #tpu.memory_space<vmem_shared>>
      tpu.wait_dma2 semaphore(%run_scoped3A : memref<!tpu.dma_semaphore, #tpu.memory_space<semaphore_mem>>) src(%dma_wait3A_110 : memref<640xf32, #tpu.memory_space<vmem_shared>>) dst(%dma_wait3A_109 : memref<640xf32, #tpu.memory_space<hbm>>)
      tpu.yield
    }) : () -> ()
    "tpu.region"() ({
      %run_scoped3A = tpu.sem_alloc : memref<!tpu.dma_semaphore, #tpu.memory_space<semaphore_mem>>
      %dma_start3A_105 = tpu.memref_slice %arg9[%arg0, %mul3A_2] : memref<2x10240xf32, #tpu.memory_space<hbm>> -> memref<1x640xf32, #tpu.memory_space<hbm>>
      %dma_start3A_106 = tpu.memref_squeeze %dma_start3A_105 : memref<1x640xf32, #tpu.memory_space<hbm>> -> memref<640xf32, #tpu.memory_space<hbm>>
      %dma_start3A_107 = tpu.memref_slice %arg13[%mul3A_2] : memref<10240xf32, #tpu.memory_space<vmem_shared>> -> memref<640xf32, #tpu.memory_space<vmem_shared>>
      tpu.enqueue_dma source(%dma_start3A_107 : memref<640xf32, #tpu.memory_space<vmem_shared>>) target(%dma_start3A_106 : memref<640xf32, #tpu.memory_space<hbm>>) target_semaphore(%run_scoped3A : memref<!tpu.dma_semaphore, #tpu.memory_space<semaphore_mem>>)
      %dma_wait3A_108 = tpu.memref_slice %arg9[%arg0, %mul3A_2] : memref<2x10240xf32, #tpu.memory_space<hbm>> -> memref<1x640xf32, #tpu.memory_space<hbm>>
      %dma_wait3A_109 = tpu.memref_squeeze %dma_wait3A_108 : memref<1x640xf32, #tpu.memory_space<hbm>> -> memref<640xf32, #tpu.memory_space<hbm>>
      %dma_wait3A_110 = tpu.memref_slice %arg13[%mul3A_2] : memref<10240xf32, #tpu.memory_space<vmem_shared>> -> memref<640xf32, #tpu.memory_space<vmem_shared>>
      tpu.wait_dma2 semaphore(%run_scoped3A : memref<!tpu.dma_semaphore, #tpu.memory_space<semaphore_mem>>) src(%dma_wait3A_110 : memref<640xf32, #tpu.memory_space<vmem_shared>>) dst(%dma_wait3A_109 : memref<640xf32, #tpu.memory_space<hbm>>)
      tpu.yield
    }) : () -> ()
    "tpu.region"() ({
      %run_scoped3A = tpu.sem_alloc : memref<!tpu.dma_semaphore, #tpu.memory_space<semaphore_mem>>
      %dma_start3A_105 = tpu.memref_slice %arg10[%arg0, %mul3A_2] : memref<2x10240xf32, #tpu.memory_space<hbm>> -> memref<1x640xf32, #tpu.memory_space<hbm>>
      %dma_start3A_106 = tpu.memref_squeeze %dma_start3A_105 : memref<1x640xf32, #tpu.memory_space<hbm>> -> memref<640xf32, #tpu.memory_space<hbm>>
      %dma_start3A_107 = tpu.memref_slice %arg14[%mul3A_2] : memref<10240xf32, #tpu.memory_space<vmem_shared>> -> memref<640xf32, #tpu.memory_space<vmem_shared>>
      tpu.enqueue_dma source(%dma_start3A_107 : memref<640xf32, #tpu.memory_space<vmem_shared>>) target(%dma_start3A_106 : memref<640xf32, #tpu.memory_space<hbm>>) target_semaphore(%run_scoped3A : memref<!tpu.dma_semaphore, #tpu.memory_space<semaphore_mem>>)
      %dma_wait3A_108 = tpu.memref_slice %arg10[%arg0, %mul3A_2] : memref<2x10240xf32, #tpu.memory_space<hbm>> -> memref<1x640xf32, #tpu.memory_space<hbm>>
      %dma_wait3A_109 = tpu.memref_squeeze %dma_wait3A_108 : memref<1x640xf32, #tpu.memory_space<hbm>> -> memref<640xf32, #tpu.memory_space<hbm>>
      %dma_wait3A_110 = tpu.memref_slice %arg14[%mul3A_2] : memref<10240xf32, #tpu.memory_space<vmem_shared>> -> memref<640xf32, #tpu.memory_space<vmem_shared>>
      tpu.wait_dma2 semaphore(%run_scoped3A : memref<!tpu.dma_semaphore, #tpu.memory_space<semaphore_mem>>) src(%dma_wait3A_110 : memref<640xf32, #tpu.memory_space<vmem_shared>>) dst(%dma_wait3A_109 : memref<640xf32, #tpu.memory_space<hbm>>)
      tpu.yield
    }) : () -> ()
    %scan3A_100 = arith.constant 0 : i32
    %scan3A_101 = arith.constant 8 : i32
    %scan3A_102 = arith.addi %scan3A_100, %scan3A_101 : i32
    %scan3A_103 = arith.constant 1 : i32
    scf.for %scan3A_105 = %scan3A_100 to %scan3A_102 step %scan3A_103  : i32 {
      %mul3A_106 = arith.constant 1 : i32
      %mul3A_107 = arith.muli %scan3A_105, %mul3A_106 : i32
      %add3A_108 = arith.constant 0 : i32
      %add3A_109 = arith.addi %add3A_108, %mul3A_107 : i32
      %mul3A_110 = arith.constant 80 : i32
      %mul3A_111 = arith.muli %add3A_109, %mul3A_110 : i32
      %add3A_112 = arith.addi %mul3A_2, %mul3A_111 : i32
      %mul3A_113 = arith.constant 80 : i32
      %mul3A_114 = arith.muli %add3A_109, %mul3A_113 : i32
      %add3A_115 = arith.addi %mul3A_2, %mul3A_114 : i32
      "tpu.region"() ({
        %run_scoped3A = tpu.sem_alloc : memref<!tpu.dma_semaphore, #tpu.memory_space<semaphore_mem>>
        %dma_start3A_116 = arith.constant 0 : i32
        %dma_start3A_117 = tpu.memref_slice %arg7[%arg0, %add3A_115, %dma_start3A_116] : memref<2x10240x128xf32, #tpu.memory_space<hbm>> -> memref<1x80x128xf32, #tpu.memory_space<hbm>>
        %dma_start3A_118 = tpu.memref_squeeze %dma_start3A_117 : memref<1x80x128xf32, #tpu.memory_space<hbm>> -> memref<80x128xf32, #tpu.memory_space<hbm>>
        %dma_start3A_119 = arith.constant 0 : i32
        %dma_start3A_120 = tpu.memref_slice %arg11[%add3A_112, %dma_start3A_119] : memref<10240x128xf32, #tpu.memory_space<vmem_shared>> -> memref<80x128xf32, #tpu.memory_space<vmem_shared>>
        tpu.enqueue_dma source(%dma_start3A_120 : memref<80x128xf32, #tpu.memory_space<vmem_shared>>) target(%dma_start3A_118 : memref<80x128xf32, #tpu.memory_space<hbm>>) target_semaphore(%run_scoped3A : memref<!tpu.dma_semaphore, #tpu.memory_space<semaphore_mem>>)
        %dma_wait3A_121 = arith.constant 0 : i32
        %dma_wait3A_122 = tpu.memref_slice %arg7[%arg0, %add3A_115, %dma_wait3A_121] : memref<2x10240x128xf32, #tpu.memory_space<hbm>> -> memref<1x80x128xf32, #tpu.memory_space<hbm>>
        %dma_wait3A_123 = tpu.memref_squeeze %dma_wait3A_122 : memref<1x80x128xf32, #tpu.memory_space<hbm>> -> memref<80x128xf32, #tpu.memory_space<hbm>>
        %dma_wait3A_124 = arith.constant 0 : i32
        %dma_wait3A_125 = tpu.memref_slice %arg11[%add3A_112, %dma_wait3A_124] : memref<10240x128xf32, #tpu.memory_space<vmem_shared>> -> memref<80x128xf32, #tpu.memory_space<vmem_shared>>
        tpu.wait_dma2 semaphore(%run_scoped3A : memref<!tpu.dma_semaphore, #tpu.memory_space<semaphore_mem>>) src(%dma_wait3A_125 : memref<80x128xf32, #tpu.memory_space<vmem_shared>>) dst(%dma_wait3A_123 : memref<80x128xf32, #tpu.memory_space<hbm>>)
        tpu.yield
      }) : () -> ()
    }
    %scan3A_104 = arith.constant 8 : i32
    return
  }
}

module attributes {stable_mosaic.version = 14 : i64} {
  func.func @_pre2_body(%arg0: i32, %arg1: memref<16x32000xf32, #tpu.memory_space<vmem>>, %arg2: memref<16x128xf32, #tpu.memory_space<vmem>>, %arg3: memref<1x128xf32, #tpu.memory_space<vmem>>, %arg4: memref<1x32000xf32, #tpu.memory_space<vmem>>) attributes {dimension_semantics = [#tpu.dimension_semantics<arbitrary>], iteration_bounds = array<i64: 10>, scalar_prefetch = 0 : i64, scratch_operands = 0 : i64, tpu.core_type = #tpu.core_type<tc>, window_params = [{transform_indices = @transform_0, window_bounds = array<i64: 16, 32000>}, {pipeline_mode = #tpu.pipeline_mode<synchronous>, transform_indices = @transform_1, window_bounds = array<i64: 16, 128>}, {pipeline_mode = #tpu.pipeline_mode<synchronous>, transform_indices = @transform_2, window_bounds = array<i64: 1, 128>}, {transform_indices = @transform_3, window_bounds = array<i64: 1, 32000>}]} {
    %get3A = arith.constant 0 : index
    %get3A_0 = arith.constant 0 : index
    %get3A_1 = vector.load %arg2[%get3A, %get3A_0] : memref<16x128xf32, #tpu.memory_space<vmem>>, vector<16x128xf32>
    %get3A_2 = arith.constant 0 : index
    %get3A_3 = arith.constant 0 : index
    %get3A_4 = vector.load %arg3[%get3A_2, %get3A_3] : memref<1x128xf32, #tpu.memory_space<vmem>>, vector<1x128xf32>
    %mul3A = vector.broadcast %get3A_4 : vector<1x128xf32> to vector<16x128xf32>
    %mul3A_5 = arith.mulf %get3A_1, %mul3A : vector<16x128xf32>
    %reduce_sum3A = arith.constant dense<0.000000e+00> : vector<16xf32>
    %reduce_sum3A_6 = vector.multi_reduction <add>, %mul3A_5, %reduce_sum3A [1] : vector<16x128xf32> to vector<16xf32>
    %broadcast_in_dim3A = vector.shape_cast %reduce_sum3A_6 : vector<16xf32> to vector<16x1xf32>
    %get3A_7 = arith.constant 0 : index
    %get3A_8 = arith.constant 0 : index
    %get3A_9 = vector.load %arg1[%get3A_7, %get3A_8] : memref<16x32000xf32, #tpu.memory_space<vmem>>, vector<16x32000xf32>
    %mul3A_10 = vector.broadcast %broadcast_in_dim3A : vector<16x1xf32> to vector<16x32000xf32>
    %mul3A_11 = arith.mulf %get3A_9, %mul3A_10 : vector<16x32000xf32>
    %reduce_sum3A_12 = arith.constant dense<0.000000e+00> : vector<32000xf32>
    %reduce_sum3A_13 = vector.multi_reduction <add>, %mul3A_11, %reduce_sum3A_12 [0] : vector<16x32000xf32> to vector<32000xf32>
    %broadcast_in_dim3A_14 = vector.shape_cast %reduce_sum3A_13 : vector<32000xf32> to vector<1x32000xf32>
    %swap3A = arith.constant 0 : index
    %swap3A_15 = arith.constant 0 : index
    %swap3A_16 = vector.load %arg4[%swap3A, %swap3A_15] : memref<1x32000xf32, #tpu.memory_space<vmem>>, vector<1x32000xf32>
    tpu.vector_store %arg4[%swap3A, %swap3A_15], %broadcast_in_dim3A_14 {strides = array<i32>} : memref<1x32000xf32, #tpu.memory_space<vmem>>, vector<1x32000xf32>,
    return
  }
  func.func @transform_0(%arg0: i32) -> (i32, i32) {
    %c0_i32 = arith.constant 0 : i32
    %c0_i32_0 = arith.constant 0 : i32
    return %c0_i32, %arg0 : i32, i32
  }
  func.func @transform_1(%arg0: i32) -> (i32, i32) {
    %c0_i32 = arith.constant 0 : i32
    %c0_i32_0 = arith.constant 0 : i32
    %c0_i32_1 = arith.constant 0 : i32
    return %c0_i32, %c0_i32_0 : i32, i32
  }
  func.func @transform_2(%arg0: i32) -> (i32, i32) {
    %c0_i32 = arith.constant 0 : i32
    %c0_i32_0 = arith.constant 0 : i32
    %c0_i32_1 = arith.constant 0 : i32
    return %c0_i32, %c0_i32_0 : i32, i32
  }
  func.func @transform_3(%arg0: i32) -> (i32, i32) {
    %c0_i32 = arith.constant 0 : i32
    %c0_i32_0 = arith.constant 0 : i32
    return %c0_i32, %arg0 : i32, i32
  }
}

module attributes {stable_mosaic.version = 14 : i64} {
  func.func @_pre1_body(%arg0: i32, %arg1: memref<2560x128xf32, #tpu.memory_space<vmem>>, %arg2: memref<128x128xf32, #tpu.memory_space<vmem>>, %arg3: memref<1x128xf32, #tpu.memory_space<vmem>>, %arg4: memref<1x128xf32, #tpu.memory_space<vmem>>, %arg5: memref<2560x128xf32, #tpu.memory_space<vmem>>, %arg6: memref<2560x1xf32, #tpu.memory_space<vmem>>, %arg7: memref<2560x1xf32, #tpu.memory_space<vmem>>) attributes {dimension_semantics = [#tpu.dimension_semantics<arbitrary>], iteration_bounds = array<i64: 4>, scalar_prefetch = 0 : i64, scratch_operands = 0 : i64, tpu.core_type = #tpu.core_type<tc>, window_params = [{transform_indices = @transform_0, window_bounds = array<i64: 2560, 128>}, {pipeline_mode = #tpu.pipeline_mode<synchronous>, transform_indices = @transform_1, window_bounds = array<i64: 128, 128>}, {pipeline_mode = #tpu.pipeline_mode<synchronous>, transform_indices = @transform_2, window_bounds = array<i64: 1, 128>}, {pipeline_mode = #tpu.pipeline_mode<synchronous>, transform_indices = @transform_3, window_bounds = array<i64: 1, 128>}, {transform_indices = @transform_4, window_bounds = array<i64: 2560, 128>}, {transform_indices = @transform_5, window_bounds = array<i64: 2560, 1>}, {transform_indices = @transform_6, window_bounds = array<i64: 2560, 1>}]} {
    %get3A = arith.constant 0 : index
    %get3A_0 = arith.constant 0 : index
    %get3A_1 = vector.load %arg1[%get3A, %get3A_0] : memref<2560x128xf32, #tpu.memory_space<vmem>>, vector<2560x128xf32>
    %get3A_2 = arith.constant 0 : index
    %get3A_3 = arith.constant 0 : index
    %get3A_4 = vector.load %arg2[%get3A_2, %get3A_3] : memref<128x128xf32, #tpu.memory_space<vmem>>, vector<128x128xf32>
    %dot_general3A = arith.constant dense<0.000000e+00> : vector<2560x128xf32>
    %dot_general3A_5 = tpu.matmul %get3A_1, %get3A_4, %dot_general3A {dimension_numbers = #tpu.dot_dimension_numbers<[1], [0], [0], [1], [0, 0, 1, 1], [], []>, transpose_lhs_hint = false} : vector<2560x128xf32>, vector<128x128xf32>, vector<2560x128xf32> -> vector<2560x128xf32>
    %swap3A = arith.constant 0 : index
    %swap3A_6 = arith.constant 0 : index
    %swap3A_7 = vector.load %arg5[%swap3A, %swap3A_6] : memref<2560x128xf32, #tpu.memory_space<vmem>>, vector<2560x128xf32>
    tpu.vector_store %arg5[%swap3A, %swap3A_6], %dot_general3A_5 {strides = array<i32>} : memref<2560x128xf32, #tpu.memory_space<vmem>>, vector<2560x128xf32>,
    %get3A_8 = arith.constant 0 : index
    %get3A_9 = arith.constant 0 : index
    %get3A_10 = vector.load %arg3[%get3A_8, %get3A_9] : memref<1x128xf32, #tpu.memory_space<vmem>>, vector<1x128xf32>
    %mul3A = vector.broadcast %get3A_10 : vector<1x128xf32> to vector<2560x128xf32>
    %mul3A_11 = arith.mulf %dot_general3A_5, %mul3A : vector<2560x128xf32>
    %reduce_sum3A = arith.constant dense<0.000000e+00> : vector<2560xf32>
    %reduce_sum3A_12 = vector.multi_reduction <add>, %mul3A_11, %reduce_sum3A [1] : vector<2560x128xf32> to vector<2560xf32>
    %broadcast_in_dim3A = vector.shape_cast %reduce_sum3A_12 : vector<2560xf32> to vector<2560x1xf32>
    %swap3A_13 = arith.constant 0 : index
    %swap3A_14 = arith.constant 0 : index
    %swap3A_15 = vector.load %arg6[%swap3A_13, %swap3A_14] : memref<2560x1xf32, #tpu.memory_space<vmem>>, vector<2560x1xf32>
    tpu.vector_store %arg6[%swap3A_13, %swap3A_14], %broadcast_in_dim3A {strides = array<i32>} : memref<2560x1xf32, #tpu.memory_space<vmem>>, vector<2560x1xf32>,
    %get3A_16 = arith.constant 0 : index
    %get3A_17 = arith.constant 0 : index
    %get3A_18 = vector.load %arg4[%get3A_16, %get3A_17] : memref<1x128xf32, #tpu.memory_space<vmem>>, vector<1x128xf32>
    %mul3A_19 = vector.broadcast %get3A_18 : vector<1x128xf32> to vector<2560x128xf32>
    %mul3A_20 = arith.mulf %dot_general3A_5, %mul3A_19 : vector<2560x128xf32>
    %reduce_sum3A_21 = arith.constant dense<0.000000e+00> : vector<2560xf32>
    %reduce_sum3A_22 = vector.multi_reduction <add>, %mul3A_20, %reduce_sum3A_21 [1] : vector<2560x128xf32> to vector<2560xf32>
    %broadcast_in_dim3A_23 = vector.shape_cast %reduce_sum3A_22 : vector<2560xf32> to vector<2560x1xf32>
    %swap3A_24 = arith.constant 0 : index
    %swap3A_25 = arith.constant 0 : index
    %swap3A_26 = vector.load %arg7[%swap3A_24, %swap3A_25] : memref<2560x1xf32, #tpu.memory_space<vmem>>, vector<2560x1xf32>
    tpu.vector_store %arg7[%swap3A_24, %swap3A_25], %broadcast_in_dim3A_23 {strides = array<i32>} : memref<2560x1xf32, #tpu.memory_space<vmem>>, vector<2560x1xf32>,
    return
  }
  func.func @transform_0(%arg0: i32) -> (i32, i32) {
    %c0_i32 = arith.constant 0 : i32
    %c0_i32_0 = arith.constant 0 : i32
    return %arg0, %c0_i32 : i32, i32
  }
  func.func @transform_1(%arg0: i32) -> (i32, i32) {
    %c0_i32 = arith.constant 0 : i32
    %c0_i32_0 = arith.constant 0 : i32
    %c0_i32_1 = arith.constant 0 : i32
    return %c0_i32, %c0_i32_0 : i32, i32
  }
  func.func @transform_2(%arg0: i32) -> (i32, i32) {
    %c0_i32 = arith.constant 0 : i32
    %c0_i32_0 = arith.constant 0 : i32
    %c0_i32_1 = arith.constant 0 : i32
    return %c0_i32, %c0_i32_0 : i32, i32
  }
  func.func @transform_3(%arg0: i32) -> (i32, i32) {
    %c0_i32 = arith.constant 0 : i32
    %c0_i32_0 = arith.constant 0 : i32
    %c0_i32_1 = arith.constant 0 : i32
    return %c0_i32, %c0_i32_0 : i32, i32
  }
  func.func @transform_4(%arg0: i32) -> (i32, i32) {
    %c0_i32 = arith.constant 0 : i32
    %c0_i32_0 = arith.constant 0 : i32
    return %arg0, %c0_i32 : i32, i32
  }
  func.func @transform_5(%arg0: i32) -> (i32, i32) {
    %c0_i32 = arith.constant 0 : i32
    %c0_i32_0 = arith.constant 0 : i32
    return %arg0, %c0_i32 : i32, i32
  }
  func.func @transform_6(%arg0: i32) -> (i32, i32) {
    %c0_i32 = arith.constant 0 : i32
    %c0_i32_0 = arith.constant 0 : i32
    return %arg0, %c0_i32 : i32, i32
  }
}

module attributes {stable_mosaic.version = 14 : i64} {
  func.func @_epi_body(%arg0: i32, %arg1: memref<2x1024x128xf32, #tpu.memory_space<vmem>>, %arg2: memref<2x1024xf32, #tpu.memory_space<vmem>>, %arg3: memref<2x1024xf32, #tpu.memory_space<vmem>>, %arg4: memref<2x1024xf32, #tpu.memory_space<vmem>>, %arg5: memref<1024x1xf32, #tpu.memory_space<vmem>>, %arg6: memref<1024x1xf32, #tpu.memory_space<vmem>>, %arg7: memref<1024x128xf32, #tpu.memory_space<vmem>>, %arg8: memref<1x128xf32, #tpu.memory_space<vmem>>, %arg9: memref<1024x128xf32, #tpu.memory_space<vmem>>) attributes {dimension_semantics = [#tpu.dimension_semantics<arbitrary>], iteration_bounds = array<i64: 10>, scalar_prefetch = 0 : i64, scratch_operands = 0 : i64, tpu.core_type = #tpu.core_type<tc>, window_params = [{transform_indices = @transform_0, window_bounds = array<i64: 2, 1024, 128>}, {transform_indices = @transform_1, window_bounds = array<i64: 2, 1024>}, {transform_indices = @transform_2, window_bounds = array<i64: 2, 1024>}, {transform_indices = @transform_3, window_bounds = array<i64: 2, 1024>}, {transform_indices = @transform_4, window_bounds = array<i64: 1024, 1>}, {transform_indices = @transform_5, window_bounds = array<i64: 1024, 1>}, {transform_indices = @transform_6, window_bounds = array<i64: 1024, 128>}, {pipeline_mode = #tpu.pipeline_mode<synchronous>, transform_indices = @transform_7, window_bounds = array<i64: 1, 128>}, {transform_indices = @transform_8, window_bounds = array<i64: 1024, 128>}]} {
    %get3A = arith.constant 0 : index
    %get3A_0 = arith.constant 0 : index
    %get3A_1 = vector.load %arg2[%get3A, %get3A_0] : memref<2x1024xf32, #tpu.memory_space<vmem>>, vector<1x1024xf32>
    %get3A_2 = vector.shape_cast %get3A_1 : vector<1x1024xf32> to vector<1024xf32>
    %get3A_3 = arith.constant 1 : index
    %get3A_4 = arith.constant 0 : index
    %get3A_5 = vector.load %arg2[%get3A_3, %get3A_4] : memref<2x1024xf32, #tpu.memory_space<vmem>>, vector<1x1024xf32>
    %get3A_6 = vector.shape_cast %get3A_5 : vector<1x1024xf32> to vector<1024xf32>
    %add3A = arith.addf %get3A_2, %get3A_6 : vector<1024xf32>
    %reshape3A = vector.shape_cast %add3A : vector<1024xf32> to vector<1024x1xf32>
    %get3A_7 = arith.constant 0 : index
    %get3A_8 = arith.constant 0 : index
    %get3A_9 = vector.load %arg3[%get3A_7, %get3A_8] : memref<2x1024xf32, #tpu.memory_space<vmem>>, vector<1x1024xf32>
    %get3A_10 = vector.shape_cast %get3A_9 : vector<1x1024xf32> to vector<1024xf32>
    %get3A_11 = arith.constant 1 : index
    %get3A_12 = arith.constant 0 : index
    %get3A_13 = vector.load %arg3[%get3A_11, %get3A_12] : memref<2x1024xf32, #tpu.memory_space<vmem>>, vector<1x1024xf32>
    %get3A_14 = vector.shape_cast %get3A_13 : vector<1x1024xf32> to vector<1024xf32>
    %add3A_15 = arith.addf %get3A_10, %get3A_14 : vector<1024xf32>
    %reshape3A_16 = vector.shape_cast %add3A_15 : vector<1024xf32> to vector<1024x1xf32>
    %get3A_17 = arith.constant 0 : index
    %get3A_18 = arith.constant 0 : index
    %get3A_19 = vector.load %arg4[%get3A_17, %get3A_18] : memref<2x1024xf32, #tpu.memory_space<vmem>>, vector<1x1024xf32>
    %get3A_20 = vector.shape_cast %get3A_19 : vector<1x1024xf32> to vector<1024xf32>
    %get3A_21 = arith.constant 1 : index
    %get3A_22 = arith.constant 0 : index
    %get3A_23 = vector.load %arg4[%get3A_21, %get3A_22] : memref<2x1024xf32, #tpu.memory_space<vmem>>, vector<1x1024xf32>
    %get3A_24 = vector.shape_cast %get3A_23 : vector<1x1024xf32> to vector<1024xf32>
    %add3A_25 = arith.addf %get3A_20, %get3A_24 : vector<1024xf32>
    %reshape3A_26 = vector.shape_cast %add3A_25 : vector<1024xf32> to vector<1024x1xf32>
    %max3A = arith.constant 1.000000e+00 : f32
    %max3A_27 = vector.broadcast %max3A : f32 to vector<1024x1xf32>
    %max3A_28 = arith.maximumf %reshape3A_26, %max3A_27 : vector<1024x1xf32>
    %div3A = arith.divf %reshape3A_16, %max3A_28 : vector<1024x1xf32>
    %get3A_29 = arith.constant 0 : index
    %get3A_30 = arith.constant 0 : index
    %get3A_31 = vector.load %arg5[%get3A_29, %get3A_30] : memref<1024x1xf32, #tpu.memory_space<vmem>>, vector<1024x1xf32>
    %get3A_32 = arith.constant 0 : index
    %get3A_33 = arith.constant 0 : index
    %get3A_34 = vector.load %arg6[%get3A_32, %get3A_33] : memref<1024x1xf32, #tpu.memory_space<vmem>>, vector<1024x1xf32>
    %add3A_35 = arith.addf %get3A_31, %get3A_34 : vector<1024x1xf32>
    %add3A_36 = arith.addf %add3A_35, %div3A : vector<1024x1xf32>
    %gt3A = arith.constant 0.000000e+00 : f32
    %gt3A_37 = vector.broadcast %gt3A : f32 to vector<1024x1xf32>
    %gt3A_38 = arith.cmpf ogt, %add3A_36, %gt3A_37 : vector<1024x1xf32>
    %mul3A = arith.constant 2.000000e-01 : f32
    %mul3A_39 = vector.broadcast %mul3A : f32 to vector<1024x1xf32>
    %mul3A_40 = arith.mulf %mul3A_39, %add3A_36 : vector<1024x1xf32>
    %select_n3A = arith.select %gt3A_38, %add3A_36, %mul3A_40 : vector<1024x1xi1>, vector<1024x1xf32>
    %exp3A = math.exp %select_n3A : vector<1024x1xf32>
    %get3A_41 = arith.constant 0 : index
    %get3A_42 = arith.constant 0 : index
    %get3A_43 = arith.constant 0 : index
    %get3A_44 = vector.load %arg1[%get3A_41, %get3A_42, %get3A_43] : memref<2x1024x128xf32, #tpu.memory_space<vmem>>, vector<1x1024x128xf32>
    %get3A_45 = vector.shape_cast %get3A_44 : vector<1x1024x128xf32> to vector<1024x128xf32>
    %get3A_46 = arith.constant 1 : index
    %get3A_47 = arith.constant 0 : index
    %get3A_48 = arith.constant 0 : index
    %get3A_49 = vector.load %arg1[%get3A_46, %get3A_47, %get3A_48] : memref<2x1024x128xf32, #tpu.memory_space<vmem>>, vector<1x1024x128xf32>
    %get3A_50 = vector.shape_cast %get3A_49 : vector<1x1024x128xf32> to vector<1024x128xf32>
    %add3A_51 = arith.addf %get3A_45, %get3A_50 : vector<1024x128xf32>
    %get3A_52 = arith.constant 0 : index
    %get3A_53 = arith.constant 0 : index
    %get3A_54 = vector.load %arg7[%get3A_52, %get3A_53] : memref<1024x128xf32, #tpu.memory_space<vmem>>, vector<1024x128xf32>
    %mul3A_55 = vector.broadcast %exp3A : vector<1024x1xf32> to vector<1024x128xf32>
    %mul3A_56 = arith.mulf %mul3A_55, %get3A_54 : vector<1024x128xf32>
    %add3A_57 = arith.addf %add3A_51, %mul3A_56 : vector<1024x128xf32>
    %add3A_58 = arith.addf %reshape3A, %exp3A : vector<1024x1xf32>
    %add3A_59 = arith.constant 1.000000e-16 : f32
    %add3A_60 = vector.broadcast %add3A_59 : f32 to vector<1024x1xf32>
    %add3A_61 = arith.addf %add3A_58, %add3A_60 : vector<1024x1xf32>
    %div3A_62 = vector.broadcast %add3A_61 : vector<1024x1xf32> to vector<1024x128xf32>
    %div3A_63 = arith.divf %add3A_57, %div3A_62 : vector<1024x128xf32>
    %get3A_64 = arith.constant 0 : index
    %get3A_65 = arith.constant 0 : index
    %get3A_66 = vector.load %arg8[%get3A_64, %get3A_65] : memref<1x128xf32, #tpu.memory_space<vmem>>, vector<1x128xf32>
    %add3A_67 = vector.broadcast %get3A_66 : vector<1x128xf32> to vector<1024x128xf32>
    %add3A_68 = arith.addf %div3A_63, %add3A_67 : vector<1024x128xf32>
    %swap3A = arith.constant 0 : index
    %swap3A_69 = arith.constant 0 : index
    %swap3A_70 = vector.load %arg9[%swap3A, %swap3A_69] : memref<1024x128xf32, #tpu.memory_space<vmem>>, vector<1024x128xf32>
    tpu.vector_store %arg9[%swap3A, %swap3A_69], %add3A_68 {strides = array<i32>} : memref<1024x128xf32, #tpu.memory_space<vmem>>, vector<1024x128xf32>,
    return
  }
  func.func @transform_0(%arg0: i32) -> (i32, i32, i32) {
    %c0_i32 = arith.constant 0 : i32
    %c0_i32_0 = arith.constant 0 : i32
    %c0_i32_1 = arith.constant 0 : i32
    return %c0_i32, %arg0, %c0_i32_0 : i32, i32, i32
  }
  func.func @transform_1(%arg0: i32) -> (i32, i32) {
    %c0_i32 = arith.constant 0 : i32
    %c0_i32_0 = arith.constant 0 : i32
    return %c0_i32, %arg0 : i32, i32
  }
  func.func @transform_2(%arg0: i32) -> (i32, i32) {
    %c0_i32 = arith.constant 0 : i32
    %c0_i32_0 = arith.constant 0 : i32
    return %c0_i32, %arg0 : i32, i32
  }
  func.func @transform_3(%arg0: i32) -> (i32, i32) {
    %c0_i32 = arith.constant 0 : i32
    %c0_i32_0 = arith.constant 0 : i32
    return %c0_i32, %arg0 : i32, i32
  }
  func.func @transform_4(%arg0: i32) -> (i32, i32) {
    %c0_i32 = arith.constant 0 : i32
    %c0_i32_0 = arith.constant 0 : i32
    return %arg0, %c0_i32 : i32, i32
  }
  func.func @transform_5(%arg0: i32) -> (i32, i32) {
    %c0_i32 = arith.constant 0 : i32
    %c0_i32_0 = arith.constant 0 : i32
    return %arg0, %c0_i32 : i32, i32
  }
  func.func @transform_6(%arg0: i32) -> (i32, i32) {
    %c0_i32 = arith.constant 0 : i32
    %c0_i32_0 = arith.constant 0 : i32
    return %arg0, %c0_i32 : i32, i32
  }
  func.func @transform_7(%arg0: i32) -> (i32, i32) {
    %c0_i32 = arith.constant 0 : i32
    %c0_i32_0 = arith.constant 0 : i32
    %c0_i32_1 = arith.constant 0 : i32
    return %c0_i32, %c0_i32_0 : i32, i32
  }
  func.func @transform_8(%arg0: i32) -> (i32, i32) {
    %c0_i32 = arith.constant 0 : i32
    %c0_i32_0 = arith.constant 0 : i32
    return %arg0, %c0_i32 : i32, i32
  }
}

</mosaic_0001>

<sc_bundles>
// kernel: kernel.6.cloned.1.call-start
scs
__scs_entry_jumppad:
0x0: {  	(pc) =	sbr.rel $0x88, $3  }
0x1: {  	(tag) =	ssettag $0x0;
	lr =	simm.s32 $0x1  }
0x2: {  	[smem:$0x3F98] =	sst lr;
	_ =	strace $0xD0000000  }
0x3: {  	_ = 	snop  }
0x4: {  	_ = 	snop  }
0x5: {  	_ = 	snop  }
0x6: {  	_ = 	snop  }
0x7: {  	_ = 	snop  }
__scs_overlays_trampoline_lowered:
0x8: {  	[smem:$0x3FA7] =	sst s0  }
0x9: {  	[smem:$0x3FA8] =	sst s1  }
0xa: {  	[smem:$0x3FA9] =	sst s2  }
0xb: {  	[smem:$0x3FAA] =	sst s3  }
0xc: {  	[smem:$0x3FAB] =	sst s4  }
0xd: {  	[smem:$0x3FAC] =	sst s5  }
0xe: {  	[smem:$0x3FAD] =	sst s6  }
0xf: {  	[smem:$0x3FAE] =	sst s7  }
0x10: {  	[smem:$0x3FAF] =	sst s8  }
0x11: {  	[smem:$0x3FB0] =	sst s9;
	s0 =	simm.s32 @!p0 $0x0  }
0x12: {  	s1 =	sld [smem:$0x3F96];
	s0 =	simm.s32 @p0 $0x1  }
0x13: {  	[smem:$0x3FB1] =	sst s0;
	s0 =	simm.s32 @!p1 $0x0  }
0x14: {  	s2 =	sld [smem:$0x3F95];
	s0 =	simm.s32 @p1 $0x1  }
0x15: {  	[smem:$0x3FB2] =	sst s0;
	s0 =	simm.s32 @!p2 $0x0  }
0x16: {  	s3 =	sld [smem:$0x3FDB];
	s0 =	simm.s32 @p2 $0x1  }
0x17: {  	s4 =	simm.s32 $0x1BF5;
	[smem:$0x3FB4] =	sst s0  }
0x18: {  	s0 =	sld [smem:$0x3F97];
	_ =	swait.ge [sflag:s4], $0x0  }
0x19: {  	s7 =	sld [smem:$0x3F98]  }
0x1a: {  	s8 =	sadd.s32 $0xFFFFE003, lr  }
0x1b: {  	s9 =	sadd.s32 $0xFFFFFEF7, lr;
	s5 =	simm.s32 $0xFFFFFFFF;
	p2 =	slt.u32 s8, $0xFFFFF086  }
0x1c: {  	p1 =	slt.u32 s9, $0xF7A;
	s5 =	simm.s32 @!p2 $0x0  }
0x1d: {  	s5 =	simm.s32 @p1 $0x1;
	p0 =	seq.s32 s7, s2  }
0x1e: {  	s7 =	smul.u32 @!p0 $0xF7A, s2;
	p2 =	seq.s32 @!p0 s5, $0x0  }
0x1f: {  	s9 =	smul.u32 $0xF7A, s1;
	s8 =	simm.s32 @!p0 $0x1BF5;
	p2 =	por !p2, p0  }
0x20: {  	[sflag:s8] =	ssyncset.s32 @!p0 $0xFFFFF086;
	s6 =	sadd.s32 @!p0 s3, s7;
	s7 =	simm.s32 @!p0 $0x108  }
0x21: {  	s3 =	sadd.s32 s3, s9;
	s6 =	sadd.s32 @!p0 $0x88, s6;
	s7 =	simm.s32 @p2 $0x1082  }
0x22: {  	[simem:s7], [sflag:s8] =	dma.local @!p0 [hbm:s6], $0xF7A  }
0x23: {  	s9 =	sor.u32 $0xD0000000, s2;
	s6 =	simm.s32 $0x108;
	_ =	swait.ge @!p0 [sflag:s8], $0x0  }
0x24: {  	s3 =	sadd.s32 $0x88, s3;
	s6 =	simm.s32 @!p1 $0x1082;
	[sflag:s4] =	ssyncset.s32 $0xFFFFF086  }
0x25: {  	[simem:s6], [sflag:s4] =	dma.local [hbm:s3], $0xF7A  }
0x26: {  	[smem:$0x3F98] =	sst s1;
	(tag) =	ssettag s2;
	_ =	strace s9  }
0x27: {  	s1 =	sld [smem:$0x3FA8]  }
0x28: {  	s2 =	sld [smem:$0x3FA9]  }
0x29: {  	s4 =	sld [smem:$0x3FAB]  }
0x2a: {  	p0 =	seq.s32 s5, $0x0;
	s5 =	sld [smem:$0x3FAC]  }
0x2b: {  	s6 =	sld [smem:$0x3FAD]  }
0x2c: {  	s7 =	sld [smem:$0x3FAE]  }
0x2d: {  	s3 =	simm.s32 $0x108;
	s8 =	sld [smem:$0x3FAF]  }
0x2e: {  	s3 =	simm.s32 @!p0 $0x1082;
	s9 =	sld [smem:$0x3FB0]  }
0x2f: {  	lr =	sadd.s32 s0, s3;
	s0 =	sld [smem:$0x3FA7]  }
0x30: {  	s3 =	sld [smem:$0x3FAA]  }
0x31: {  	[smem:$0x3FB3] =	sst s10  }
0x32: {  	s10 =	sld [smem:$0x3FB1];
	_ =	sdelay $0x3  }
0x33: {  	p0 =	seq.s32 s10, $0x1;
	s10 =	sld [smem:$0x3FB3];
	_ =	sdelay $0x3  }
0x34: {  	[smem:$0x3FB3] =	sst s10  }
0x35: {  	s10 =	sld [smem:$0x3FB2];
	_ =	sdelay $0x3  }
0x36: {  	p1 =	seq.s32 s10, $0x1;
	s10 =	sld [smem:$0x3FB3];
	_ =	sdelay $0x3  }
0x37: {  	[smem:$0x3FB3] =	sst s10  }
0x38: {  	s10 =	sld [smem:$0x3FB4]  }
0x39: {  	_ = 	snop;
	(pc) =	sbr.ind lr, $3  }
0x3a: {  	_ = 	snop  }
0x3b: {  	_ = 	snop  }
0x3c: {  	p2 =	seq.s32 s10, $0x1;
	s10 =	sld [smem:$0x3FB3]  }
0x3d: {  	_ =	shalt  }
0x3e: {  	_ =	shalt  }
0x3f: {  	_ =	shalt  }
0x40: {  	_ =	shalt  }
0x41: {  	_ =	shalt  }
0x42: {  	_ =	shalt  }
0x43: {  	_ =	shalt  }
0x44: {  	_ =	shalt  }
0x45: {  	_ =	shalt  }
0x46: {  	_ =	shalt  }
0x47: {  	_ =	shalt  }
0x48: {  	_ =	shalt  }
0x49: {  	_ =	shalt  }
0x4a: {  	_ =	shalt  }
0x4b: {  	_ =	shalt  }
0x4c: {  	_ =	shalt  }
0x4d: {  	_ =	shalt  }
0x4e: {  	_ =	shalt  }
0x4f: {  	_ =	shalt  }
0x50: {  	_ =	shalt  }
0x51: {  	_ =	shalt  }
0x52: {  	_ =	shalt  }
0x53: {  	_ =	shalt  }
0x54: {  	_ =	shalt  }
0x55: {  	_ =	shalt  }
0x56: {  	_ =	shalt  }
0x57: {  	_ =	shalt  }
0x58: {  	_ =	shalt  }
0x59: {  	_ =	shalt  }
0x5a: {  	_ =	shalt  }
0x5b: {  	_ =	shalt  }
0x5c: {  	_ =	shalt  }
0x5d: {  	_ =	shalt  }
0x5e: {  	_ =	shalt  }
0x5f: {  	_ =	shalt  }
0x60: {  	_ =	shalt  }
0x61: {  	_ =	shalt  }
0x62: {  	_ =	shalt  }
0x63: {  	_ =	shalt  }
0x64: {  	_ =	shalt  }
0x65: {  	_ =	shalt  }
0x66: {  	_ =	shalt  }
0x67: {  	_ =	shalt  }
0x68: {  	_ =	shalt  }
0x69: {  	_ =	shalt  }
0x6a: {  	_ =	shalt  }
0x6b: {  	_ =	shalt  }
0x6c: {  	_ =	shalt  }
0x6d: {  	_ =	shalt  }
0x6e: {  	_ =	shalt  }
0x6f: {  	_ =	shalt  }
0x70: {  	_ =	shalt  }
0x71: {  	_ =	shalt  }
0x72: {  	_ =	shalt  }
0x73: {  	_ =	shalt  }
0x74: {  	_ =	shalt  }
0x75: {  	_ =	shalt  }
0x76: {  	_ =	shalt  }
0x77: {  	_ =	shalt  }
0x78: {  	_ =	shalt  }
0x79: {  	_ =	shalt  }
0x7a: {  	_ =	shalt  }
0x7b: {  	_ =	shalt  }
0x7c: {  	_ =	shalt  }
0x7d: {  	_ =	shalt  }
0x7e: {  	_ =	shalt  }
0x7f: {  	_ =	shalt  }
0x80: {  	_ =	shalt  }
0x81: {  	_ =	shalt  }
0x82: {  	_ =	shalt  }
0x83: {  	_ =	shalt  }
0x84: {  	_ =	shalt  }
0x85: {  	_ =	shalt  }
0x86: {  	_ =	shalt  }
0x87: {  	_ =	shalt  }
.Lfunc_end0:
.L_simem_size_0:
called_computation_lowered:
.L_overlay_start_0:
0x88: {  	s2 =	sld [smem:$0x3FD9]  }
0x89: {  	s3 =	sld [smem:$0x3FFE];
	_ =	sdelay $0x1  }
0x8a: {  	s1 =	srdreg.scid  }
0x8b: {  	s0 =	sand.u32 $0x1, s1  }
0x8c: {  	s17 =	sshll.u32 s0, $0xA;
	s2 =	sadd.s32 s3, s2  }
0x8d: {  	s2 =	sadd.s32 s2, s17  }
0x8e: {  	[smem:$0x3FBF] =	sst s2  }
0x8f: {  	_ = 	snop  }
0x90: {  	s2 =	sld [smem:$0x3FD0];
	(tm) =	ssettm $0x1  }
0x91: {  	s18 =	sld [smem:$0x3FFB];
	_ =	sdelay $0x3  }
0x92: {  	_ =	strace s18  }
0x93: {  	s3 =	sld [smem:$0x3FFC];
	_ =	sdelay $0x3  }
0x94: {  	_ =	strace s3  }
0x95: {  	s3 =	sld [smem:$0x3FFD];
	_ =	sdelay $0x3  }
0x96: {  	_ =	strace s3  }
0x97: {  	_ =	strace $0x8FFFFFFF  }
0x98: {  	s19 =	sld [smem:$0x3FDB];
	_ =	sdelay $0x1  }
0x99: {  	s4 =	simm.s32 $_scs_section_size  }
0x9a: {  	s5 =	simm.s32 $_size__tile_overlayer_lowered;
	s6 =	simm.s32 $_tile_overlayer_lowered  }
0x9b: {  	s22 =	simm.s32 $0x1BFF;
	s21 =	sshll.u32 s6, $0x1;
	s3 =	sadd.s32 s4, s19  }
0x9c: {  	s7 =	simm.s32 $0x0;
	s20 =	sshll.u32 s5, $0x1;
	s5 =	sadd.s32 s21, s3  }
0x9d: {  	[timem:s7], [sflag:s22] =	dma.local [hbm:s5], s20  }
0x9e: {  	_ =	swait.ge [sflag:s22], s20  }
0x9f: {  	s4 =	ssub.s32 $0x0, s20;
	[sflag:s22] =	ssyncset.done $0x0  }
0xa0: {  	[sflag:s22] =	ssyncadd.s32 s4;
	_ =	sdelay $0x1  }
0xa1: {  	s23 =	simm.s32 $0x1B8B  }
0xa2: {  	_ =	swait.ge [sflag:s23], $0x1  }
0xa3: {  	[sflag:s23] =	ssyncset.done $0x0  }
0xa4: {  	s25 =	simm.s32 $0x1B8E;
	s24 =	sld [smem:$0x3FFE];
	[sflag:s23] =	ssyncadd.s32 $0xFFFFFFFF  }
0xa5: {  	s26 =	simm.s32 $execute0_lowered;
	[smem:$0x3FD2] =	sst s25  }
0xa6: {  	s5 =	sshll.u32 s26, $0x1;
	_ =	strace $0x80000046;
	[dreg:$0x1] =	wrdreg $0xFFFFFFFF  }
0xa7: {  	s28 =	simm.s32 $_size_execute0_lowered;
	s3 =	sadd.s32 s3, s5;
	[dreg:$0x0] =	wrdreg $0x0  }
0xa8: {  	s5 =	sshll.u32 s28, $0x1;
	[dreg:$0x2] =	wrdreg s3  }
0xa9: {  	[dreg:$0x3] =	wrdreg s5  }
0xaa: {  	[dreg:$0x4] =	wrdreg $0xC0  }
0xab: {  	_ =	task [dreg:s7], $0x5FFFF  }
0xac: {  	[dreg:$0x1] =	wrdreg $0xFFFFFFFF  }
0xad: {  	[dreg:$0x0] =	wrdreg $0x60  }
0xae: {  	[dreg:$0x2] =	wrdreg s24  }
0xaf: {  	[dreg:$0x3] =	wrdreg s2  }
0xb0: {  	[dreg:$0x4] =	wrdreg $0x0  }
0xb1: {  	[dreg:$0x5] =	wrdreg $0x140000  }
0xb2: {  	[dreg:$0x6] =	wrdreg $0x142800  }
0xb3: {  	[dreg:$0x7] =	wrdreg $0x145000  }
0xb4: {  	[dreg:$0x8] =	wrdreg $0x9  }
0xb5: {  	_ =	task.clear_ibuf [dreg:s7], $0x9FFFF;
	_ =	strace $0x90000046  }
0xb6: {  	s29 =	simm.s32 $0x9;
	_ =	strace $0x80000048  }
0xb7: {  	_ =	swait.ge [sflag:s29], $0x1  }
0xb8: {  	[sflag:s29] =	ssyncadd.s32 $0xFFFFFFFF  }
0xb9: {  	_ =	strace $0x90000048  }
0xba: {  	_ =	sfence  }
0xbb: {  	s30 =	sld [smem:$0x0];
	_ =	sdelay $0x2  }
0xbc: {  	s31 =	sshll.u32 s1, $0xD;
	s1 =	sshrl.u32 s1, $0x2  }
0xbd: {  	s3 =	sand.u32 $0x4000, s31;
	s1 =	sadd.s32 s1, s30  }
0xbe: {  	s0 =	sor.u32 s3, s0;
	s1 =	sshll.u32 s1, $0x11  }
0xbf: {  	s0 =	sor.u32 s1, s0  }
0xc0: {  	s0 =	sadd.s32 $0x8F2B, s0  }
0xc1: {  	[sflag:s0] =	ssyncadd.remote.s32 $0x1  }
0xc2: {  	_ =	sfence.sel $0xFFFF  }
0xc3: {  	[dreg:$0x0] =	wrdreg $0xFFFFFFFF;
	(pc) =	sbr.abs _section_cstart, $3  }
0xc4: {  	[dreg:$0x1] =	wrdreg $0xFFFFFFFF  }
0xc5: {  	_ =	task.clear_ibuf [dreg:s7], $0x2FFFF;
	_ =	strace $0x9FFFFFFF  }
0xc6: {  	(tm) =	ssettm $0x7FFFFFFF  }
0xc7: {  	_ =	shalt  }
tec
execute0_lowered:
.L_overlay_start_1:
0x0: {  	(tag) =	ssettag $0x1  }
0x1: {  	s0 =	rddreg [dreg:$0x0]  }
0x2: {  	s4 =	rddreg [dreg:$0x1]  }
0x3: {  	s1 =	rddreg [dreg:$0x2]  }
0x4: {  	s2 =	rddreg [dreg:$0x3]  }
0x5: {  	s3 =	rddreg [dreg:$0x4]  }
0x6: {  	s5 =	srdreg.scid;
	s23 =	stileid.u32;
	s7 =	simm.s32 $0x0  }
0x7: {  	s30 =	simm.s32 $0x1DC80;
	s28 =	simm.s32 $0x2;
	s6 =	smul.u32 $0x500, s23  }
0x8: {  	s5 =	sand.u32 $0x1, s5;
	[smem:$0x7FF] =	sst s7;
	s10 =	smul.u32 $0x14000, s23  }
0x9: {  	s8 =	sadd.s32 $0x36000, s0;
	s12 =	smul.u32 $0x280, s23;
	s14 =	sshll.u32 s5, $0x7  }
0xa: {  	s7 =	smul.u32 $0x140000, s5;
	s9 =	ssub.s32 $0x2, s5;
	s5 =	sshll.u32 s5, $0x4  }
0xb: {  	s6 =	sor.u32 s14, s6;
	s11 =	sshrl.u32 s9, $0x1;
	s5 =	sor.u32 s23, s5  }
0xc: {  	s17 =	sshll.u32 s12, $0x7;
	s9 =	ssub.s32 s9, s11;
	s15 =	sshll.u32 s5, $0xB  }
0xd: {  	s10 =	sadd.s32 s7, s10;
	s11 =	sadd.s32 $0x5000, s17;
	s14 =	sadd.s32 $0x7800, s17  }
0xe: {  	s21 =	sadd.s32 $0xC800, s17;
	s22 =	sadd.s32 $0xF000, s17;
	s6 =	sshrl.u32 s6, $0x3  }
0xf: {  	s4 =	sadd.s32 s4, s15;
	s16 =	sshrl.u32 s10, $0x3;
	s15 =	sadd.s32 $0xA000, s17  }
0x10: {  	s10 =	sadd.s32 $0x11800, s17;
	s19 =	sadd.s32 s7, s14;
	s29 =	sadd.s32 s7, s22  }
0x11: {  	s6 =	sadd.s32 s6, s0;
	s9 =	smax.u32 s9, $0x1;
	[dreg:$0x7] =	wrdreg s4  }
0x12: {  	s4 =	sadd.s32 s8, s16;
	s16 =	sadd.s32 s7, s11;
	s20 =	sadd.s32 s7, s15  }
0x13: {  	s31 =	sshrl.u32 s29, $0x3;
	[dreg:$0x8] =	wrdreg s4;
	s4 =	sor.u32 $0x2800, s17  }
0x14: {  	s16 =	sshrl.u32 s16, $0x3;
	s17 =	sadd.s32 s7, s21;
	s24 =	sshrl.u32 s20, $0x3  }
0x15: {  	s13 =	sadd.s32 s7, s4;
	s18 =	sadd.s32 s8, s16;
	s25 =	sshrl.u32 s17, $0x3  }
0x16: {  	s7 =	sadd.s32 s7, s10;
	s16 =	sadd.s32 s8, s31;
	[dreg:$0xa] =	wrdreg s18  }
0x17: {  	s13 =	sshrl.u32 s13, $0x3;
	s26 =	sadd.s32 s8, s25;
	[dreg:$0xe] =	wrdreg s16  }
0x18: {  	s7 =	sshrl.u32 s7, $0x3;
	s13 =	sadd.s32 s8, s13;
	[dreg:$0xd] =	wrdreg s26  }
0x19: {  	s7 =	sadd.s32 s8, s7;
	[dreg:$0x9] =	wrdreg s13;
	s13 =	sshrl.u32 s19, $0x3  }
0x1a: {  	s20 =	sadd.s32 $0x1600, s0;
	[dreg:$0xf] =	wrdreg s7;
	s13 =	sadd.s32 s8, s13  }
0x1b: {  	s17 =	sadd.s32 $0xB600, s0;
	[dreg:$0xb] =	wrdreg s13;
	s13 =	sadd.s32 s8, s24  }
0x1c: {  	s16 =	smul.u32 $0x2800, s5;
	s18 =	sadd.s32 $0x33600, s0;
	[dreg:$0xc] =	wrdreg s13  }
0x1d: {  	s26 =	sadd.s32 s12, s3;
	s8 =	sadd.s32 s12, s2;
	s13 =	rddreg [dreg:$0x5]  }
0x1e: {  	s24 =	sshrl.u32 s16, $0x3;
	_ =	strace $0x80000047;
	[dreg:$0x10] =	wrdreg s8  }
0x1f: {  	s19 =	sadd.s32 $0x33C00, s0;
	s0 =	sadd.s32 s20, s24;
	[dreg:$0x11] =	wrdreg s26  }
0x20: {  	s11 =	sadd.s32 s11, s1;
	s31 =	sadd.s32 $0x34200, s6;
	[dreg:$0x13] =	wrdreg s0  }
0x21: {  	s25 =	smul.u32 $0x50000, s23;
	s7 =	sadd.s32 $0x34C00, s6;
	[dreg:$0x14] =	wrdreg s31  }
0x22: {  	s23 =	sadd.s32 s4, s1;
	s5 =	simm.s32 $0x6;
	[dreg:$0x15] =	wrdreg s7  }
0x23: {  	s29 =	sshrl.u32 s25, $0x2;
	s25 =	sadd.s32 s15, s1;
	[dreg:$0x17] =	wrdreg s9  }
0x24: {  	s15 =	simm.s32 $0x1D900;
	s24 =	sadd.s32 s14, s1;
	[dreg:$0x19] =	wrdreg s23  }
0x25: {  	s14 =	simm.s32 $0x50;
	s12 =	sadd.s32 s12, s13;
	[dreg:$0x1b] =	wrdreg s24  }
0x26: {  	s8 =	sadd.s32 $0x35600, s6;
	s0 =	sadd.s32 s29, s1;
	[dreg:$0x1c] =	wrdreg s25  }
0x27: {  	s26 =	sadd.s32 s21, s1;
	s29 =	sadd.s32 s22, s1;
	[dreg:$0x1a] =	wrdreg s11  }
0x28: {  	s31 =	sadd.s32 s10, s1;
	s9 =	simm.s32 $0xD;
	[dreg:$0x16] =	wrdreg s8  }
0x29: {  	s24 =	simm.s32 $0x1D880;
	s25 =	simm.s32 $0x1D800;
	[dreg:$0x18] =	wrdreg s0  }
0x2a: {  	s21 =	simm.s32 $0x3;
	s22 =	simm.s32 $0x5;
	[dreg:$0x1d] =	wrdreg s26  }
0x2b: {  	s23 =	simm.s32 $0x7;
	s6 =	simm.s32 $0x8;
	[dreg:$0x1e] =	wrdreg s29  }
0x2c: {  	s7 =	simm.s32 $0x1DD00;
	[dreg:$0x1f] =	wrdreg s31;
	s26 =	simm.s32 $0x1AF80  }
0x2d: {  	v0 =	vimm.f32 $0.0e+00;
	v1 =	vimm.f32 $1.000000000e+00;
	s0 =	simm.s32 $0x4;
	s8 =	simm.s32 $0x0;
	[dreg:$0x12] =	wrdreg s12  }
.LBB2_1:
0x2e: {  	[smem:$0x7FD] =	sst s8  }
0x2f: {  	s4 =	simm.s32 $0x0;
	s31 =	rddreg [dreg:$0x7];
	s10 =	simm.s32 $0x14780  }
0x30: {  	[tilespmem:s10], [sflag:$0xD] =	stream.linear.gather [hbm4b:s31+s4], $0x4000, $0x38;
	[tilespmem:$0x1E200] =	vst v63  }
0x31: {  	_ =	swait.ge [sflag:s9], $0x4000  }
0x32: {  	[sflag:s9] =	ssyncset.done $0x0  }
0x33: {  	[sflag:s9] =	ssyncadd.s32 $0xFFFFC000  }
0x34: {  	[tilespmem:$0x1DF80] =	vst v0  }
0x35: {  	[tilespmem:$0x1DF90] =	vst v0  }
0x36: {  	[tilespmem:$0x1DFA0] =	vst v0  }
0x37: {  	[tilespmem:$0x1DFB0] =	vst v0  }
0x38: {  	[tilespmem:$0x1DFC0] =	vst v0  }
0x39: {  	[tilespmem:$0x1DFD0] =	vst v0  }
0x3a: {  	[tilespmem:$0x1DFE0] =	vst v0  }
0x3b: {  	[tilespmem:$0x1DFF0] =	vst v0  }
0x3c: {  	[tilespmem:$0x1E000] =	vst v0  }
0x3d: {  	[tilespmem:$0x1E010] =	vst v0  }
0x3e: {  	[tilespmem:$0x1E020] =	vst v0  }
0x3f: {  	[tilespmem:$0x1E030] =	vst v0  }
0x40: {  	[tilespmem:$0x1E040] =	vst v0  }
0x41: {  	[tilespmem:$0x1E050] =	vst v0  }
0x42: {  	[tilespmem:$0x1E060] =	vst v0  }
0x43: {  	[tilespmem:$0x1E070] =	vst v0  }
0x44: {  	[tilespmem:$0x1E080] =	vst v0  }
0x45: {  	[tilespmem:$0x1E090] =	vst v0  }
0x46: {  	[tilespmem:$0x1E0A0] =	vst v0  }
0x47: {  	[tilespmem:$0x1E0B0] =	vst v0  }
0x48: {  	[tilespmem:$0x1E0C0] =	vst v0  }
0x49: {  	[tilespmem:$0x1E0D0] =	vst v0  }
0x4a: {  	[tilespmem:$0x1E0E0] =	vst v0  }
0x4b: {  	[tilespmem:$0x1E0F0] =	vst v0  }
0x4c: {  	[tilespmem:$0x1E100] =	vst v0  }
0x4d: {  	[tilespmem:$0x1E110] =	vst v0  }
0x4e: {  	[tilespmem:$0x1E120] =	vst v0  }
0x4f: {  	[tilespmem:$0x1E130] =	vst v0  }
0x50: {  	[tilespmem:$0x1E140] =	vst v0  }
0x51: {  	[tilespmem:$0x1E150] =	vst v0  }
0x52: {  	[tilespmem:$0x1E160] =	vst v0  }
0x53: {  	[tilespmem:$0x1E170] =	vst v0  }
0x54: {  	[tilespmem:$0x1E180] =	vst v0  }
0x55: {  	[tilespmem:$0x1E190] =	vst v0  }
0x56: {  	[tilespmem:$0x1E1A0] =	vst v0  }
0x57: {  	[tilespmem:$0x1E1B0] =	vst v0  }
0x58: {  	[tilespmem:$0x1E1C0] =	vst v0  }
0x59: {  	[tilespmem:$0x1E1D0] =	vst v0  }
0x5a: {  	[tilespmem:$0x1E1E0] =	vst v0  }
0x5b: {  	s8 =	simm.s32 $0x200;
	s4 =	simm.s32 $0x0;
	[tilespmem:$0x1E1F0] =	vst v0  }
.LBB2_2:
0x5c: {  	p0 =	sne.s32 s8, $0x9E00;
	[tilespmem:s4+$0x187F0] =	vst v0  }
0x5d: {  	[tilespmem:s4+$0x18780] =	vst v0  }
0x5e: {  	[tilespmem:s4+$0x18790] =	vst v0  }
.Ltmp0:
0x5f: {  	[tilespmem:s4+$0x187A0] =	vst v0;
	(pc) =	sbr.rel @p0 .LBB2_2-.Ltmp0, $4  }
0x60: {  	[tilespmem:s4+$0x187B0] =	vst v0  }
0x61: {  	[tilespmem:s4+$0x187C0] =	vst v0  }
0x62: {  	[tilespmem:s4+$0x187D0] =	vst v0  }
0x63: {  	[tilespmem:s4+$0x187E0] =	vst v0;
	s4 =	sshra.s32 s8, $0x2;
	s8 =	sadd.s32 $0x200, s8  }
0x64: {  	[tilespmem:s4+$0x187F0] =	vst v0  }
0x65: {  	[tilespmem:s4+$0x18780] =	vst v0  }
0x66: {  	[tilespmem:s4+$0x18790] =	vst v0  }
0x67: {  	[tilespmem:s4+$0x187A0] =	vst v0  }
0x68: {  	[tilespmem:s4+$0x187B0] =	vst v0  }
0x69: {  	[tilespmem:s4+$0x187C0] =	vst v0  }
0x6a: {  	[tilespmem:s4+$0x187D0] =	vst v0  }
0x6b: {  	[tilespmem:s4+$0x187E0] =	vst v0;
	s8 =	rddreg [dreg:$0x10];
	s31 =	simm.s32 $0x1DF80  }
0x6c: {  	[spmem:s8] =	stream.linear.scatter [tilespmem:s31], [sflag:$0xD], $0x280, $0x38;
	[tilespmem:$0x1E200] =	vst v63  }
0x6d: {  	_ =	swait.ge [sflag:s9], $0x280  }
0x6e: {  	[sflag:s9] =	ssyncset.done $0x0  }
0x6f: {  	s10 =	rddreg [dreg:$0x11];
	[sflag:s9] =	ssyncadd.s32 $0xFFFFFD80  }
0x70: {  	[spmem:s10] =	stream.linear.scatter [tilespmem:s31], [sflag:$0xD], $0x280, $0x38;
	[tilespmem:$0x1E200] =	vst v63  }
0x71: {  	_ =	swait.ge [sflag:s9], $0x280  }
0x72: {  	[sflag:s9] =	ssyncset.done $0x0  }
0x73: {  	[sflag:s9] =	ssyncadd.s32 $0xFFFFFD80  }
0x74: {  	[spmem:s12] =	stream.linear.scatter [tilespmem:s31], [sflag:$0xD], $0x280, $0x38;
	[tilespmem:$0x1E200] =	vst v63  }
0x75: {  	_ =	swait.ge [sflag:s9], $0x280  }
0x76: {  	[sflag:s9] =	ssyncset.done $0x0  }
0x77: {  	s8 =	simm.s32 $0x18780;
	s31 =	rddreg [dreg:$0x18];
	[sflag:s9] =	ssyncadd.s32 $0xFFFFFD80  }
0x78: {  	[spmem:s31] =	stream.linear.scatter [tilespmem:s8], [sflag:$0xD], $0x2800, $0x38;
	[tilespmem:$0x1E200] =	vst v63  }
0x79: {  	_ =	swait.ge [sflag:s9], $0x2800  }
0x7a: {  	[sflag:s9] =	ssyncset.done $0x0  }
0x7b: {  	s10 =	rddreg [dreg:$0x19];
	[sflag:s9] =	ssyncadd.s32 $0xFFFFD800  }
0x7c: {  	[spmem:s10] =	stream.linear.scatter [tilespmem:s8], [sflag:$0xD], $0x2800, $0x38;
	[tilespmem:$0x1E200] =	vst v63  }
0x7d: {  	_ =	swait.ge [sflag:s9], $0x2800  }
0x7e: {  	[sflag:s9] =	ssyncset.done $0x0  }
0x7f: {  	[sflag:s9] =	ssyncadd.s32 $0xFFFFD800  }
0x80: {  	[spmem:s11] =	stream.linear.scatter [tilespmem:s8], [sflag:$0xD], $0x2800, $0x38;
	[tilespmem:$0x1E200] =	vst v63  }
0x81: {  	_ =	swait.ge [sflag:s9], $0x2800  }
0x82: {  	[sflag:s9] =	ssyncset.done $0x0  }
0x83: {  	s12 =	rddreg [dreg:$0x1b];
	[sflag:s9] =	ssyncadd.s32 $0xFFFFD800  }
0x84: {  	[spmem:s12] =	stream.linear.scatter [tilespmem:s8], [sflag:$0xD], $0x2800, $0x38;
	[tilespmem:$0x1E200] =	vst v63  }
0x85: {  	_ =	swait.ge [sflag:s9], $0x2800  }
0x86: {  	[sflag:s9] =	ssyncset.done $0x0  }
0x87: {  	s31 =	rddreg [dreg:$0x1c];
	[sflag:s9] =	ssyncadd.s32 $0xFFFFD800  }
0x88: {  	[spmem:s31] =	stream.linear.scatter [tilespmem:s8], [sflag:$0xD], $0x2800, $0x38;
	[tilespmem:$0x1E200] =	vst v63  }
0x89: {  	_ =	swait.ge [sflag:s9], $0x2800  }
0x8a: {  	[sflag:s9] =	ssyncset.done $0x0  }
0x8b: {  	s10 =	rddreg [dreg:$0x1d];
	[sflag:s9] =	ssyncadd.s32 $0xFFFFD800  }
0x8c: {  	[spmem:s10] =	stream.linear.scatter [tilespmem:s8], [sflag:$0xD], $0x2800, $0x38;
	[tilespmem:$0x1E200] =	vst v63  }
0x8d: {  	_ =	swait.ge [sflag:s9], $0x2800  }
0x8e: {  	[sflag:s9] =	ssyncset.done $0x0  }
0x8f: {  	s11 =	rddreg [dreg:$0x1e];
	[sflag:s9] =	ssyncadd.s32 $0xFFFFD800  }
0x90: {  	[spmem:s11] =	stream.linear.scatter [tilespmem:s8], [sflag:$0xD], $0x2800, $0x38;
	[tilespmem:$0x1E200] =	vst v63  }
0x91: {  	_ =	swait.ge [sflag:s9], $0x2800  }
0x92: {  	[sflag:s9] =	ssyncset.done $0x0  }
0x93: {  	s12 =	rddreg [dreg:$0x1f];
	[sflag:s9] =	ssyncadd.s32 $0xFFFFD800  }
0x94: {  	[spmem:s12] =	stream.linear.scatter [tilespmem:s8], [sflag:$0xD], $0x2800, $0x38;
	[tilespmem:$0x1E200] =	vst v63  }
0x95: {  	_ =	swait.ge [sflag:s9], $0x2800  }
0x96: {  	[sflag:s9] =	ssyncset.done $0x0  }
0x97: {  	[sflag:s9] =	ssyncadd.s32 $0xFFFFD800  }
0x98: {  	[bflag:$0x0] =	sbarrier.arrive $0xFFFF  }
0x99: {  	v2 =	vld [tilespmem:$0x14780];
	_ =	sdelay $0x1  }
0x9a: {  	v3 =	vld [tilespmem:$0x14790];
	_ =	sdelay $0x1  }
0x9b: {  	v4 =	vld [tilespmem:$0x147A0]  }
0x9c: {  	v5 =	vand.u32 $0x3FFF, v2  }
0x9d: {  	v63 =	vld [tilespmem:$0x147B0];
	v2 =	vshrl.u32 v2, $0xE;
	[tilespmem:$0x1D780] =	vst v5  }
0x9e: {  	[tilespmem:$0x1D880] =	vst v2;
	v2 =	vand.u32 $0x3FFF, v3  }
0x9f: {  	[tilespmem:$0x1D790] =	vst v2;
	v2 =	vshrl.u32 v3, $0xE;
	v3 =	vld [tilespmem:$0x147C0]  }
0xa0: {  	[tilespmem:$0x1D890] =	vst v2;
	v2 =	vand.u32 $0x3FFF, v4  }
0xa1: {  	[tilespmem:$0x1D7A0] =	vst v2;
	v2 =	vshrl.u32 v4, $0xE  }
0xa2: {  	[tilespmem:$0x1D8A0] =	vst v2;
	v2 =	vand.u32 $0x3FFF, v63  }
0xa3: {  	[tilespmem:$0x1D7B0] =	vst v2;
	v2 =	vshrl.u32 v63, $0xE  }
0xa4: {  	[tilespmem:$0x1D8B0] =	vst v2;
	v2 =	vand.u32 $0x3FFF, v3  }
0xa5: {  	[tilespmem:$0x1D7C0] =	vst v2;
	v2 =	vshrl.u32 v3, $0xE  }
0xa6: {  	s31 =	simm.s32 $0x1D780;
	[tilespmem:$0x1D8C0] =	vst v2  }
0xa7: {  	[tilespmem:s8], [sflag:$0x1] =	stream.indirect.gather [hbm4b:s17+s14], $0x80, s31, s14, $0xb8;
	[tilespmem:$0x1E200] =	vst v63  }
0xa8: {  	s10 =	simm.s32 $0x1D980  }
0xa9: {  	[tilespmem:s10], [sflag:$0x3] =	stream.indirect.gather [hbm4b:s18+s14], $0x1, s31, s14, $0xb8;
	[tilespmem:$0x1E200] =	vst v63  }
0xaa: {  	s11 =	simm.s32 $0x1DA80  }
0xab: {  	[tilespmem:s11], [sflag:$0x5] =	stream.indirect.gather [hbm4b:s19+s14], $0x1, s24, s14, $0xb8;
	[tilespmem:$0x1E200] =	vst v63  }
0xac: {  	s29 =	simm.s32 $0x0;
	s12 =	rddreg [dreg:$0x13];
	s31 =	simm.s32 $0x1DB80  }
0xad: {  	[tilespmem:s31], [sflag:$0x7] =	stream.linear.gather [hbm4b:s12+s29], $0x50, $0x38;
	[tilespmem:$0x1E200] =	vst v63  }
.LBB2_4:
0xae: {  	p0 =	seq.s32 s29, $0x0  }
0xaf: {  	s4 =	simm.s32 @!p0 $0xC  }
0xb0: {  	_ =	swait.ge @!p0 [sflag:s4], $0x2800  }
0xb1: {  	[sflag:s4] =	ssyncset.done @!p0 $0x0  }
0xb2: {  	[sflag:s4] =	ssyncadd.s32 @!p0 $0xFFFFD800;
	s4 =	simm.s32 @!p0 $0xA  }
0xb3: {  	_ =	swait.ge @!p0 [sflag:s4], $0x50  }
0xb4: {  	[sflag:s4] =	ssyncset.done @!p0 $0x0  }
0xb5: {  	[sflag:s4] =	ssyncadd.s32 @!p0 $0xFFFFFFB0  }
0xb6: {  	_ =	swait.ge @!p0 [sflag:s4], $0x50  }
0xb7: {  	[sflag:s4] =	ssyncset.done @!p0 $0x0  }
0xb8: {  	[sflag:s4] =	ssyncadd.s32 @!p0 $0xFFFFFFB0  }
0xb9: {  	s8 =	sshllo.u32 s29, $0x1;
	_ =	swait.ge @!p0 [sflag:s4], $0x50  }
0xba: {  	s10 =	sshll.u32 s8, $0x7;
	[sflag:s4] =	ssyncset.done @!p0 $0x0  }
0xbb: {  	s10 =	sand.u32 $0x3FFFFF80, s10;
	[sflag:s4] =	ssyncadd.s32 @!p0 $0xFFFFFFB0  }
0xbc: {  	v2 =	vld [tilespmem:s10+$0x14780];
	_ =	sdelay $0x4  }
0xbd: {  	v3 =	vand.u32 $0x3FFF, v2  }
0xbe: {  	v2 =	vshrl.u32 v2, $0xE;
	[tilespmem:$0x1D800] =	vst v3  }
0xbf: {  	[tilespmem:$0x1D900] =	vst v2  }
0xc0: {  	v2 =	vld [tilespmem:s10+$0x14790];
	_ =	sdelay $0x4  }
0xc1: {  	v3 =	vand.u32 $0x3FFF, v2  }
0xc2: {  	v2 =	vshrl.u32 v2, $0xE;
	[tilespmem:$0x1D810] =	vst v3  }
0xc3: {  	[tilespmem:$0x1D910] =	vst v2  }
0xc4: {  	v2 =	vld [tilespmem:s10+$0x147A0];
	_ =	sdelay $0x4  }
0xc5: {  	v3 =	vand.u32 $0x3FFF, v2  }
0xc6: {  	v2 =	vshrl.u32 v2, $0xE;
	[tilespmem:$0x1D820] =	vst v3  }
0xc7: {  	[tilespmem:$0x1D920] =	vst v2  }
0xc8: {  	v2 =	vld [tilespmem:s10+$0x147B0];
	_ =	sdelay $0x4  }
0xc9: {  	v3 =	vand.u32 $0x3FFF, v2  }
0xca: {  	v2 =	vshrl.u32 v2, $0xE;
	[tilespmem:$0x1D830] =	vst v3  }
0xcb: {  	[tilespmem:$0x1D930] =	vst v2  }
0xcc: {  	v2 =	vld [tilespmem:s10+$0x147C0];
	_ =	sdelay $0x4  }
0xcd: {  	v3 =	vand.u32 $0x3FFF, v2  }
0xce: {  	v2 =	vshrl.u32 v2, $0xE;
	[tilespmem:$0x1D840] =	vst v3  }
0xcf: {  	s12 =	smul.u32 $0x50, s8;
	[tilespmem:$0x1D940] =	vst v2  }
0xd0: {  	[tilespmem:s26], [sflag:$0x2] =	stream.indirect.gather [hbm4b:s17+s14], $0x80, s25, s14, $0xb8;
	[tilespmem:$0x1E200] =	vst v63  }
0xd1: {  	s11 =	simm.s32 $0x1DA00;
	s4 =	sadd.s32 s16, s12  }
0xd2: {  	[tilespmem:s11], [sflag:$0x4] =	stream.indirect.gather [hbm4b:s18+s14], $0x1, s25, s14, $0xb8;
	[tilespmem:$0x1E200] =	vst v63  }
0xd3: {  	s4 =	sshrl.u32 s4, $0x3;
	s10 =	simm.s32 $0x1DB00  }
0xd4: {  	[tilespmem:s10], [sflag:$0x6] =	stream.indirect.gather [hbm4b:s19+s14], $0x1, s15, s14, $0xb8;
	[tilespmem:$0x1E200] =	vst v63  }
0xd5: {  	s12 =	simm.s32 $0x1DC00;
	s4 =	sadd.s32 s20, s4;
	s11 =	simm.s32 $0x0  }
0xd6: {  	[tilespmem:s12], [sflag:$0x8] =	stream.linear.gather [hbm4b:s4+s11], $0x50, $0x38;
	[tilespmem:$0x1E200] =	vst v63  }
0xd7: {  	_ =	swait.ge [sflag:s21], $0x50  }
0xd8: {  	[sflag:s21] =	ssyncset.done $0x0  }
0xd9: {  	[sflag:s21] =	ssyncadd.s32 $0xFFFFFFB0  }
0xda: {  	_ =	swait.ge [sflag:s22], $0x50  }
0xdb: {  	[sflag:s22] =	ssyncset.done $0x0  }
0xdc: {  	[sflag:s22] =	ssyncadd.s32 $0xFFFFFFB0  }
0xdd: {  	_ =	swait.ge [sflag:s23], $0x50  }
0xde: {  	[sflag:s23] =	ssyncset.done $0x0  }
0xdf: {  	[sflag:s23] =	ssyncadd.s32 $0xFFFFFFB0  }
0xe0: {  	v2 =	vld [tilespmem:$0x1D780]  }
0xe1: {  	v3 =	vld [tilespmem:$0x1D880]  }
0xe2: {  	v4 =	vld [tilespmem:$0x1DB80]  }
0xe3: {  	v5 =	vld [tilespmem:$0x1D980]  }
0xe4: {  	v6 =	vld [tilespmem:$0x1DA80]  }
0xe5: {  	v7 =	vld [tilespmem:$0x1D790]  }
0xe6: {  	v8 =	vld [tilespmem:$0x1D890]  }
0xe7: {  	v9 =	vld [tilespmem:$0x1DB90]  }
0xe8: {  	v10 =	vld [tilespmem:$0x1D990]  }
0xe9: {  	v11 =	vld [tilespmem:$0x1DA90]  }
0xea: {  	v12 =	vld [tilespmem:$0x1D7A0]  }
0xeb: {  	v13 =	vld [tilespmem:$0x1D8A0]  }
0xec: {  	v14 =	vld [tilespmem:$0x1DBA0]  }
0xed: {  	v15 =	vld [tilespmem:$0x1D9A0]  }
0xee: {  	v16 =	vld [tilespmem:$0x1D7B0];
	v5 =	vadd.f32 v6, v5  }
0xef: {  	v6 =	vld [tilespmem:$0x1DAA0]  }
0xf0: {  	v17 =	vld [tilespmem:$0x1D8B0];
	v5 =	vadd.f32 v5, v4  }
0xf1: {  	v54 =	vld [tilespmem:$0x1DAB0];
	vm0 =	veq.s32 v2, v3  }
0xf2: {  	v2 =	vadd.f32 v11, v10;
	v3 =	vld [tilespmem:$0x1D9B0];
	v5 =	vsel vm0, $0xCE6E6B28, v5  }
0xf3: {  	vm1 =	veq.s32 v7, v8;
	v7 =	vld [tilespmem:$0x1D9C0];
	v55 =	vmul.f32 $2.000000030e-01, v5  }
0xf4: {  	v8 =	vld [tilespmem:$0x1DAC0];
	v2 =	vadd.f32 v2, v9;
	vm2 =	vgt.f32 v5, $0.0e+00;
	v6 =	vadd.f32 v6, v15  }
0xf5: {  	v18 =	vld [tilespmem:$0x1DBB0];
	v5 =	vsel vm2, v5, v55  }
0xf6: {  	v58 =	vld [tilespmem:$0x1DBC0];
	v2 =	vsel vm1, $0xCE6E6B28, v2;
	v6 =	vadd.f32 v6, v14;
	v5 =	vmul.f32 $1.442695020e+00, v5  }
0xf7: {  	v57 =	vld [tilespmem:$0x1D7C0];
	vm12 =	veq.s32 v12, v13;
	v56 =	vmul.f32 $2.000000030e-01, v2;
	vm3 =	vgt.f32 v2, $0.0e+00  }
0xf8: {  	v3 =	vadd.f32 v54, v3;
	(erf) = vpow2.f32 v5;
	v5 =	vsel vm12, $0xCE6E6B28, v6;
	v6 =	vld [tilespmem:$0x1D8C0]  }
0xf9: {  	v7 =	vadd.f32 v8, v7;
	v2 =	vsel vm3, v2, v56;
	v59 =	vmul.f32 $2.000000030e-01, v5  }
0xfa: {  	v3 =	vadd.f32 v3, v18;
	v2 =	vmul.f32 $1.442695020e+00, v2;
	vm4 =	vgt.f32 v5, $0.0e+00  }
0xfb: {  	vm13 =	veq.s32 v16, v17;
	v7 =	vadd.f32 v7, v58;
	v5 =	vsel vm4, v5, v59  }
0xfc: {  	(erf) = vpow2.f32 v2;
	v2 =	vsel vm13, $0xCE6E6B28, v3;
	v3 =	vmul.f32 $1.442695020e+00, v5  }
0xfd: {  	v5 =	vmul.f32 $2.000000030e-01, v2;
	vm14 =	veq.s32 v57, v6  }
0xfe: {  	vm5 =	vgt.f32 v2, $0.0e+00;
	(erf) = vpow2.f32 v3;
	v3 =	vsel vm14, $0xCE6E6B28, v7  }
0xff: {  	v2 =	vsel vm5, v2, v5;
	v5 =	vmul.f32 $2.000000030e-01, v3;
	_ =	sdelay $0x1  }
0x100: {  	v2 =	vmul.f32 $1.442695020e+00, v2  }
0x101: {  	v6 =	vsel vm0, $0x0, v1;
	vm15 =	vgt.f32 v3, $0.0e+00  }
0x102: {  	v3 =	vsel vm15, v3, v5;
	v5 =	vpop (erf);
	(erf) = vpow2.f32 v2;
	v2 =	vmul.f32 v6, v4;
	_ =	sdelay $0x1  }
0x103: {  	[tilespmem:$0x1DD80] =	vst v6;
	v3 =	vmul.f32 $1.442695020e+00, v3  }
0x104: {  	[tilespmem:$0x1DC80] =	vst v5  }
0x105: {  	v4 =	vsel vm1, $0x0, v1;
	[tilespmem:$0x1DE80] =	vst v2;
	v2 =	vpop (erf);
	(erf) = vpow2.f32 v3  }
0x106: {  	[tilespmem:$0x1DD90] =	vst v4  }
0x107: {  	v3 =	vsel vm12, $0x0, v1;
	[tilespmem:$0x1DC90] =	vst v2;
	v2 =	vmul.f32 v4, v9  }
0x108: {  	[tilespmem:$0x1DDA0] =	vst v3  }
0x109: {  	v4 =	vpop (erf);
	[tilespmem:$0x1DE90] =	vst v2;
	v2 =	vmul.f32 v3, v14  }
0x10a: {  	[tilespmem:$0x1DCA0] =	vst v4  }
0x10b: {  	v3 =	vpop (erf);
	[tilespmem:$0x1DEA0] =	vst v2;
	v2 =	vsel vm13, $0x0, v1  }
0x10c: {  	[tilespmem:$0x1DCB0] =	vst v3;
	v3 =	vmul.f32 v2, v18  }
0x10d: {  	[tilespmem:$0x1DDB0] =	vst v2  }
0x10e: {  	[tilespmem:$0x1DEB0] =	vst v3;
	v3 =	vsel vm14, $0x0, v1;
	v2 =	vpop (erf)  }
0x10f: {  	[tilespmem:$0x1DCC0] =	vst v2;
	v2 =	vmul.f32 v3, v58  }
0x110: {  	[tilespmem:$0x1DDC0] =	vst v3  }
0x111: {  	s11 =	simm.s32 $0x0;
	[tilespmem:$0x1DEC0] =	vst v2  }
0x112: {  	[spmem:s2] =	stream.indirect.scatter.add.f32 [tilespmem:s30], [sflag:$0x9], $0x1, s24, s14, $0xb8;
	[tilespmem:$0x1E200] =	vst v63  }
0x113: {  	s8 =	simm.s32 $0x1DD80;
	v2 =	vmov s11  }
0x114: {  	v2 =	vand.u32 $0xFFFFFFFE, v2;
	[spmem:s13] =	stream.indirect.scatter.add.f32 [tilespmem:s8], [sflag:$0x9], $0x1, s24, s14, $0xb8;
	[tilespmem:$0x1E200] =	vst v63  }
0x115: {  	s10 =	simm.s32 $0x1DE80;
	s12 =	simm.s32 $0x1;
	v3 =	vbroadcast v2, $0x0  }
0x116: {  	[spmem:s3] =	stream.indirect.scatter.add.f32 [tilespmem:s10], [sflag:$0x9], $0x1, s24, s14, $0xb8;
	[tilespmem:$0x1E200] =	vst v63  }
0x117: {  	_ =	swait.ge [sflag:s12], $0x2800  }
0x118: {  	[sflag:s12] =	ssyncset.done $0x0  }
0x119: {  	s10 =	simm.s32 $0x18800;
	[sflag:s12] =	ssyncadd.s32 $0xFFFFD800  }
0x11a: {  	v6 =	vld [tilespmem:s10+$0xFFFFFFF0]  }
0x11b: {  	v7 =	vld.idx.msk [tilespmem:v3+s30+$0x0], $0xffff  }
0x11c: {  	v8 =	vld [tilespmem:s10+$0xFFFFFF80]  }
0x11d: {  	v60 =	vld [tilespmem:s10+$0xFFFFFFA0]  }
0x11e: {  	v5 =	vld [tilespmem:s10+$0xFFFFFFB0]  }
0x11f: {  	v4 =	vld [tilespmem:s10+$0xFFFFFFD0]  }
0x120: {  	v61 =	vld [tilespmem:s10+$0xFFFFFFE0];
	v6 =	vmul.f32 v6, v7  }
0x121: {  	v62 =	vld [tilespmem:s10+$0xFFFFFF90];
	v8 =	vmul.f32 v8, v7  }
0x122: {  	v63 =	vld [tilespmem:s10+$0xFFFFFFC0];
	v9 =	vmul.f32 v60, v7;
	[tilespmem:s10+$0xFFFFFFF0] =	vst v6  }
0x123: {  	v5 =	vmul.f32 v5, v7;
	[tilespmem:s10+$0xFFFFFF80] =	vst v8  }
0x124: {  	v4 =	vmul.f32 v4, v7;
	[tilespmem:s10+$0xFFFFFFA0] =	vst v9  }
0x125: {  	v6 =	vmul.f32 v61, v7;
	[tilespmem:s10+$0xFFFFFFB0] =	vst v5;
	v8 =	vmov s12  }
0x126: {  	v2 =	vld [tilespmem:s10+$0x0];
	v5 =	vmul.f32 v62, v7;
	[tilespmem:s10+$0xFFFFFFD0] =	vst v4  }
0x127: {  	v3 =	vld [tilespmem:s10+$0x10];
	v4 =	vmul.f32 v63, v7;
	[tilespmem:s10+$0xFFFFFFE0] =	vst v6  }
0x128: {  	[tilespmem:s10+$0xFFFFFF90] =	vst v5;
	v6 =	vld [tilespmem:s10+$0x20]  }
0x129: {  	[tilespmem:s10+$0xFFFFFFC0] =	vst v4;
	v5 =	vld [tilespmem:s10+$0x70]  }
0x12a: {  	s31 =	sshll.u32 s29, $0x1;
	s8 =	simm.s32 $0x18800;
	s12 =	simm.s32 $0x3;
	v4 =	vld.idx.msk [tilespmem:v8+s30+$0x0], $0xffff  }
.LBB2_5:
0x12b: {  	p0 =	sne.s32 s12, $0x4F  }
0x12c: {  	v7 =	vld [tilespmem:s10+$0x50];
	s8 =	sadd.s32 $0x100, s8;
	s4 =	smov.u32 s12;
	s12 =	sadd.s32 $0x2, s12  }
0x12d: {  	v8 =	vld [tilespmem:s10+$0x30]  }
0x12e: {  	v9 =	vld [tilespmem:s10+$0x40]  }
0x12f: {  	v10 =	vld [tilespmem:s10+$0x60];
	_ =	sdelay $0x1  }
0x130: {  	v2 =	vmul.f32 v2, v4;
	v3 =	vmul.f32 v3, v4  }
0x131: {  	s11 =	sadd.s32 $0xFFFFFFFF, s4;
	v6 =	vmul.f32 v6, v4;
	v8 =	vmul.f32 v8, v4  }
0x132: {  	v11 =	vmov s11;
	v7 =	vmul.f32 v7, v4;
	[tilespmem:s10+$0x0] =	vst v2;
	v9 =	vmul.f32 v9, v4  }
0x133: {  	v11 =	vand.u32 $0xFFFFFFFE, v11;
	v2 =	vld [tilespmem:s8+$0x0];
	[tilespmem:s10+$0x20] =	vst v6;
	v6 =	vmul.f32 v10, v4;
	v4 =	vmul.f32 v5, v4  }
0x134: {  	v5 =	vbroadcast v11, $0x0;
	[tilespmem:s10+$0x10] =	vst v3  }
0x135: {  	[tilespmem:s10+$0x30] =	vst v8  }
0x136: {  	v8 =	vld [tilespmem:s8+$0xFFFFFFD0];
	[tilespmem:s10+$0x70] =	vst v4  }
0x137: {  	v4 =	vld [tilespmem:s8+$0xFFFFFFB0];
	[tilespmem:s10+$0x50] =	vst v7  }
0x138: {  	v7 =	vld [tilespmem:s8+$0xFFFFFFE0];
	[tilespmem:s10+$0x60] =	vst v6  }
0x139: {  	v6 =	vld [tilespmem:s8+$0xFFFFFFF0];
	[tilespmem:s10+$0x40] =	vst v9;
	s10 =	smov.u32 s8  }
0x13a: {  	v5 =	vld.idx.msk [tilespmem:v5+s30+$0x0], $0xffff  }
0x13b: {  	v9 =	vld [tilespmem:s8+$0xFFFFFF80]  }
0x13c: {  	v10 =	vld [tilespmem:s8+$0xFFFFFFA0]  }
0x13d: {  	v11 =	vld [tilespmem:s8+$0xFFFFFF90]  }
0x13e: {  	v12 =	vld [tilespmem:s8+$0xFFFFFFC0]  }
0x13f: {  	v3 =	vld [tilespmem:s8+$0x10]  }
0x140: {  	v6 =	vmul.f32 v6, v5;
	v9 =	vmul.f32 v9, v5  }
0x141: {  	v7 =	vmul.f32 v7, v5;
	v10 =	vmul.f32 v10, v5  }
0x142: {  	v4 =	vmul.f32 v4, v5;
	v11 =	vmul.f32 v11, v5;
	[tilespmem:s8+$0xFFFFFFF0] =	vst v6  }
0x143: {  	[tilespmem:s8+$0xFFFFFF80] =	vst v9;
	v9 =	vmul.f32 v12, v5;
	v5 =	vmul.f32 v8, v5  }
0x144: {  	[tilespmem:s8+$0xFFFFFFA0] =	vst v10  }
0x145: {  	[tilespmem:s8+$0xFFFFFFB0] =	vst v4;
	v4 =	vmov s4  }
.Ltmp1:
0x146: {  	[tilespmem:s8+$0xFFFFFFD0] =	vst v5;
	(pc) =	sbr.rel @p0 .LBB2_5-.Ltmp1, $4  }
0x147: {  	[tilespmem:s8+$0xFFFFFFE0] =	vst v7  }
0x148: {  	[tilespmem:s8+$0xFFFFFF90] =	vst v11;
	v6 =	vld [tilespmem:s8+$0x20]  }
0x149: {  	[tilespmem:s8+$0xFFFFFFC0] =	vst v9;
	v5 =	vld [tilespmem:s8+$0x70]  }
0x14a: {  	v4 =	vld.idx.msk [tilespmem:v4+s30+$0x0], $0xffff  }
0x14b: {  	_ =	sdelay $0x2  }
0x14c: {  	v7 =	vld [tilespmem:s10+$0x30]  }
0x14d: {  	v8 =	vld [tilespmem:s10+$0x50];
	v2 =	vmul.f32 v2, v4  }
0x14e: {  	v9 =	vld [tilespmem:s10+$0x60];
	v6 =	vmul.f32 v6, v4  }
0x14f: {  	v10 =	vld [tilespmem:s10+$0x40];
	v3 =	vmul.f32 v3, v4;
	[tilespmem:s10+$0x0] =	vst v2  }
0x150: {  	v5 =	vmul.f32 v5, v4;
	[tilespmem:s10+$0x20] =	vst v6  }
0x151: {  	v2 =	vmul.f32 v7, v4;
	[tilespmem:s10+$0x10] =	vst v3  }
0x152: {  	v3 =	vmul.f32 v8, v4;
	[tilespmem:s10+$0x70] =	vst v5  }
0x153: {  	[tilespmem:s10+$0x30] =	vst v2;
	v2 =	vmul.f32 v9, v4  }
0x154: {  	v4 =	vmul.f32 v10, v4;
	[tilespmem:s10+$0x50] =	vst v3  }
0x155: {  	[tilespmem:s10+$0x60] =	vst v2  }
0x156: {  	s4 =	simm.s32 $0x18780;
	p0 =	seq.s32 s29, $0x3F;
	[tilespmem:s10+$0x40] =	vst v4  }
0x157: {  	[spmem:s1] =	stream.indirect.scatter.add.f32 [tilespmem:s4], [sflag:$0xB], $0x80, s24, s14, $0xb8;
	[tilespmem:$0x1E200] =	vst v63  }
0x158: {  	s4 =	simm.s32 @!p0 $0xB  }
0x159: {  	_ =	swait.ge @!p0 [sflag:s4], $0x2800  }
0x15a: {  	[sflag:s4] =	ssyncset.done @!p0 $0x0  }
0x15b: {  	[sflag:s4] =	ssyncadd.s32 @!p0 $0xFFFFD800;
	s4 =	simm.s32 @!p0 $0x9  }
0x15c: {  	_ =	swait.ge @!p0 [sflag:s4], $0x50  }
0x15d: {  	[sflag:s4] =	ssyncset.done @!p0 $0x0  }
0x15e: {  	[sflag:s4] =	ssyncadd.s32 @!p0 $0xFFFFFFB0  }
0x15f: {  	_ =	swait.ge @!p0 [sflag:s4], $0x50  }
0x160: {  	[sflag:s4] =	ssyncset.done @!p0 $0x0  }
0x161: {  	[sflag:s4] =	ssyncadd.s32 @!p0 $0xFFFFFFB0  }
0x162: {  	s8 =	sadd.s32 @!p0 $0x2, s31;
	_ =	swait.ge @!p0 [sflag:s4], $0x50  }
0x163: {  	s10 =	sshll.u32 @!p0 s8, $0x7;
	[sflag:s4] =	ssyncset.done @!p0 $0x0  }
0x164: {  	[sflag:s4] =	ssyncadd.s32 @!p0 $0xFFFFFFB0;
	s4 =	sand.u32 @!p0 $0x3FFFFF80, s10  }
0x165: {  	v2 =	vld @!p0 [tilespmem:s4+$0x14780];
	_ =	sdelay $0x4  }
0x166: {  	v3 =	vand.u32 @!p0 $0x3FFF, v2  }
0x167: {  	v2 =	vshrl.u32 @!p0 v2, $0xE;
	[tilespmem:$0x1D780] =	vst @!p0 v3  }
0x168: {  	[tilespmem:$0x1D880] =	vst @!p0 v2  }
0x169: {  	v2 =	vld @!p0 [tilespmem:s4+$0x14790];
	_ =	sdelay $0x4  }
0x16a: {  	v3 =	vand.u32 @!p0 $0x3FFF, v2  }
0x16b: {  	v2 =	vshrl.u32 @!p0 v2, $0xE;
	[tilespmem:$0x1D790] =	vst @!p0 v3  }
0x16c: {  	[tilespmem:$0x1D890] =	vst @!p0 v2  }
0x16d: {  	v2 =	vld @!p0 [tilespmem:s4+$0x147A0];
	_ =	sdelay $0x4  }
0x16e: {  	v3 =	vand.u32 @!p0 $0x3FFF, v2  }
0x16f: {  	v2 =	vshrl.u32 @!p0 v2, $0xE;
	[tilespmem:$0x1D7A0] =	vst @!p0 v3  }
0x170: {  	[tilespmem:$0x1D8A0] =	vst @!p0 v2  }
0x171: {  	v2 =	vld @!p0 [tilespmem:s4+$0x147B0];
	_ =	sdelay $0x4  }
0x172: {  	v3 =	vand.u32 @!p0 $0x3FFF, v2  }
0x173: {  	v2 =	vshrl.u32 @!p0 v2, $0xE;
	[tilespmem:$0x1D7B0] =	vst @!p0 v3  }
0x174: {  	[tilespmem:$0x1D8B0] =	vst @!p0 v2  }
0x175: {  	v2 =	vld @!p0 [tilespmem:s4+$0x147C0];
	_ =	sdelay $0x4  }
0x176: {  	v3 =	vand.u32 @!p0 $0x3FFF, v2  }
0x177: {  	v2 =	vshrl.u32 @!p0 v2, $0xE;
	[tilespmem:$0x1D7C0] =	vst @!p0 v3  }
0x178: {  	s11 =	simm.s32 @!p0 $0x18780;
	s10 =	simm.s32 @!p0 $0x1D780;
	s4 =	simm.s32 @!p0 $0x50;
	[tilespmem:$0x1D8C0] =	vst @!p0 v2  }
0x179: {  	[tilespmem:s11], [sflag:$0x1] =	stream.indirect.gather @!p0 [hbm4b:s17+s4], $0x80, s10, s4, $0xb8;
	[tilespmem:$0x1E200] =	vst v63  }
0x17a: {  	s11 =	simm.s32 @!p0 $0x1D980  }
0x17b: {  	[tilespmem:s11], [sflag:$0x3] =	stream.indirect.gather @!p0 [hbm4b:s18+s4], $0x1, s10, s4, $0xb8;
	[tilespmem:$0x1E200] =	vst v63  }
0x17c: {  	s8 =	smul.u32 @!p0 $0x50, s8;
	s10 =	simm.s32 @!p0 $0x1D880;
	s11 =	simm.s32 @!p0 $0x1DA80  }
0x17d: {  	[tilespmem:s11], [sflag:$0x5] =	stream.indirect.gather @!p0 [hbm4b:s19+s4], $0x1, s10, s4, $0xb8;
	[tilespmem:$0x1E200] =	vst v63  }
0x17e: {  	s4 =	sadd.s32 @!p0 s16, s8  }
0x17f: {  	s4 =	sshrl.u32 @!p0 s4, $0x3  }
0x180: {  	s8 =	simm.s32 @!p0 $0x0;
	s10 =	simm.s32 @!p0 $0x1DB80;
	s4 =	sadd.s32 @!p0 s20, s4  }
0x181: {  	[tilespmem:s10], [sflag:$0x7] =	stream.linear.gather @!p0 [hbm4b:s4+s8], $0x50, $0x38;
	[tilespmem:$0x1E200] =	vst v63  }
0x182: {  	_ =	swait.ge [sflag:s0], $0x50  }
0x183: {  	[sflag:s0] =	ssyncset.done $0x0  }
0x184: {  	[sflag:s0] =	ssyncadd.s32 $0xFFFFFFB0  }
0x185: {  	_ =	swait.ge [sflag:s5], $0x50  }
0x186: {  	[sflag:s5] =	ssyncset.done $0x0  }
0x187: {  	[sflag:s5] =	ssyncadd.s32 $0xFFFFFFB0  }
0x188: {  	_ =	swait.ge [sflag:s6], $0x50  }
0x189: {  	[sflag:s6] =	ssyncset.done $0x0  }
0x18a: {  	[sflag:s6] =	ssyncadd.s32 $0xFFFFFFB0  }
0x18b: {  	v2 =	vld [tilespmem:$0x1D800]  }
0x18c: {  	v3 =	vld [tilespmem:$0x1D900]  }
0x18d: {  	v4 =	vld [tilespmem:$0x1DC00]  }
0x18e: {  	v5 =	vld [tilespmem:$0x1DA00]  }
0x18f: {  	v6 =	vld [tilespmem:$0x1DB00]  }
0x190: {  	v7 =	vld [tilespmem:$0x1D810]  }
0x191: {  	v8 =	vld [tilespmem:$0x1D910]  }
0x192: {  	v52 =	vld [tilespmem:$0x1DC10]  }
0x193: {  	v53 =	vld [tilespmem:$0x1DA10]  }
0x194: {  	v11 =	vld [tilespmem:$0x1DB10]  }
0x195: {  	v12 =	vld [tilespmem:$0x1D820]  }
0x196: {  	v13 =	vld [tilespmem:$0x1D920]  }
0x197: {  	v14 =	vld [tilespmem:$0x1DC20]  }
0x198: {  	v15 =	vld [tilespmem:$0x1DA20]  }
0x199: {  	v16 =	vld [tilespmem:$0x1D830];
	v5 =	vadd.f32 v6, v5  }
0x19a: {  	v6 =	vld [tilespmem:$0x1DB20]  }
0x19b: {  	v17 =	vld [tilespmem:$0x1D930];
	v5 =	vadd.f32 v5, v4  }
0x19c: {  	v54 =	vld [tilespmem:$0x1DB30];
	vm0 =	veq.s32 v2, v3  }
0x19d: {  	v2 =	vadd.f32 v11, v53;
	v3 =	vld [tilespmem:$0x1DA30];
	v5 =	vsel vm0, $0xCE6E6B28, v5  }
0x19e: {  	vm1 =	veq.s32 v7, v8;
	v7 =	vld [tilespmem:$0x1DA40];
	v55 =	vmul.f32 $2.000000030e-01, v5  }
0x19f: {  	v8 =	vld [tilespmem:$0x1DB40];
	v2 =	vadd.f32 v2, v52;
	vm2 =	vgt.f32 v5, $0.0e+00;
	v6 =	vadd.f32 v6, v15  }
0x1a0: {  	v18 =	vld [tilespmem:$0x1DC30];
	v5 =	vsel vm2, v5, v55  }
0x1a1: {  	v58 =	vld [tilespmem:$0x1DC40];
	v2 =	vsel vm1, $0xCE6E6B28, v2;
	v6 =	vadd.f32 v6, v14;
	v5 =	vmul.f32 $1.442695020e+00, v5  }
0x1a2: {  	v57 =	vld [tilespmem:$0x1D840];
	vm12 =	veq.s32 v12, v13;
	v56 =	vmul.f32 $2.000000030e-01, v2;
	vm3 =	vgt.f32 v2, $0.0e+00  }
0x1a3: {  	v3 =	vadd.f32 v54, v3;
	(erf) = vpow2.f32 v5;
	v5 =	vsel vm12, $0xCE6E6B28, v6;
	v6 =	vld [tilespmem:$0x1D940]  }
0x1a4: {  	v7 =	vadd.f32 v8, v7;
	v2 =	vsel vm3, v2, v56;
	v59 =	vmul.f32 $2.000000030e-01, v5  }
0x1a5: {  	v3 =	vadd.f32 v3, v18;
	v2 =	vmul.f32 $1.442695020e+00, v2;
	vm4 =	vgt.f32 v5, $0.0e+00  }
0x1a6: {  	vm13 =	veq.s32 v16, v17;
	v7 =	vadd.f32 v7, v58;
	v5 =	vsel vm4, v5, v59  }
0x1a7: {  	(erf) = vpow2.f32 v2;
	v2 =	vsel vm13, $0xCE6E6B28, v3;
	v3 =	vmul.f32 $1.442695020e+00, v5  }
0x1a8: {  	v5 =	vmul.f32 $2.000000030e-01, v2;
	vm14 =	veq.s32 v57, v6  }
0x1a9: {  	vm5 =	vgt.f32 v2, $0.0e+00;
	(erf) = vpow2.f32 v3;
	v3 =	vsel vm14, $0xCE6E6B28, v7  }
0x1aa: {  	v2 =	vsel vm5, v2, v5;
	v5 =	vmul.f32 $2.000000030e-01, v3;
	_ =	sdelay $0x1  }
0x1ab: {  	v2 =	vmul.f32 $1.442695020e+00, v2  }
0x1ac: {  	v6 =	vsel vm0, $0x0, v1;
	vm15 =	vgt.f32 v3, $0.0e+00  }
0x1ad: {  	v3 =	vsel vm15, v3, v5;
	v5 =	vpop (erf);
	(erf) = vpow2.f32 v2;
	v2 =	vmul.f32 v6, v4;
	_ =	sdelay $0x1  }
0x1ae: {  	[tilespmem:$0x1DE00] =	vst v6;
	v3 =	vmul.f32 $1.442695020e+00, v3  }
0x1af: {  	[tilespmem:$0x1DD00] =	vst v5  }
0x1b0: {  	v4 =	vsel vm1, $0x0, v1;
	[tilespmem:$0x1DF00] =	vst v2;
	v2 =	vpop (erf);
	(erf) = vpow2.f32 v3  }
0x1b1: {  	[tilespmem:$0x1DE10] =	vst v4  }
0x1b2: {  	v3 =	vsel vm12, $0x0, v1;
	[tilespmem:$0x1DD10] =	vst v2;
	v2 =	vmul.f32 v4, v52  }
0x1b3: {  	[tilespmem:$0x1DE20] =	vst v3  }
0x1b4: {  	v4 =	vpop (erf);
	[tilespmem:$0x1DF10] =	vst v2;
	v2 =	vmul.f32 v3, v14  }
0x1b5: {  	[tilespmem:$0x1DD20] =	vst v4  }
0x1b6: {  	v3 =	vpop (erf);
	[tilespmem:$0x1DF20] =	vst v2;
	v2 =	vsel vm13, $0x0, v1  }
0x1b7: {  	[tilespmem:$0x1DD30] =	vst v3;
	v3 =	vmul.f32 v2, v18  }
0x1b8: {  	[tilespmem:$0x1DE30] =	vst v2  }
0x1b9: {  	[tilespmem:$0x1DF30] =	vst v3;
	v3 =	vsel vm14, $0x0, v1;
	v2 =	vpop (erf)  }
0x1ba: {  	[tilespmem:$0x1DD40] =	vst v2;
	v2 =	vmul.f32 v3, v58  }
0x1bb: {  	[tilespmem:$0x1DE40] =	vst v3  }
0x1bc: {  	s11 =	simm.s32 $0x0;
	[tilespmem:$0x1DF40] =	vst v2  }
0x1bd: {  	[spmem:s2] =	stream.indirect.scatter.add.f32 [tilespmem:s7], [sflag:$0xA], $0x1, s15, s14, $0xb8;
	[tilespmem:$0x1E200] =	vst v63  }
0x1be: {  	s10 =	simm.s32 $0x1DE00;
	v2 =	vmov s11  }
0x1bf: {  	v2 =	vand.u32 $0xFFFFFFFE, v2;
	[spmem:s13] =	stream.indirect.scatter.add.f32 [tilespmem:s10], [sflag:$0xA], $0x1, s15, s14, $0xb8;
	[tilespmem:$0x1E200] =	vst v63  }
0x1c0: {  	s12 =	simm.s32 $0x1DF00;
	v3 =	vbroadcast v2, $0x0  }
0x1c1: {  	[spmem:s3] =	stream.indirect.scatter.add.f32 [tilespmem:s12], [sflag:$0xA], $0x1, s15, s14, $0xb8;
	[tilespmem:$0x1E200] =	vst v63  }
0x1c2: {  	_ =	swait.ge [sflag:s28], $0x2800  }
0x1c3: {  	[sflag:s28] =	ssyncset.done $0x0  }
0x1c4: {  	s10 =	simm.s32 $0x1B000;
	[sflag:s28] =	ssyncadd.s32 $0xFFFFD800  }
0x1c5: {  	v6 =	vld [tilespmem:s10+$0xFFFFFFF0]  }
0x1c6: {  	v7 =	vld.idx.msk [tilespmem:v3+s7+$0x0], $0xffff  }
0x1c7: {  	v8 =	vld [tilespmem:s10+$0xFFFFFF80]  }
0x1c8: {  	v60 =	vld [tilespmem:s10+$0xFFFFFFA0]  }
0x1c9: {  	v5 =	vld [tilespmem:s10+$0xFFFFFFB0]  }
0x1ca: {  	v4 =	vld [tilespmem:s10+$0xFFFFFFD0]  }
0x1cb: {  	v61 =	vld [tilespmem:s10+$0xFFFFFFE0];
	v6 =	vmul.f32 v6, v7  }
0x1cc: {  	v62 =	vld [tilespmem:s10+$0xFFFFFF90];
	v8 =	vmul.f32 v8, v7  }
0x1cd: {  	v63 =	vld [tilespmem:s10+$0xFFFFFFC0];
	v9 =	vmul.f32 v60, v7;
	[tilespmem:s10+$0xFFFFFFF0] =	vst v6  }
0x1ce: {  	v5 =	vmul.f32 v5, v7;
	[tilespmem:s10+$0xFFFFFF80] =	vst v8  }
0x1cf: {  	s31 =	simm.s32 $0x1;
	v4 =	vmul.f32 v4, v7;
	[tilespmem:s10+$0xFFFFFFA0] =	vst v9  }
0x1d0: {  	v6 =	vmul.f32 v61, v7;
	[tilespmem:s10+$0xFFFFFFB0] =	vst v5;
	v8 =	vmov s31  }
0x1d1: {  	v2 =	vld [tilespmem:s10+$0x0];
	v5 =	vmul.f32 v62, v7;
	[tilespmem:s10+$0xFFFFFFD0] =	vst v4  }
0x1d2: {  	v3 =	vld [tilespmem:s10+$0x10];
	v4 =	vmul.f32 v63, v7;
	[tilespmem:s10+$0xFFFFFFE0] =	vst v6  }
0x1d3: {  	[tilespmem:s10+$0xFFFFFF90] =	vst v5;
	v6 =	vld [tilespmem:s10+$0x20]  }
0x1d4: {  	[tilespmem:s10+$0xFFFFFFC0] =	vst v4;
	v5 =	vld [tilespmem:s10+$0x70]  }
0x1d5: {  	s8 =	simm.s32 $0x1B000;
	s12 =	simm.s32 $0x3;
	v4 =	vld.idx.msk [tilespmem:v8+s7+$0x0], $0xffff  }
.LBB2_7:
0x1d6: {  	p0 =	sne.s32 s12, $0x4F  }
0x1d7: {  	v7 =	vld [tilespmem:s10+$0x50];
	s8 =	sadd.s32 $0x100, s8;
	s4 =	smov.u32 s12;
	s12 =	sadd.s32 $0x2, s12  }
0x1d8: {  	v8 =	vld [tilespmem:s10+$0x30]  }
0x1d9: {  	v9 =	vld [tilespmem:s10+$0x40]  }
0x1da: {  	v10 =	vld [tilespmem:s10+$0x60];
	_ =	sdelay $0x1  }
0x1db: {  	v2 =	vmul.f32 v2, v4;
	v3 =	vmul.f32 v3, v4  }
0x1dc: {  	s11 =	sadd.s32 $0xFFFFFFFF, s4;
	v6 =	vmul.f32 v6, v4;
	v8 =	vmul.f32 v8, v4  }
0x1dd: {  	v11 =	vmov s11;
	v7 =	vmul.f32 v7, v4;
	[tilespmem:s10+$0x0] =	vst v2;
	v9 =	vmul.f32 v9, v4  }
0x1de: {  	v11 =	vand.u32 $0xFFFFFFFE, v11;
	v2 =	vld [tilespmem:s8+$0x0];
	[tilespmem:s10+$0x20] =	vst v6;
	v6 =	vmul.f32 v10, v4;
	v4 =	vmul.f32 v5, v4  }
0x1df: {  	v5 =	vbroadcast v11, $0x0;
	[tilespmem:s10+$0x10] =	vst v3  }
0x1e0: {  	[tilespmem:s10+$0x30] =	vst v8  }
0x1e1: {  	v8 =	vld [tilespmem:s8+$0xFFFFFFD0];
	[tilespmem:s10+$0x70] =	vst v4  }
0x1e2: {  	v4 =	vld [tilespmem:s8+$0xFFFFFFB0];
	[tilespmem:s10+$0x50] =	vst v7  }
0x1e3: {  	v7 =	vld [tilespmem:s8+$0xFFFFFFE0];
	[tilespmem:s10+$0x60] =	vst v6  }
0x1e4: {  	v6 =	vld [tilespmem:s8+$0xFFFFFFF0];
	[tilespmem:s10+$0x40] =	vst v9;
	s10 =	smov.u32 s8  }
0x1e5: {  	v5 =	vld.idx.msk [tilespmem:v5+s7+$0x0], $0xffff  }
0x1e6: {  	v9 =	vld [tilespmem:s8+$0xFFFFFF80]  }
0x1e7: {  	v10 =	vld [tilespmem:s8+$0xFFFFFFA0]  }
0x1e8: {  	v11 =	vld [tilespmem:s8+$0xFFFFFF90]  }
0x1e9: {  	v12 =	vld [tilespmem:s8+$0xFFFFFFC0]  }
0x1ea: {  	v3 =	vld [tilespmem:s8+$0x10]  }
0x1eb: {  	v6 =	vmul.f32 v6, v5;
	v9 =	vmul.f32 v9, v5  }
0x1ec: {  	v7 =	vmul.f32 v7, v5;
	v10 =	vmul.f32 v10, v5  }
0x1ed: {  	v4 =	vmul.f32 v4, v5;
	v11 =	vmul.f32 v11, v5;
	[tilespmem:s8+$0xFFFFFFF0] =	vst v6  }
0x1ee: {  	[tilespmem:s8+$0xFFFFFF80] =	vst v9;
	v9 =	vmul.f32 v12, v5;
	v5 =	vmul.f32 v8, v5  }
0x1ef: {  	[tilespmem:s8+$0xFFFFFFA0] =	vst v10  }
0x1f0: {  	[tilespmem:s8+$0xFFFFFFB0] =	vst v4;
	v4 =	vmov s4  }
.Ltmp2:
0x1f1: {  	[tilespmem:s8+$0xFFFFFFD0] =	vst v5;
	(pc) =	sbr.rel @p0 .LBB2_7-.Ltmp2, $4  }
0x1f2: {  	[tilespmem:s8+$0xFFFFFFE0] =	vst v7  }
0x1f3: {  	[tilespmem:s8+$0xFFFFFF90] =	vst v11;
	v6 =	vld [tilespmem:s8+$0x20]  }
0x1f4: {  	[tilespmem:s8+$0xFFFFFFC0] =	vst v9;
	v5 =	vld [tilespmem:s8+$0x70]  }
0x1f5: {  	v4 =	vld.idx.msk [tilespmem:v4+s7+$0x0], $0xffff  }
0x1f6: {  	_ =	sdelay $0x2  }
0x1f7: {  	v10 =	vld [tilespmem:s10+$0x40]  }
0x1f8: {  	v7 =	vld [tilespmem:s10+$0x30];
	v2 =	vmul.f32 v2, v4  }
0x1f9: {  	v8 =	vld [tilespmem:s10+$0x50];
	v6 =	vmul.f32 v6, v4  }
0x1fa: {  	v9 =	vld [tilespmem:s10+$0x60];
	v3 =	vmul.f32 v3, v4;
	[tilespmem:s10+$0x0] =	vst v2  }
0x1fb: {  	v5 =	vmul.f32 v5, v4;
	[tilespmem:s10+$0x20] =	vst v6  }
0x1fc: {  	s29 =	sadd.s32 $0x1, s29;
	v63 =	vmul.f32 v10, v4;
	[tilespmem:s10+$0x10] =	vst v3  }
0x1fd: {  	p0 =	sne.s32 s29, $0x40;
	v2 =	vmul.f32 v7, v4;
	[tilespmem:s10+$0x70] =	vst v5  }
.Ltmp3:
0x1fe: {  	v3 =	vmul.f32 v8, v4;
	[tilespmem:s10+$0x40] =	vst v63;
	(pc) =	sbr.rel @p0 .LBB2_4-.Ltmp3, $4  }
0x1ff: {  	[tilespmem:s10+$0x30] =	vst v2;
	v2 =	vmul.f32 v9, v4  }
0x200: {  	[tilespmem:s10+$0x50] =	vst v3  }
0x201: {  	[tilespmem:s10+$0x60] =	vst v2  }
0x202: {  	[spmem:s1] =	stream.indirect.scatter.add.f32 [tilespmem:s26], [sflag:$0xC], $0x80, s15, s14, $0xb8;
	[tilespmem:$0x1E200] =	vst v63  }
0x203: {  	s4 =	simm.s32 $0xC  }
0x204: {  	_ =	swait.ge [sflag:s4], $0x2800  }
0x205: {  	[sflag:s4] =	ssyncset.done $0x0  }
0x206: {  	s31 =	simm.s32 $0xA;
	[sflag:s4] =	ssyncadd.s32 $0xFFFFD800  }
0x207: {  	_ =	swait.ge [sflag:s31], $0x50  }
0x208: {  	[sflag:s31] =	ssyncset.done $0x0  }
0x209: {  	[sflag:s31] =	ssyncadd.s32 $0xFFFFFFB0  }
0x20a: {  	_ =	swait.ge [sflag:s31], $0x50  }
0x20b: {  	[sflag:s31] =	ssyncset.done $0x0  }
0x20c: {  	[sflag:s31] =	ssyncadd.s32 $0xFFFFFFB0  }
0x20d: {  	_ =	swait.ge [sflag:s31], $0x50  }
0x20e: {  	[sflag:s31] =	ssyncset.done $0x0  }
0x20f: {  	s8 =	stileid.u32;
	[sflag:s31] =	ssyncadd.s32 $0xFFFFFFB0  }
0x210: {  	s11 =	simm.s32 $0x1;
	s4 =	sshll.u32 s8, $0x6;
	[bflag:$0x0] =	sbarrier.arrive $0xFFFF  }
0x211: {  	s29 =	simm.s32 $0x20;
	s4 =	sor.u32 $0x1C0D, s4;
	s8 =	rddreg [dreg:$0x10]  }
0x212: {  	s31 =	simm.s32 $0x10;
	s10 =	rddreg [dreg:$0x14];
	s8 =	sshrl.u32 s8, $0x3  }
0x213: {  	[hbm:s10@s29], [sflag:s4] =	dma.strided [spmem:s8@s31], $0x50, s11, $0x10   }
0x214: {  	_ =	swait.ge [sflag:s9], $0x50  }
0x215: {  	[sflag:s9] =	ssyncset.done $0x0;
	s10 =	rddreg [dreg:$0x11]  }
0x216: {  	s12 =	rddreg [dreg:$0x15];
	[sflag:s9] =	ssyncadd.s32 $0xFFFFFFB0;
	s8 =	sshrl.u32 s10, $0x3  }
0x217: {  	[hbm:s12@s29], [sflag:s4] =	dma.strided [spmem:s8@s31], $0x50, s11, $0x10   }
0x218: {  	_ =	swait.ge [sflag:s9], $0x50  }
0x219: {  	[sflag:s9] =	ssyncset.done $0x0;
	s12 =	rddreg [dreg:$0x12]  }
0x21a: {  	s10 =	rddreg [dreg:$0x16];
	[sflag:s9] =	ssyncadd.s32 $0xFFFFFFB0;
	s8 =	sshrl.u32 s12, $0x3  }
0x21b: {  	[hbm:s10@s29], [sflag:s4] =	dma.strided [spmem:s8@s31], $0x50, s11, $0x10   }
0x21c: {  	_ =	swait.ge [sflag:s9], $0x50  }
0x21d: {  	[sflag:s9] =	ssyncset.done $0x0;
	s29 =	rddreg [dreg:$0x18]  }
0x21e: {  	s31 =	rddreg [dreg:$0x8];
	[sflag:s9] =	ssyncadd.s32 $0xFFFFFFB0;
	s8 =	sshrl.u32 s29, $0x3  }
0x21f: {  	[hbm:s31], [sflag:s4] =	dma.local [spmem:s8], $0x500  }
0x220: {  	_ =	swait.ge [sflag:s9], $0x500  }
0x221: {  	[sflag:s9] =	ssyncset.done $0x0;
	s10 =	rddreg [dreg:$0x19]  }
0x222: {  	s11 =	rddreg [dreg:$0x9];
	[sflag:s9] =	ssyncadd.s32 $0xFFFFFB00;
	s8 =	sshrl.u32 s10, $0x3  }
0x223: {  	[hbm:s11], [sflag:s4] =	dma.local [spmem:s8], $0x500  }
0x224: {  	_ =	swait.ge [sflag:s9], $0x500  }
0x225: {  	[sflag:s9] =	ssyncset.done $0x0;
	s11 =	rddreg [dreg:$0x1a]  }
0x226: {  	s31 =	rddreg [dreg:$0xa];
	[sflag:s9] =	ssyncadd.s32 $0xFFFFFB00;
	s29 =	sshrl.u32 s11, $0x3  }
0x227: {  	[hbm:s31], [sflag:s4] =	dma.local [spmem:s29], $0x500  }
0x228: {  	_ =	swait.ge [sflag:s9], $0x500  }
0x229: {  	[sflag:s9] =	ssyncset.done $0x0;
	s29 =	rddreg [dreg:$0x1b]  }
0x22a: {  	s31 =	rddreg [dreg:$0xb];
	[sflag:s9] =	ssyncadd.s32 $0xFFFFFB00;
	s8 =	sshrl.u32 s29, $0x3  }
0x22b: {  	[hbm:s31], [sflag:s4] =	dma.local [spmem:s8], $0x500  }
0x22c: {  	_ =	swait.ge [sflag:s9], $0x500  }
0x22d: {  	[sflag:s9] =	ssyncset.done $0x0;
	s29 =	rddreg [dreg:$0x1c]  }
0x22e: {  	s31 =	rddreg [dreg:$0xc];
	[sflag:s9] =	ssyncadd.s32 $0xFFFFFB00;
	s8 =	sshrl.u32 s29, $0x3  }
0x22f: {  	[hbm:s31], [sflag:s4] =	dma.local [spmem:s8], $0x500  }
0x230: {  	_ =	swait.ge [sflag:s9], $0x500  }
0x231: {  	[sflag:s9] =	ssyncset.done $0x0;
	s29 =	rddreg [dreg:$0x1d]  }
0x232: {  	s31 =	rddreg [dreg:$0xd];
	[sflag:s9] =	ssyncadd.s32 $0xFFFFFB00;
	s8 =	sshrl.u32 s29, $0x3  }
0x233: {  	[hbm:s31], [sflag:s4] =	dma.local [spmem:s8], $0x500  }
0x234: {  	_ =	swait.ge [sflag:s9], $0x500  }
0x235: {  	[sflag:s9] =	ssyncset.done $0x0;
	s29 =	rddreg [dreg:$0x1e]  }
0x236: {  	s31 =	rddreg [dreg:$0xe];
	[sflag:s9] =	ssyncadd.s32 $0xFFFFFB00;
	s8 =	sshrl.u32 s29, $0x3  }
0x237: {  	[hbm:s31], [sflag:s4] =	dma.local [spmem:s8], $0x500  }
0x238: {  	_ =	swait.ge [sflag:s9], $0x500  }
0x239: {  	[sflag:s9] =	ssyncset.done $0x0;
	s29 =	rddreg [dreg:$0x1f]  }
0x23a: {  	s31 =	rddreg [dreg:$0xf];
	[sflag:s9] =	ssyncadd.s32 $0xFFFFFB00;
	s8 =	sshrl.u32 s29, $0x3  }
0x23b: {  	[hbm:s31], [sflag:s4] =	dma.local [spmem:s8], $0x500  }
0x23c: {  	_ =	swait.ge [sflag:s9], $0x500  }
0x23d: {  	s29 =	sld [smem:$0x7FD];
	_ =	sdelay $0x2  }
0x23e: {  	s31 =	rddreg [dreg:$0x17];
	s8 =	sadd.s32 $0x1, s29  }
0x23f: {  	p0 =	sne.s32 s8, s31  }
.Ltmp4:
0x240: {  	_ = 	snop;
	(pc) =	sbr.rel @p0 .LBB2_1-.Ltmp4, $3  }
0x241: {  	_ =	sdelay $0x1  }
0x242: {  	[sflag:s9] =	ssyncset.done $0x0  }
0x243: {  	[sflag:s9] =	ssyncadd.s32 $0xFFFFFB00  }
0x244: {  	_ =	sfence.sel $0x180000  }
0x245: {  	[bflag:$0x0] =	sbarrier.arrive $0xFFFF  }
0x246: {  	_ =	strace $0x90000047  }
0x247: {  	s0 =	stileid.u32;
	[bflag:$0x2] =	sbarrier.arrive $0xFFFF  }
0x248: {  	p0 =	sne.s32 s0, $0x0;
	s0 =	rddreg [dreg:$0x6]  }
0x249: {  	s0 =	sadd.s32 @!p0 $0x100000, s0  }
0x24a: {  	[sflag:s0] =	ssyncadd.tile.s32 @!p0 $0x1;
	_ =	shalt  }
.Lfunc_end2:
_tile_overlayer_lowered:
.L_overlay_start_2:
0x24b: {  	(tag) =	ssettag $0x2  }
0x24c: {  	s0 =	rddreg [dreg:$0x0];
	s2 =	stileid.u32  }
0x24d: {  	s1 =	rddreg [dreg:$0x1];
	p0 =	sne.s32 s2, $0x0  }
0x24e: {  	s3 =	rddreg [dreg:$0x2];
	[bflag:$0x3] =	sbarrier.arrive $0xFFFF;
	s2 =	simm.s32 @!p0 $0x1C0D  }
0x24f: {  	[timem:s3], [sflag:s2] =	dma.local @!p0 [hbm:s0], s1  }
0x250: {  	s0 =	simm.s32 @!p0 $0xD  }
0x251: {  	_ =	swait.ge @!p0 [sflag:s0], s1  }
0x252: {  	s1 =	ssub.s32 @!p0 $0x0, s1;
	[sflag:s0] =	ssyncset.done @!p0 $0x0  }
0x253: {  	[sflag:s0] =	ssyncadd.s32 @!p0 s1  }
0x254: {  	[bflag:$0x3] =	sbarrier.arrive $0xFFFF  }
0x255: {  	_ =	shalt  }

</sc_bundles>
